<compile_context>
chip_gen: v7x
topology: tpu7x:2x2x1
jax: 0.10.2.dev20260603
libtpu: 0.0.44.dev20260713+nightly
codegen_flags: <defaults>
</compile_context>

<pallas_src>
import functools

import jax
import jax.numpy as jnp
from jax import lax
from jax.experimental import pallas as pl
from jax.experimental.pallas import tpu as pltpu
from jax.experimental.pallas import tpu_sc as plsc

N = 10000
D = 128
E = 320000
NC = 2
NS = 16
EDGES_PER_TILE = E // (NC * NS)
WIN = 104
NWIN = EDGES_PER_TILE // WIN
TAIL = EDGES_PER_TILE - NWIN * WIN
TAIL_OFF = NWIN * WIN
CH = 624
LAST_START = CH * (NS - 1)
LAST = N - LAST_START
BN = 2000
GRID = N // BN

_mesh = plsc.VectorSubcoreMesh(
    core_axis_name="c", subcore_axis_name="s", num_cores=NC, num_subcores=NS
)


def _chunked_row_copy(s, copy_fn):

    @pl.when(s < NS - 1)
    def _():
        copy_fn(pl.ds(pl.multiple_of(s * CH, 8), CH), CH)

    @pl.when(s == NS - 1)
    def _():
        copy_fn(pl.ds(LAST_START, LAST), LAST)



@functools.partial(
    pl.kernel,
    out_type=[
        jax.ShapeDtypeStruct((N,), jnp.float32),
        jax.ShapeDtypeStruct((N,), jnp.float32),
    ],
    mesh=_mesh,
    scratch_types=[
        [pltpu.VMEM((WIN,), jnp.int32)] * 3,
        pltpu.VMEM((WIN,), jnp.float32),
        pltpu.VMEM((TAIL,), jnp.int32),
        pltpu.VMEM((TAIL,), jnp.float32),
        pltpu.VMEM((LAST,), jnp.float32),
        pltpu.VMEM_SHARED((N,), jnp.float32),
        [pltpu.SemaphoreType.DMA] * 3,
        [pltpu.SemaphoreType.DMA] * 3,
    ],
)
def _deg_sc(dst_hbm, ones_hbm, z1d_hbm, deg0_out, deg1_out,
            idx_v, ones_v, idx_t, ones_t, vbuf, acc, si, ss):
    c = lax.axis_index("c")
    s = lax.axis_index("s")

    def init_chunk(r, n):
        pltpu.sync_copy(z1d_hbm.at[r], vbuf.at[pl.ds(0, n)])
        pltpu.sync_copy(vbuf.at[pl.ds(0, n)], acc.at[r])

    _chunked_row_copy(s, init_chunk)
    pltpu.sync_copy(ones_hbm, ones_v)
    plsc.subcore_barrier()
    tile_base = (c * NS + s) * EDGES_PER_TILE

    def win_slice(w):
        return pl.ds(pl.multiple_of(tile_base + w * WIN, 8), WIN)

    def idx_start(w, b):
        pltpu.async_copy(dst_hbm.at[win_slice(w)], idx_v[b], si[b])

    def idx_wait(w, b):
        pltpu.make_async_copy(dst_hbm.at[win_slice(w)], idx_v[b], si[b]).wait()

    def scatter_start(b):
        pltpu.async_copy(ones_v, acc.at[idx_v[b]], ss[b], add=True)

    def scatter_wait(b):
        pltpu.make_async_copy(ones_v, acc.at[idx_v[b]], ss[b]).wait()

    idx_start(0, 0)

    def body(i, carry):
        b = lax.rem(i, 3)
        bn = lax.rem(i + 1, 3)

        @pl.when(i >= 2)
        def _():
            for k in range(3):
                pl.when(bn == k)(lambda kk=k: scatter_wait(kk))

        @pl.when(i <= NWIN - 2)
        def _():
            for k in range(3):
                pl.when(bn == k)(lambda kk=k: idx_start(i + 1, kk))

        for k in range(3):
            pl.when(b == k)(lambda kk=k: idx_wait(i, kk))
        for k in range(3):
            pl.when(b == k)(lambda kk=k: scatter_start(kk))
        return carry

    lax.fori_loop(0, NWIN, body, 0)
    scatter_wait((NWIN - 2) % 3)
    scatter_wait((NWIN - 1) % 3)

    pltpu.sync_copy(ones_hbm.at[pl.ds(0, TAIL)], ones_t)
    pltpu.sync_copy(dst_hbm.at[pl.ds(pl.multiple_of(tile_base + TAIL_OFF, 8), TAIL)], idx_t)
    pltpu.sync_copy(ones_t, acc.at[idx_t], add=True)
    plsc.subcore_barrier()

    def out_chunk(out_ref, r, n):
        pltpu.sync_copy(acc.at[r], vbuf.at[pl.ds(0, n)])
        pltpu.sync_copy(vbuf.at[pl.ds(0, n)], out_ref.at[r])

    @pl.when(c == 0)
    def _():
        _chunked_row_copy(s, lambda r, n: out_chunk(deg0_out, r, n))

    @pl.when(c != 0)
    def _():
        _chunked_row_copy(s, lambda r, n: out_chunk(deg1_out, r, n))


NBUF = 3


@functools.partial(
    pl.kernel,
    out_type=jax.ShapeDtypeStruct((NC, N, D), jnp.float32),
    mesh=_mesh,
    scratch_types=[
        [pltpu.VMEM((WIN,), jnp.int32)] * NBUF,
        [pltpu.VMEM((WIN,), jnp.int32)] * NBUF,
        [pltpu.VMEM((WIN, D), jnp.float32)] * NBUF,
        pltpu.VMEM((TAIL,), jnp.int32),
        pltpu.VMEM((TAIL,), jnp.int32),
        pltpu.VMEM((TAIL, D), jnp.float32),
        pltpu.VMEM_SHARED((N, D), jnp.float32),
        [pltpu.SemaphoreType.DMA] * NBUF,
        [pltpu.SemaphoreType.DMA] * NBUF,
        [pltpu.SemaphoreType.DMA] * NBUF,
    ],
)
def _spmm_sc(src_hbm, dst_hbm, g_hbm, zrows_hbm, parts_out,
             src_v, dst_v, rows_v, src_t, dst_t, rows_t, acc, si, sg, ss):
    c = lax.axis_index("c")
    s = lax.axis_index("s")

    @pl.when(c == 0)
    def _():
        _chunked_row_copy(s, lambda r, n: pltpu.sync_copy(g_hbm.at[r], acc.at[r]))

    @pl.when(c != 0)
    def _():
        _chunked_row_copy(s, lambda r, n: pltpu.sync_copy(zrows_hbm.at[r], acc.at[r]))

    plsc.subcore_barrier()
    tile_base = (c * NS + s) * EDGES_PER_TILE

    def win_slice(w):
        return pl.ds(pl.multiple_of(tile_base + w * WIN, 8), WIN)

    def idx_start(w, b):
        pltpu.async_copy(src_hbm.at[win_slice(w)], src_v[b], si[b])
        pltpu.async_copy(dst_hbm.at[win_slice(w)], dst_v[b], si[b])

    def idx_wait(w, b):
        pltpu.make_async_copy(src_hbm.at[win_slice(w)], src_v[b], si[b]).wait()
        pltpu.make_async_copy(dst_hbm.at[win_slice(w)], dst_v[b], si[b]).wait()

    def gather_start(b):
        pltpu.async_copy(g_hbm.at[src_v[b]], rows_v[b], sg[b])

    def gather_wait(b):
        pltpu.make_async_copy(g_hbm.at[src_v[b]], rows_v[b], sg[b]).wait()

    def scatter_start(b):
        pltpu.async_copy(rows_v[b], acc.at[dst_v[b]], ss[b], add=True)

    def scatter_wait(b):
        pltpu.make_async_copy(rows_v[b], acc.at[dst_v[b]], ss[b]).wait()

    idx_start(0, 0)

    def body(i, carry):
        b = lax.rem(i, NBUF)
        bn = lax.rem(i + 1, NBUF)
        bp = lax.rem(i + NBUF - 1, NBUF)

        def at(bufsel, fn):
            for k in range(NBUF):
                pl.when(bufsel == k)(lambda kk=k: fn(kk))

        @pl.when(i >= NBUF - 1)
        def _():
            at(bn, scatter_wait)

        @pl.when(i <= NWIN - 2)
        def _():
            for k in range(NBUF):
                pl.when(bn == k)(lambda kk=k: idx_start(i + 1, kk))

        @pl.when(i >= 1)
        def _():
            at(bp, gather_wait)
            at(bp, scatter_start)

        for k in range(NBUF):
            pl.when(b == k)(lambda kk=k: idx_wait(i, kk))
        at(b, gather_start)
        return carry

    lax.fori_loop(0, NWIN, body, 0)

    lb = (NWIN - 1) % NBUF
    gather_wait(lb)
    scatter_start(lb)
    for j in range(max(NWIN - NBUF + 1, 0), NWIN):
        scatter_wait(j % NBUF)

    tsl = pl.ds(pl.multiple_of(tile_base + TAIL_OFF, 8), TAIL)
    pltpu.sync_copy(src_hbm.at[tsl], src_t)
    pltpu.sync_copy(dst_hbm.at[tsl], dst_t)
    pltpu.async_copy(g_hbm.at[src_t], rows_t, si[0]).wait()
    pltpu.sync_copy(rows_t, acc.at[dst_t], add=True)

    plsc.subcore_barrier()
    _chunked_row_copy(s, lambda r, n: pltpu.sync_copy(acc.at[r], parts_out.at[c, r]))



def _stage1_body(x_ref, w_ref, deg0_ref, deg1_ref, g_ref, dinv_ref):
    d = deg0_ref[...] + deg1_ref[...] + 1.0
    dinv = lax.rsqrt(d)
    h = jnp.dot(x_ref[...], w_ref[...], preferred_element_type=jnp.float32)
    g_ref[...] = h * dinv
    dinv_ref[...] = dinv


def _stage1(x, W1, deg0, deg1):
    return pl.pallas_call(
        _stage1_body,
        grid=(GRID,),
        in_specs=[
            pl.BlockSpec((BN, D), lambda i: (i, 0)),
            pl.BlockSpec((D, D), lambda i: (0, 0)),
            pl.BlockSpec((BN, 1), lambda i: (i, 0)),
            pl.BlockSpec((BN, 1), lambda i: (i, 0)),
        ],
        out_specs=[
            pl.BlockSpec((BN, D), lambda i: (i, 0)),
            pl.BlockSpec((BN, 1), lambda i: (i, 0)),
        ],
        out_shape=[
            jax.ShapeDtypeStruct((N, D), jnp.float32),
            jax.ShapeDtypeStruct((N, 1), jnp.float32),
        ],
    )(x, W1, deg0, deg1)


def _stage2_body(parts_ref, dinv_ref, w_ref, b_ref, g_ref):
    o = dinv_ref[...] * (parts_ref[0] + parts_ref[1]) + b_ref[...]
    h = jnp.dot(o, w_ref[...], preferred_element_type=jnp.float32)
    g_ref[...] = h * dinv_ref[...]


def _stage2(parts, dinv, W2, b1r):
    return pl.pallas_call(
        _stage2_body,
        grid=(GRID,),
        in_specs=[
            pl.BlockSpec((NC, BN, D), lambda i: (0, i, 0)),
            pl.BlockSpec((BN, 1), lambda i: (i, 0)),
            pl.BlockSpec((D, D), lambda i: (0, 0)),
            pl.BlockSpec((1, D), lambda i: (0, 0)),
        ],
        out_specs=pl.BlockSpec((BN, D), lambda i: (i, 0)),
        out_shape=jax.ShapeDtypeStruct((N, D), jnp.float32),
    )(parts, dinv, W2, b1r)


def _stage3_body(parts_ref, dinv_ref, b_ref, out_ref):
    o = dinv_ref[...] * (parts_ref[0] + parts_ref[1]) + b_ref[...]
    m = jnp.max(o, axis=1, keepdims=True)
    ex = jnp.exp(o - m)
    lse = jnp.log(jnp.sum(ex, axis=1, keepdims=True))
    out_ref[...] = o - m - lse


def _stage3(parts, dinv, b2r):
    return pl.pallas_call(
        _stage3_body,
        grid=(GRID,),
        in_specs=[
            pl.BlockSpec((NC, BN, D), lambda i: (0, i, 0)),
            pl.BlockSpec((BN, 1), lambda i: (i, 0)),
            pl.BlockSpec((1, D), lambda i: (0, 0)),
        ],
        out_specs=pl.BlockSpec((BN, D), lambda i: (i, 0)),
        out_shape=jax.ShapeDtypeStruct((N, D), jnp.float32),
    )(parts, dinv, b2r)



def kernel(x, edge_index, W1, b1, W2, b2, original_size):
    ones_win = jnp.ones((WIN,), jnp.float32)
    z1d = jnp.zeros((N,), jnp.float32)
    zrows = jnp.zeros((N, D), jnp.float32)
    src = edge_index[0]
    dst = edge_index[1]

    deg0, deg1 = _deg_sc(dst, ones_win, z1d)
    g1, dinv = _stage1(x, W1, jnp.reshape(deg0, (N, 1)), jnp.reshape(deg1, (N, 1)))
    parts1 = _spmm_sc(src, dst, g1, zrows)
    g2 = _stage2(parts1, dinv, W2, jnp.reshape(b1, (1, D)))
    parts2 = _spmm_sc(src, dst, g2, zrows)
    out = _stage3(parts2, dinv, jnp.reshape(b2, (1, D)))
    return out

# --- scband reference (transcript-rebuilt; emitter-appended) ---
"""Pipeline reference for scband-gcnhag-44461501448670 (READ-ONLY COPY).

The authoritative reference and input builder live on the scoring server;
editing this copy changes nothing except your own understanding.
"""

import jax, jax.numpy as jnp
import numpy as np

N = 10000
E = 320000
D_IN = 128
D_HID = 128
D_OUT = 128


def setup_inputs(seed: int = 0) -> dict:
    key = jax.random.key(seed)
    ks = jax.random.split(key, 8)
    x = jax.random.normal(ks[0], (N, D_IN), dtype=jnp.float32)
    edge_index = jax.random.randint(ks[1], (2, E), 0, N, dtype=jnp.int32)
    # GCNConv layer 1 params (glorot-ish init)
    W1 = jax.random.normal(ks[2], (D_IN, D_HID), dtype=jnp.float32) * (1.0 / np.sqrt(D_IN))
    b1 = jnp.zeros((D_HID,), dtype=jnp.float32)
    # GCNConv layer 2 params
    W2 = jax.random.normal(ks[3], (D_HID, D_OUT), dtype=jnp.float32) * (1.0 / np.sqrt(D_HID))
    b2 = jnp.zeros((D_OUT,), dtype=jnp.float32)
    original_size = N
    return {"x": x, "edge_index": edge_index, "W1": W1, "b1": b1, "W2": W2, "b2": b2, "original_size": original_size}


def _gcn_conv(x, edge_index, W, b):
    # GCNConv with normalize=True: add self-loops, symmetric D^-1/2 (A+I) D^-1/2 norm
    n = x.shape[0]
    loop = jnp.arange(n, dtype=edge_index.dtype)
    src = jnp.concatenate([edge_index[0], loop])
    dst = jnp.concatenate([edge_index[1], loop])
    deg = jnp.zeros((n,), dtype=x.dtype).at[dst].add(1.0)
    dinv = jnp.where(deg > 0, jax.lax.rsqrt(jnp.maximum(deg, 1e-12)), 0.0)
    norm = dinv[src] * dinv[dst]
    h = x @ W
    msg = jnp.take(h, src, axis=0) * norm[:, None]
    out = jnp.zeros((n, h.shape[1]), dtype=x.dtype).at[dst].add(msg)
    return out + b


def reference(x, edge_index, W1, b1, W2, b2, original_size):
    h = _gcn_conv(x, edge_index, W1, b1)
    h = _gcn_conv(h, edge_index, W2, b2)
    out = jax.nn.log_softmax(h, axis=1)
    size = out.shape[0]
    start = original_size - size
    return jax.lax.dynamic_slice_in_dim(out, start, size, axis=0)

if __name__ == "__main__":
    import jax
    _d = setup_inputs()
    print(jax.jit(kernel)(*tuple(_d.values())))

</pallas_src>

<mosaic_0001>
#map = affine_map<(d0, d1) -> (0)>
#map1 = affine_map<(d0, d1) -> (0, 0)>
#map2 = affine_map<(d0, d1) -> (0, 0, 0)>
module attributes {stable_mosaic.version = 14 : i64} {
  func.func @_spmm_sc(%arg0: i32, %arg1: i32, %arg2: memref<320000xi32, #tpu.memory_space<hbm>>, %arg3: memref<320000xi32, #tpu.memory_space<hbm>>, %arg4: memref<10000x128xf32, #tpu.memory_space<hbm>>, %arg5: memref<10000x128xf32, #tpu.memory_space<hbm>>, %arg6: memref<2x10000x128xf32, #tpu.memory_space<hbm>>, %arg7: memref<104xi32, #tpu.memory_space<vmem>>, %arg8: memref<104xi32, #tpu.memory_space<vmem>>, %arg9: memref<104xi32, #tpu.memory_space<vmem>>, %arg10: memref<104xi32, #tpu.memory_space<vmem>>, %arg11: memref<104xi32, #tpu.memory_space<vmem>>, %arg12: memref<104xi32, #tpu.memory_space<vmem>>, %arg13: memref<104x128xf32, #tpu.memory_space<vmem>>, %arg14: memref<104x128xf32, #tpu.memory_space<vmem>>, %arg15: memref<104x128xf32, #tpu.memory_space<vmem>>, %arg16: memref<16xi32, #tpu.memory_space<vmem>>, %arg17: memref<16xi32, #tpu.memory_space<vmem>>, %arg18: memref<16x128xf32, #tpu.memory_space<vmem>>, %arg19: memref<10000x128xf32, #tpu.memory_space<vmem_shared>>, %arg20: memref<!tpu.dma_semaphore, #tpu.memory_space<semaphore_mem>>, %arg21: memref<!tpu.dma_semaphore, #tpu.memory_space<semaphore_mem>>, %arg22: memref<!tpu.dma_semaphore, #tpu.memory_space<semaphore_mem>>, %arg23: memref<!tpu.dma_semaphore, #tpu.memory_space<semaphore_mem>>, %arg24: memref<!tpu.dma_semaphore, #tpu.memory_space<semaphore_mem>>, %arg25: memref<!tpu.dma_semaphore, #tpu.memory_space<semaphore_mem>>, %arg26: memref<!tpu.dma_semaphore, #tpu.memory_space<semaphore_mem>>, %arg27: memref<!tpu.dma_semaphore, #tpu.memory_space<semaphore_mem>>, %arg28: memref<!tpu.dma_semaphore, #tpu.memory_space<semaphore_mem>>) attributes {dimension_semantics = [#tpu.dimension_semantics<core_parallel>, #tpu.dimension_semantics<subcore_parallel>], iteration_bounds = array<i64: 2, 16>, scalar_prefetch = 0 : i64, scratch_operands = 22 : i64, tpu.core_type = #tpu.core_type<sc_vector_subcore>, window_params = [{transform_indices = #map}, {transform_indices = #map}, {transform_indices = #map1}, {transform_indices = #map1}, {transform_indices = #map2}]} {
    %eq3A = arith.constant 0 : i32
    %eq3A_0 = arith.cmpi eq, %arg0, %eq3A : i32
    %convert_element_type3A = arith.extui %eq3A_0 : i1 to i32
    %cond3A = arith.constant 0 : i32
    %cond3A_1 = arith.cmpi ne, %convert_element_type3A, %cond3A : i32
    scf.if %cond3A_1 {
      %lt3A_52 = arith.constant 15 : i32
      %lt3A_53 = arith.cmpi slt, %arg1, %lt3A_52 : i32
      %convert_element_type3A_54 = arith.extui %lt3A_53 : i1 to i32
      %cond3A_55 = arith.constant 0 : i32
      %cond3A_56 = arith.cmpi ne, %convert_element_type3A_54, %cond3A_55 : i32
      scf.if %cond3A_56 {
        %mul3A_62 = arith.constant 624 : i32
        %mul3A_63 = arith.muli %arg1, %mul3A_62 : i32
        %multiple_of3A_64 = tpu.assume_multiple %mul3A_63, 8 : i32
        "tpu.region"() ({
          %run_scoped3A = tpu.sem_alloc : memref<!tpu.dma_semaphore, #tpu.memory_space<semaphore_mem>>
          %dma_start3A_65 = arith.constant 0 : i32
          %dma_start3A_66 = tpu.memref_slice %arg19[%multiple_of3A_64, %dma_start3A_65] : memref<10000x128xf32, #tpu.memory_space<vmem_shared>> -> memref<624x128xf32, #tpu.memory_space<vmem_shared>>
          %dma_start3A_67 = arith.constant 0 : i32
          %dma_start3A_68 = tpu.memref_slice %arg4[%multiple_of3A_64, %dma_start3A_67] : memref<10000x128xf32, #tpu.memory_space<hbm>> -> memref<624x128xf32, #tpu.memory_space<hbm>>
          tpu.enqueue_dma source(%dma_start3A_68 : memref<624x128xf32, #tpu.memory_space<hbm>>) target(%dma_start3A_66 : memref<624x128xf32, #tpu.memory_space<vmem_shared>>) target_semaphore(%run_scoped3A : memref<!tpu.dma_semaphore, #tpu.memory_space<semaphore_mem>>)
          %dma_wait3A_69 = arith.constant 0 : i32
          %dma_wait3A_70 = tpu.memref_slice %arg19[%multiple_of3A_64, %dma_wait3A_69] : memref<10000x128xf32, #tpu.memory_space<vmem_shared>> -> memref<624x128xf32, #tpu.memory_space<vmem_shared>>
          %dma_wait3A_71 = arith.constant 0 : i32
          %dma_wait3A_72 = tpu.memref_slice %arg4[%multiple_of3A_64, %dma_wait3A_71] : memref<10000x128xf32, #tpu.memory_space<hbm>> -> memref<624x128xf32, #tpu.memory_space<hbm>>
          tpu.wait_dma2 semaphore(%run_scoped3A : memref<!tpu.dma_semaphore, #tpu.memory_space<semaphore_mem>>) src(%dma_wait3A_72 : memref<624x128xf32, #tpu.memory_space<hbm>>) dst(%dma_wait3A_70 : memref<624x128xf32, #tpu.memory_space<vmem_shared>>)
          tpu.yield
        }) : () -> ()
      } else {
      }
      %eq3A_57 = arith.constant 15 : i32
      %eq3A_58 = arith.cmpi eq, %arg1, %eq3A_57 : i32
      %convert_element_type3A_59 = arith.extui %eq3A_58 : i1 to i32
      %cond3A_60 = arith.constant 0 : i32
      %cond3A_61 = arith.cmpi ne, %convert_element_type3A_59, %cond3A_60 : i32
      scf.if %cond3A_61 {
        "tpu.region"() ({
          %run_scoped3A = tpu.sem_alloc : memref<!tpu.dma_semaphore, #tpu.memory_space<semaphore_mem>>
          %dma_start3A_62 = arith.constant 9360 : i32
          %dma_start3A_63 = arith.constant 0 : i32
          %dma_start3A_64 = tpu.memref_slice %arg19[%dma_start3A_62, %dma_start3A_63] : memref<10000x128xf32, #tpu.memory_space<vmem_shared>> -> memref<640x128xf32, #tpu.memory_space<vmem_shared>>
          %dma_start3A_65 = arith.constant 9360 : i32
          %dma_start3A_66 = arith.constant 0 : i32
          %dma_start3A_67 = tpu.memref_slice %arg4[%dma_start3A_65, %dma_start3A_66] : memref<10000x128xf32, #tpu.memory_space<hbm>> -> memref<640x128xf32, #tpu.memory_space<hbm>>
          tpu.enqueue_dma source(%dma_start3A_67 : memref<640x128xf32, #tpu.memory_space<hbm>>) target(%dma_start3A_64 : memref<640x128xf32, #tpu.memory_space<vmem_shared>>) target_semaphore(%run_scoped3A : memref<!tpu.dma_semaphore, #tpu.memory_space<semaphore_mem>>)
          %dma_wait3A_68 = arith.constant 9360 : i32
          %dma_wait3A_69 = arith.constant 0 : i32
          %dma_wait3A_70 = tpu.memref_slice %arg19[%dma_wait3A_68, %dma_wait3A_69] : memref<10000x128xf32, #tpu.memory_space<vmem_shared>> -> memref<640x128xf32, #tpu.memory_space<vmem_shared>>
          %dma_wait3A_71 = arith.constant 9360 : i32
          %dma_wait3A_72 = arith.constant 0 : i32
          %dma_wait3A_73 = tpu.memref_slice %arg4[%dma_wait3A_71, %dma_wait3A_72] : memref<10000x128xf32, #tpu.memory_space<hbm>> -> memref<640x128xf32, #tpu.memory_space<hbm>>
          tpu.wait_dma2 semaphore(%run_scoped3A : memref<!tpu.dma_semaphore, #tpu.memory_space<semaphore_mem>>) src(%dma_wait3A_73 : memref<640x128xf32, #tpu.memory_space<hbm>>) dst(%dma_wait3A_70 : memref<640x128xf32, #tpu.memory_space<vmem_shared>>)
          tpu.yield
        }) : () -> ()
      } else {
      }
    } else {
    }
    %ne3A = arith.constant 0 : i32
    %ne3A_2 = arith.cmpi ne, %arg0, %ne3A : i32
    %convert_element_type3A_3 = arith.extui %ne3A_2 : i1 to i32
    %cond3A_4 = arith.constant 0 : i32
    %cond3A_5 = arith.cmpi ne, %convert_element_type3A_3, %cond3A_4 : i32
    scf.if %cond3A_5 {
      %lt3A_52 = arith.constant 15 : i32
      %lt3A_53 = arith.cmpi slt, %arg1, %lt3A_52 : i32
      %convert_element_type3A_54 = arith.extui %lt3A_53 : i1 to i32
      %cond3A_55 = arith.constant 0 : i32
      %cond3A_56 = arith.cmpi ne, %convert_element_type3A_54, %cond3A_55 : i32
      scf.if %cond3A_56 {
        %mul3A_62 = arith.constant 624 : i32
        %mul3A_63 = arith.muli %arg1, %mul3A_62 : i32
        %multiple_of3A_64 = tpu.assume_multiple %mul3A_63, 8 : i32
        "tpu.region"() ({
          %run_scoped3A = tpu.sem_alloc : memref<!tpu.dma_semaphore, #tpu.memory_space<semaphore_mem>>
          %dma_start3A_65 = arith.constant 0 : i32
          %dma_start3A_66 = tpu.memref_slice %arg19[%multiple_of3A_64, %dma_start3A_65] : memref<10000x128xf32, #tpu.memory_space<vmem_shared>> -> memref<624x128xf32, #tpu.memory_space<vmem_shared>>
          %dma_start3A_67 = arith.constant 0 : i32
          %dma_start3A_68 = tpu.memref_slice %arg5[%multiple_of3A_64, %dma_start3A_67] : memref<10000x128xf32, #tpu.memory_space<hbm>> -> memref<624x128xf32, #tpu.memory_space<hbm>>
          tpu.enqueue_dma source(%dma_start3A_68 : memref<624x128xf32, #tpu.memory_space<hbm>>) target(%dma_start3A_66 : memref<624x128xf32, #tpu.memory_space<vmem_shared>>) target_semaphore(%run_scoped3A : memref<!tpu.dma_semaphore, #tpu.memory_space<semaphore_mem>>)
          %dma_wait3A_69 = arith.constant 0 : i32
          %dma_wait3A_70 = tpu.memref_slice %arg19[%multiple_of3A_64, %dma_wait3A_69] : memref<10000x128xf32, #tpu.memory_space<vmem_shared>> -> memref<624x128xf32, #tpu.memory_space<vmem_shared>>
          %dma_wait3A_71 = arith.constant 0 : i32
          %dma_wait3A_72 = tpu.memref_slice %arg5[%multiple_of3A_64, %dma_wait3A_71] : memref<10000x128xf32, #tpu.memory_space<hbm>> -> memref<624x128xf32, #tpu.memory_space<hbm>>
          tpu.wait_dma2 semaphore(%run_scoped3A : memref<!tpu.dma_semaphore, #tpu.memory_space<semaphore_mem>>) src(%dma_wait3A_72 : memref<624x128xf32, #tpu.memory_space<hbm>>) dst(%dma_wait3A_70 : memref<624x128xf32, #tpu.memory_space<vmem_shared>>)
          tpu.yield
        }) : () -> ()
      } else {
      }
      %eq3A_57 = arith.constant 15 : i32
      %eq3A_58 = arith.cmpi eq, %arg1, %eq3A_57 : i32
      %convert_element_type3A_59 = arith.extui %eq3A_58 : i1 to i32
      %cond3A_60 = arith.constant 0 : i32
      %cond3A_61 = arith.cmpi ne, %convert_element_type3A_59, %cond3A_60 : i32
      scf.if %cond3A_61 {
        "tpu.region"() ({
          %run_scoped3A = tpu.sem_alloc : memref<!tpu.dma_semaphore, #tpu.memory_space<semaphore_mem>>
          %dma_start3A_62 = arith.constant 9360 : i32
          %dma_start3A_63 = arith.constant 0 : i32
          %dma_start3A_64 = tpu.memref_slice %arg19[%dma_start3A_62, %dma_start3A_63] : memref<10000x128xf32, #tpu.memory_space<vmem_shared>> -> memref<640x128xf32, #tpu.memory_space<vmem_shared>>
          %dma_start3A_65 = arith.constant 9360 : i32
          %dma_start3A_66 = arith.constant 0 : i32
          %dma_start3A_67 = tpu.memref_slice %arg5[%dma_start3A_65, %dma_start3A_66] : memref<10000x128xf32, #tpu.memory_space<hbm>> -> memref<640x128xf32, #tpu.memory_space<hbm>>
          tpu.enqueue_dma source(%dma_start3A_67 : memref<640x128xf32, #tpu.memory_space<hbm>>) target(%dma_start3A_64 : memref<640x128xf32, #tpu.memory_space<vmem_shared>>) target_semaphore(%run_scoped3A : memref<!tpu.dma_semaphore, #tpu.memory_space<semaphore_mem>>)
          %dma_wait3A_68 = arith.constant 9360 : i32
          %dma_wait3A_69 = arith.constant 0 : i32
          %dma_wait3A_70 = tpu.memref_slice %arg19[%dma_wait3A_68, %dma_wait3A_69] : memref<10000x128xf32, #tpu.memory_space<vmem_shared>> -> memref<640x128xf32, #tpu.memory_space<vmem_shared>>
          %dma_wait3A_71 = arith.constant 9360 : i32
          %dma_wait3A_72 = arith.constant 0 : i32
          %dma_wait3A_73 = tpu.memref_slice %arg5[%dma_wait3A_71, %dma_wait3A_72] : memref<10000x128xf32, #tpu.memory_space<hbm>> -> memref<640x128xf32, #tpu.memory_space<hbm>>
          tpu.wait_dma2 semaphore(%run_scoped3A : memref<!tpu.dma_semaphore, #tpu.memory_space<semaphore_mem>>) src(%dma_wait3A_73 : memref<640x128xf32, #tpu.memory_space<hbm>>) dst(%dma_wait3A_70 : memref<640x128xf32, #tpu.memory_space<vmem_shared>>)
          tpu.yield
        }) : () -> ()
      } else {
      }
    } else {
    }
    %barrier3A = arith.constant 0 : index
    tpu.barrier barrier_id(%barrier3A)
    %mul3A = arith.constant 16 : i32
    %mul3A_6 = arith.muli %arg0, %mul3A : i32
    %add3A = arith.addi %mul3A_6, %arg1 : i32
    %mul3A_7 = arith.constant 10000 : i32
    %mul3A_8 = arith.muli %add3A, %mul3A_7 : i32
    %add3A_9 = arith.constant 0 : i32
    %add3A_10 = arith.addi %mul3A_8, %add3A_9 : i32
    %multiple_of3A = tpu.assume_multiple %add3A_10, 8 : i32
    %dma_start3A = tpu.memref_slice %arg2[%multiple_of3A] : memref<320000xi32, #tpu.memory_space<hbm>> -> memref<104xi32, #tpu.memory_space<hbm>>
    %dma_start3A_11 = tpu.memref_slice %arg2[%multiple_of3A] : memref<320000xi32, #tpu.memory_space<hbm>> -> memref<104xi32, #tpu.memory_space<hbm>>
    tpu.enqueue_dma source(%dma_start3A_11 : memref<104xi32, #tpu.memory_space<hbm>>) target(%arg7 : memref<104xi32, #tpu.memory_space<vmem>>) target_semaphore(%arg20 : memref<!tpu.dma_semaphore, #tpu.memory_space<semaphore_mem>>)
    %add3A_12 = arith.constant 0 : i32
    %add3A_13 = arith.addi %mul3A_8, %add3A_12 : i32
    %multiple_of3A_14 = tpu.assume_multiple %add3A_13, 8 : i32
    %dma_start3A_15 = tpu.memref_slice %arg3[%multiple_of3A_14] : memref<320000xi32, #tpu.memory_space<hbm>> -> memref<104xi32, #tpu.memory_space<hbm>>
    %dma_start3A_16 = tpu.memref_slice %arg3[%multiple_of3A_14] : memref<320000xi32, #tpu.memory_space<hbm>> -> memref<104xi32, #tpu.memory_space<hbm>>
    tpu.enqueue_dma source(%dma_start3A_16 : memref<104xi32, #tpu.memory_space<hbm>>) target(%arg10 : memref<104xi32, #tpu.memory_space<vmem>>) target_semaphore(%arg20 : memref<!tpu.dma_semaphore, #tpu.memory_space<semaphore_mem>>)
    %scan3A = arith.constant 0 : i32
    %scan3A_17 = arith.constant 0 : i32
    %scan3A_18 = arith.constant 96 : i32
    %scan3A_19 = arith.addi %scan3A_17, %scan3A_18 : i32
    %scan3A_20 = arith.constant 1 : i32
    scf.for %scan3A_52 = %scan3A_17 to %scan3A_19 step %scan3A_20  : i32 {
      %rem3A = arith.constant 3 : i32
      %rem3A_53 = arith.remsi %scan3A_52, %rem3A : i32
      %add3A_54 = arith.constant 1 : i32
      %add3A_55 = arith.addi %scan3A_52, %add3A_54 : i32
      %rem3A_56 = arith.constant 3 : i32
      %rem3A_57 = arith.remsi %add3A_55, %rem3A_56 : i32
      %add3A_58 = arith.constant 3 : i32
      %add3A_59 = arith.addi %scan3A_52, %add3A_58 : i32
      %sub3A = arith.constant 1 : i32
      %sub3A_60 = arith.subi %add3A_59, %sub3A : i32
      %rem3A_61 = arith.constant 3 : i32
      %rem3A_62 = arith.remsi %sub3A_60, %rem3A_61 : i32
      %ge3A = arith.constant 2 : i32
      %ge3A_63 = arith.cmpi sge, %scan3A_52, %ge3A : i32
      %convert_element_type3A_64 = arith.extui %ge3A_63 : i1 to i32
      %cond3A_65 = arith.constant 0 : i32
      %cond3A_66 = arith.cmpi ne, %convert_element_type3A_64, %cond3A_65 : i32
      scf.if %cond3A_66 {
        %eq3A_106 = arith.constant 0 : i32
        %eq3A_107 = arith.cmpi eq, %rem3A_57, %eq3A_106 : i32
        %convert_element_type3A_108 = arith.extui %eq3A_107 : i1 to i32
        %cond3A_109 = arith.constant 0 : i32
        %cond3A_110 = arith.cmpi ne, %convert_element_type3A_108, %cond3A_109 : i32
        scf.if %cond3A_110 {
          %dma_wait3A_121 = arith.constant 0 : i32
          %dma_wait3A_122 = arith.constant 0 : i32
          %dma_wait3A_123 = tpu.memref_slice %arg19[%dma_wait3A_121, %dma_wait3A_122] : memref<10000x128xf32, #tpu.memory_space<vmem_shared>> -> memref<10000x128xf32, #tpu.memory_space<vmem_shared>>
          tpu.wait_indirect_dma semaphore(%arg26 : memref<!tpu.dma_semaphore, #tpu.memory_space<semaphore_mem>>) src(%arg13 : memref<104x128xf32, #tpu.memory_space<vmem>>) dst(%dma_wait3A_123 : memref<10000x128xf32, #tpu.memory_space<vmem_shared>>)
        } else {
        }
        %eq3A_111 = arith.constant 1 : i32
        %eq3A_112 = arith.cmpi eq, %rem3A_57, %eq3A_111 : i32
        %convert_element_type3A_113 = arith.extui %eq3A_112 : i1 to i32
        %cond3A_114 = arith.constant 0 : i32
        %cond3A_115 = arith.cmpi ne, %convert_element_type3A_113, %cond3A_114 : i32
        scf.if %cond3A_115 {
          %dma_wait3A_121 = arith.constant 0 : i32
          %dma_wait3A_122 = arith.constant 0 : i32
          %dma_wait3A_123 = tpu.memref_slice %arg19[%dma_wait3A_121, %dma_wait3A_122] : memref<10000x128xf32, #tpu.memory_space<vmem_shared>> -> memref<10000x128xf32, #tpu.memory_space<vmem_shared>>
          tpu.wait_indirect_dma semaphore(%arg27 : memref<!tpu.dma_semaphore, #tpu.memory_space<semaphore_mem>>) src(%arg14 : memref<104x128xf32, #tpu.memory_space<vmem>>) dst(%dma_wait3A_123 : memref<10000x128xf32, #tpu.memory_space<vmem_shared>>)
        } else {
        }
        %eq3A_116 = arith.constant 2 : i32
        %eq3A_117 = arith.cmpi eq, %rem3A_57, %eq3A_116 : i32
        %convert_element_type3A_118 = arith.extui %eq3A_117 : i1 to i32
        %cond3A_119 = arith.constant 0 : i32
        %cond3A_120 = arith.cmpi ne, %convert_element_type3A_118, %cond3A_119 : i32
        scf.if %cond3A_120 {
          %dma_wait3A_121 = arith.constant 0 : i32
          %dma_wait3A_122 = arith.constant 0 : i32
          %dma_wait3A_123 = tpu.memref_slice %arg19[%dma_wait3A_121, %dma_wait3A_122] : memref<10000x128xf32, #tpu.memory_space<vmem_shared>> -> memref<10000x128xf32, #tpu.memory_space<vmem_shared>>
          tpu.wait_indirect_dma semaphore(%arg28 : memref<!tpu.dma_semaphore, #tpu.memory_space<semaphore_mem>>) src(%arg15 : memref<104x128xf32, #tpu.memory_space<vmem>>) dst(%dma_wait3A_123 : memref<10000x128xf32, #tpu.memory_space<vmem_shared>>)
        } else {
        }
      } else {
      }
      %le3A = arith.constant 94 : i32
      %le3A_67 = arith.cmpi sle, %scan3A_52, %le3A : i32
      %convert_element_type3A_68 = arith.extui %le3A_67 : i1 to i32
      %cond3A_69 = arith.constant 0 : i32
      %cond3A_70 = arith.cmpi ne, %convert_element_type3A_68, %cond3A_69 : i32
      scf.if %cond3A_70 {
        %eq3A_106 = arith.constant 0 : i32
        %eq3A_107 = arith.cmpi eq, %rem3A_57, %eq3A_106 : i32
        %convert_element_type3A_108 = arith.extui %eq3A_107 : i1 to i32
        %cond3A_109 = arith.constant 0 : i32
        %cond3A_110 = arith.cmpi ne, %convert_element_type3A_108, %cond3A_109 : i32
        scf.if %cond3A_110 {
          %add3A_121 = arith.constant 1 : i32
          %add3A_122 = arith.addi %scan3A_52, %add3A_121 : i32
          %mul3A_123 = arith.constant 104 : i32
          %mul3A_124 = arith.muli %add3A_122, %mul3A_123 : i32
          %add3A_125 = arith.addi %mul3A_8, %mul3A_124 : i32
          %multiple_of3A_126 = tpu.assume_multiple %add3A_125, 8 : i32
          %dma_start3A_127 = tpu.memref_slice %arg2[%multiple_of3A_126] : memref<320000xi32, #tpu.memory_space<hbm>> -> memref<104xi32, #tpu.memory_space<hbm>>
          %dma_start3A_128 = tpu.memref_slice %arg2[%multiple_of3A_126] : memref<320000xi32, #tpu.memory_space<hbm>> -> memref<104xi32, #tpu.memory_space<hbm>>
          tpu.enqueue_dma source(%dma_start3A_128 : memref<104xi32, #tpu.memory_space<hbm>>) target(%arg7 : memref<104xi32, #tpu.memory_space<vmem>>) target_semaphore(%arg20 : memref<!tpu.dma_semaphore, #tpu.memory_space<semaphore_mem>>)
          %mul3A_129 = arith.constant 104 : i32
          %mul3A_130 = arith.muli %add3A_122, %mul3A_129 : i32
          %add3A_131 = arith.addi %mul3A_8, %mul3A_130 : i32
          %multiple_of3A_132 = tpu.assume_multiple %add3A_131, 8 : i32
          %dma_start3A_133 = tpu.memref_slice %arg3[%multiple_of3A_132] : memref<320000xi32, #tpu.memory_space<hbm>> -> memref<104xi32, #tpu.memory_space<hbm>>
          %dma_start3A_134 = tpu.memref_slice %arg3[%multiple_of3A_132] : memref<320000xi32, #tpu.memory_space<hbm>> -> memref<104xi32, #tpu.memory_space<hbm>>
          tpu.enqueue_dma source(%dma_start3A_134 : memref<104xi32, #tpu.memory_space<hbm>>) target(%arg10 : memref<104xi32, #tpu.memory_space<vmem>>) target_semaphore(%arg20 : memref<!tpu.dma_semaphore, #tpu.memory_space<semaphore_mem>>)
        } else {
        }
        %eq3A_111 = arith.constant 1 : i32
        %eq3A_112 = arith.cmpi eq, %rem3A_57, %eq3A_111 : i32
        %convert_element_type3A_113 = arith.extui %eq3A_112 : i1 to i32
        %cond3A_114 = arith.constant 0 : i32
        %cond3A_115 = arith.cmpi ne, %convert_element_type3A_113, %cond3A_114 : i32
        scf.if %cond3A_115 {
          %add3A_121 = arith.constant 1 : i32
          %add3A_122 = arith.addi %scan3A_52, %add3A_121 : i32
          %mul3A_123 = arith.constant 104 : i32
          %mul3A_124 = arith.muli %add3A_122, %mul3A_123 : i32
          %add3A_125 = arith.addi %mul3A_8, %mul3A_124 : i32
          %multiple_of3A_126 = tpu.assume_multiple %add3A_125, 8 : i32
          %dma_start3A_127 = tpu.memref_slice %arg2[%multiple_of3A_126] : memref<320000xi32, #tpu.memory_space<hbm>> -> memref<104xi32, #tpu.memory_space<hbm>>
          %dma_start3A_128 = tpu.memref_slice %arg2[%multiple_of3A_126] : memref<320000xi32, #tpu.memory_space<hbm>> -> memref<104xi32, #tpu.memory_space<hbm>>
          tpu.enqueue_dma source(%dma_start3A_128 : memref<104xi32, #tpu.memory_space<hbm>>) target(%arg8 : memref<104xi32, #tpu.memory_space<vmem>>) target_semaphore(%arg21 : memref<!tpu.dma_semaphore, #tpu.memory_space<semaphore_mem>>)
          %mul3A_129 = arith.constant 104 : i32
          %mul3A_130 = arith.muli %add3A_122, %mul3A_129 : i32
          %add3A_131 = arith.addi %mul3A_8, %mul3A_130 : i32
          %multiple_of3A_132 = tpu.assume_multiple %add3A_131, 8 : i32
          %dma_start3A_133 = tpu.memref_slice %arg3[%multiple_of3A_132] : memref<320000xi32, #tpu.memory_space<hbm>> -> memref<104xi32, #tpu.memory_space<hbm>>
          %dma_start3A_134 = tpu.memref_slice %arg3[%multiple_of3A_132] : memref<320000xi32, #tpu.memory_space<hbm>> -> memref<104xi32, #tpu.memory_space<hbm>>
          tpu.enqueue_dma source(%dma_start3A_134 : memref<104xi32, #tpu.memory_space<hbm>>) target(%arg11 : memref<104xi32, #tpu.memory_space<vmem>>) target_semaphore(%arg21 : memref<!tpu.dma_semaphore, #tpu.memory_space<semaphore_mem>>)
        } else {
        }
        %eq3A_116 = arith.constant 2 : i32
        %eq3A_117 = arith.cmpi eq, %rem3A_57, %eq3A_116 : i32
        %convert_element_type3A_118 = arith.extui %eq3A_117 : i1 to i32
        %cond3A_119 = arith.constant 0 : i32
        %cond3A_120 = arith.cmpi ne, %convert_element_type3A_118, %cond3A_119 : i32
        scf.if %cond3A_120 {
          %add3A_121 = arith.constant 1 : i32
          %add3A_122 = arith.addi %scan3A_52, %add3A_121 : i32
          %mul3A_123 = arith.constant 104 : i32
          %mul3A_124 = arith.muli %add3A_122, %mul3A_123 : i32
          %add3A_125 = arith.addi %mul3A_8, %mul3A_124 : i32
          %multiple_of3A_126 = tpu.assume_multiple %add3A_125, 8 : i32
          %dma_start3A_127 = tpu.memref_slice %arg2[%multiple_of3A_126] : memref<320000xi32, #tpu.memory_space<hbm>> -> memref<104xi32, #tpu.memory_space<hbm>>
          %dma_start3A_128 = tpu.memref_slice %arg2[%multiple_of3A_126] : memref<320000xi32, #tpu.memory_space<hbm>> -> memref<104xi32, #tpu.memory_space<hbm>>
          tpu.enqueue_dma source(%dma_start3A_128 : memref<104xi32, #tpu.memory_space<hbm>>) target(%arg9 : memref<104xi32, #tpu.memory_space<vmem>>) target_semaphore(%arg22 : memref<!tpu.dma_semaphore, #tpu.memory_space<semaphore_mem>>)
          %mul3A_129 = arith.constant 104 : i32
          %mul3A_130 = arith.muli %add3A_122, %mul3A_129 : i32
          %add3A_131 = arith.addi %mul3A_8, %mul3A_130 : i32
          %multiple_of3A_132 = tpu.assume_multiple %add3A_131, 8 : i32
          %dma_start3A_133 = tpu.memref_slice %arg3[%multiple_of3A_132] : memref<320000xi32, #tpu.memory_space<hbm>> -> memref<104xi32, #tpu.memory_space<hbm>>
          %dma_start3A_134 = tpu.memref_slice %arg3[%multiple_of3A_132] : memref<320000xi32, #tpu.memory_space<hbm>> -> memref<104xi32, #tpu.memory_space<hbm>>
          tpu.enqueue_dma source(%dma_start3A_134 : memref<104xi32, #tpu.memory_space<hbm>>) target(%arg12 : memref<104xi32, #tpu.memory_space<vmem>>) target_semaphore(%arg22 : memref<!tpu.dma_semaphore, #tpu.memory_space<semaphore_mem>>)
        } else {
        }
      } else {
      }
      %ge3A_71 = arith.constant 1 : i32
      %ge3A_72 = arith.cmpi sge, %scan3A_52, %ge3A_71 : i32
      %convert_element_type3A_73 = arith.extui %ge3A_72 : i1 to i32
      %cond3A_74 = arith.constant 0 : i32
      %cond3A_75 = arith.cmpi ne, %convert_element_type3A_73, %cond3A_74 : i32
      scf.if %cond3A_75 {
        %eq3A_106 = arith.constant 0 : i32
        %eq3A_107 = arith.cmpi eq, %rem3A_62, %eq3A_106 : i32
        %convert_element_type3A_108 = arith.extui %eq3A_107 : i1 to i32
        %cond3A_109 = arith.constant 0 : i32
        %cond3A_110 = arith.cmpi ne, %convert_element_type3A_108, %cond3A_109 : i32
        scf.if %cond3A_110 {
          %dma_wait3A_136 = arith.constant 0 : i32
          %dma_wait3A_137 = arith.constant 0 : i32
          %dma_wait3A_138 = tpu.memref_slice %arg4[%dma_wait3A_136, %dma_wait3A_137] : memref<10000x128xf32, #tpu.memory_space<hbm>> -> memref<10000x128xf32, #tpu.memory_space<hbm>>
          tpu.wait_indirect_dma semaphore(%arg23 : memref<!tpu.dma_semaphore, #tpu.memory_space<semaphore_mem>>) src(%dma_wait3A_138 : memref<10000x128xf32, #tpu.memory_space<hbm>>) dst(%arg13 : memref<104x128xf32, #tpu.memory_space<vmem>>)
        } else {
        }
        %eq3A_111 = arith.constant 1 : i32
        %eq3A_112 = arith.cmpi eq, %rem3A_62, %eq3A_111 : i32
        %convert_element_type3A_113 = arith.extui %eq3A_112 : i1 to i32
        %cond3A_114 = arith.constant 0 : i32
        %cond3A_115 = arith.cmpi ne, %convert_element_type3A_113, %cond3A_114 : i32
        scf.if %cond3A_115 {
          %dma_wait3A_136 = arith.constant 0 : i32
          %dma_wait3A_137 = arith.constant 0 : i32
          %dma_wait3A_138 = tpu.memref_slice %arg4[%dma_wait3A_136, %dma_wait3A_137] : memref<10000x128xf32, #tpu.memory_space<hbm>> -> memref<10000x128xf32, #tpu.memory_space<hbm>>
          tpu.wait_indirect_dma semaphore(%arg24 : memref<!tpu.dma_semaphore, #tpu.memory_space<semaphore_mem>>) src(%dma_wait3A_138 : memref<10000x128xf32, #tpu.memory_space<hbm>>) dst(%arg14 : memref<104x128xf32, #tpu.memory_space<vmem>>)
        } else {
        }
        %eq3A_116 = arith.constant 2 : i32
        %eq3A_117 = arith.cmpi eq, %rem3A_62, %eq3A_116 : i32
        %convert_element_type3A_118 = arith.extui %eq3A_117 : i1 to i32
        %cond3A_119 = arith.constant 0 : i32
        %cond3A_120 = arith.cmpi ne, %convert_element_type3A_118, %cond3A_119 : i32
        scf.if %cond3A_120 {
          %dma_wait3A_136 = arith.constant 0 : i32
          %dma_wait3A_137 = arith.constant 0 : i32
          %dma_wait3A_138 = tpu.memref_slice %arg4[%dma_wait3A_136, %dma_wait3A_137] : memref<10000x128xf32, #tpu.memory_space<hbm>> -> memref<10000x128xf32, #tpu.memory_space<hbm>>
          tpu.wait_indirect_dma semaphore(%arg25 : memref<!tpu.dma_semaphore, #tpu.memory_space<semaphore_mem>>) src(%dma_wait3A_138 : memref<10000x128xf32, #tpu.memory_space<hbm>>) dst(%arg15 : memref<104x128xf32, #tpu.memory_space<vmem>>)
        } else {
        }
        %eq3A_121 = arith.constant 0 : i32
        %eq3A_122 = arith.cmpi eq, %rem3A_62, %eq3A_121 : i32
        %convert_element_type3A_123 = arith.extui %eq3A_122 : i1 to i32
        %cond3A_124 = arith.constant 0 : i32
        %cond3A_125 = arith.cmpi ne, %convert_element_type3A_123, %cond3A_124 : i32
        scf.if %cond3A_125 {
          %dma_start3A_136 = arith.constant 0 : i32
          %dma_start3A_137 = arith.constant 0 : i32
          %dma_start3A_138 = tpu.memref_slice %arg19[%dma_start3A_136, %dma_start3A_137] : memref<10000x128xf32, #tpu.memory_space<vmem_shared>> -> memref<10000x128xf32, #tpu.memory_space<vmem_shared>>
          tpu.enqueue_indirect_dma source(%arg13 : memref<104x128xf32, #tpu.memory_space<vmem>>) target(%dma_start3A_138 : memref<10000x128xf32, #tpu.memory_space<vmem_shared>>) offsets(%arg10 : memref<104xi32, #tpu.memory_space<vmem>>) semaphore(%arg26 : memref<!tpu.dma_semaphore, #tpu.memory_space<semaphore_mem>>) {add = true}
        } else {
        }
        %eq3A_126 = arith.constant 1 : i32
        %eq3A_127 = arith.cmpi eq, %rem3A_62, %eq3A_126 : i32
        %convert_element_type3A_128 = arith.extui %eq3A_127 : i1 to i32
        %cond3A_129 = arith.constant 0 : i32
        %cond3A_130 = arith.cmpi ne, %convert_element_type3A_128, %cond3A_129 : i32
        scf.if %cond3A_130 {
          %dma_start3A_136 = arith.constant 0 : i32
          %dma_start3A_137 = arith.constant 0 : i32
          %dma_start3A_138 = tpu.memref_slice %arg19[%dma_start3A_136, %dma_start3A_137] : memref<10000x128xf32, #tpu.memory_space<vmem_shared>> -> memref<10000x128xf32, #tpu.memory_space<vmem_shared>>
          tpu.enqueue_indirect_dma source(%arg14 : memref<104x128xf32, #tpu.memory_space<vmem>>) target(%dma_start3A_138 : memref<10000x128xf32, #tpu.memory_space<vmem_shared>>) offsets(%arg11 : memref<104xi32, #tpu.memory_space<vmem>>) semaphore(%arg27 : memref<!tpu.dma_semaphore, #tpu.memory_space<semaphore_mem>>) {add = true}
        } else {
        }
        %eq3A_131 = arith.constant 2 : i32
        %eq3A_132 = arith.cmpi eq, %rem3A_62, %eq3A_131 : i32
        %convert_element_type3A_133 = arith.extui %eq3A_132 : i1 to i32
        %cond3A_134 = arith.constant 0 : i32
        %cond3A_135 = arith.cmpi ne, %convert_element_type3A_133, %cond3A_134 : i32
        scf.if %cond3A_135 {
          %dma_start3A_136 = arith.constant 0 : i32
          %dma_start3A_137 = arith.constant 0 : i32
          %dma_start3A_138 = tpu.memref_slice %arg19[%dma_start3A_136, %dma_start3A_137] : memref<10000x128xf32, #tpu.memory_space<vmem_shared>> -> memref<10000x128xf32, #tpu.memory_space<vmem_shared>>
          tpu.enqueue_indirect_dma source(%arg15 : memref<104x128xf32, #tpu.memory_space<vmem>>) target(%dma_start3A_138 : memref<10000x128xf32, #tpu.memory_space<vmem_shared>>) offsets(%arg12 : memref<104xi32, #tpu.memory_space<vmem>>) semaphore(%arg28 : memref<!tpu.dma_semaphore, #tpu.memory_space<semaphore_mem>>) {add = true}
        } else {
        }
      } else {
      }
      %eq3A_76 = arith.constant 0 : i32
      %eq3A_77 = arith.cmpi eq, %rem3A_53, %eq3A_76 : i32
      %convert_element_type3A_78 = arith.extui %eq3A_77 : i1 to i32
      %cond3A_79 = arith.constant 0 : i32
      %cond3A_80 = arith.cmpi ne, %convert_element_type3A_78, %cond3A_79 : i32
      scf.if %cond3A_80 {
        %mul3A_106 = arith.constant 104 : i32
        %mul3A_107 = arith.muli %scan3A_52, %mul3A_106 : i32
        %add3A_108 = arith.addi %mul3A_8, %mul3A_107 : i32
        %multiple_of3A_109 = tpu.assume_multiple %add3A_108, 8 : i32
        %dma_wait3A_110 = tpu.memref_slice %arg2[%multiple_of3A_109] : memref<320000xi32, #tpu.memory_space<hbm>> -> memref<104xi32, #tpu.memory_space<hbm>>
        %dma_wait3A_111 = tpu.memref_slice %arg2[%multiple_of3A_109] : memref<320000xi32, #tpu.memory_space<hbm>> -> memref<104xi32, #tpu.memory_space<hbm>>
        tpu.wait_dma2 semaphore(%arg20 : memref<!tpu.dma_semaphore, #tpu.memory_space<semaphore_mem>>) src(%dma_wait3A_111 : memref<104xi32, #tpu.memory_space<hbm>>) dst(%arg7 : memref<104xi32, #tpu.memory_space<vmem>>)
        %mul3A_112 = arith.constant 104 : i32
        %mul3A_113 = arith.muli %scan3A_52, %mul3A_112 : i32
        %add3A_114 = arith.addi %mul3A_8, %mul3A_113 : i32
        %multiple_of3A_115 = tpu.assume_multiple %add3A_114, 8 : i32
        %dma_wait3A_116 = tpu.memref_slice %arg3[%multiple_of3A_115] : memref<320000xi32, #tpu.memory_space<hbm>> -> memref<104xi32, #tpu.memory_space<hbm>>
        %dma_wait3A_117 = tpu.memref_slice %arg3[%multiple_of3A_115] : memref<320000xi32, #tpu.memory_space<hbm>> -> memref<104xi32, #tpu.memory_space<hbm>>
        tpu.wait_dma2 semaphore(%arg20 : memref<!tpu.dma_semaphore, #tpu.memory_space<semaphore_mem>>) src(%dma_wait3A_117 : memref<104xi32, #tpu.memory_space<hbm>>) dst(%arg10 : memref<104xi32, #tpu.memory_space<vmem>>)
      } else {
      }
      %eq3A_81 = arith.constant 1 : i32
      %eq3A_82 = arith.cmpi eq, %rem3A_53, %eq3A_81 : i32
      %convert_element_type3A_83 = arith.extui %eq3A_82 : i1 to i32
      %cond3A_84 = arith.constant 0 : i32
      %cond3A_85 = arith.cmpi ne, %convert_element_type3A_83, %cond3A_84 : i32
      scf.if %cond3A_85 {
        %mul3A_106 = arith.constant 104 : i32
        %mul3A_107 = arith.muli %scan3A_52, %mul3A_106 : i32
        %add3A_108 = arith.addi %mul3A_8, %mul3A_107 : i32
        %multiple_of3A_109 = tpu.assume_multiple %add3A_108, 8 : i32
        %dma_wait3A_110 = tpu.memref_slice %arg2[%multiple_of3A_109] : memref<320000xi32, #tpu.memory_space<hbm>> -> memref<104xi32, #tpu.memory_space<hbm>>
        %dma_wait3A_111 = tpu.memref_slice %arg2[%multiple_of3A_109] : memref<320000xi32, #tpu.memory_space<hbm>> -> memref<104xi32, #tpu.memory_space<hbm>>
        tpu.wait_dma2 semaphore(%arg21 : memref<!tpu.dma_semaphore, #tpu.memory_space<semaphore_mem>>) src(%dma_wait3A_111 : memref<104xi32, #tpu.memory_space<hbm>>) dst(%arg8 : memref<104xi32, #tpu.memory_space<vmem>>)
        %mul3A_112 = arith.constant 104 : i32
        %mul3A_113 = arith.muli %scan3A_52, %mul3A_112 : i32
        %add3A_114 = arith.addi %mul3A_8, %mul3A_113 : i32
        %multiple_of3A_115 = tpu.assume_multiple %add3A_114, 8 : i32
        %dma_wait3A_116 = tpu.memref_slice %arg3[%multiple_of3A_115] : memref<320000xi32, #tpu.memory_space<hbm>> -> memref<104xi32, #tpu.memory_space<hbm>>
        %dma_wait3A_117 = tpu.memref_slice %arg3[%multiple_of3A_115] : memref<320000xi32, #tpu.memory_space<hbm>> -> memref<104xi32, #tpu.memory_space<hbm>>
        tpu.wait_dma2 semaphore(%arg21 : memref<!tpu.dma_semaphore, #tpu.memory_space<semaphore_mem>>) src(%dma_wait3A_117 : memref<104xi32, #tpu.memory_space<hbm>>) dst(%arg11 : memref<104xi32, #tpu.memory_space<vmem>>)
      } else {
      }
      %eq3A_86 = arith.constant 2 : i32
      %eq3A_87 = arith.cmpi eq, %rem3A_53, %eq3A_86 : i32
      %convert_element_type3A_88 = arith.extui %eq3A_87 : i1 to i32
      %cond3A_89 = arith.constant 0 : i32
      %cond3A_90 = arith.cmpi ne, %convert_element_type3A_88, %cond3A_89 : i32
      scf.if %cond3A_90 {
        %mul3A_106 = arith.constant 104 : i32
        %mul3A_107 = arith.muli %scan3A_52, %mul3A_106 : i32
        %add3A_108 = arith.addi %mul3A_8, %mul3A_107 : i32
        %multiple_of3A_109 = tpu.assume_multiple %add3A_108, 8 : i32
        %dma_wait3A_110 = tpu.memref_slice %arg2[%multiple_of3A_109] : memref<320000xi32, #tpu.memory_space<hbm>> -> memref<104xi32, #tpu.memory_space<hbm>>
        %dma_wait3A_111 = tpu.memref_slice %arg2[%multiple_of3A_109] : memref<320000xi32, #tpu.memory_space<hbm>> -> memref<104xi32, #tpu.memory_space<hbm>>
        tpu.wait_dma2 semaphore(%arg22 : memref<!tpu.dma_semaphore, #tpu.memory_space<semaphore_mem>>) src(%dma_wait3A_111 : memref<104xi32, #tpu.memory_space<hbm>>) dst(%arg9 : memref<104xi32, #tpu.memory_space<vmem>>)
        %mul3A_112 = arith.constant 104 : i32
        %mul3A_113 = arith.muli %scan3A_52, %mul3A_112 : i32
        %add3A_114 = arith.addi %mul3A_8, %mul3A_113 : i32
        %multiple_of3A_115 = tpu.assume_multiple %add3A_114, 8 : i32
        %dma_wait3A_116 = tpu.memref_slice %arg3[%multiple_of3A_115] : memref<320000xi32, #tpu.memory_space<hbm>> -> memref<104xi32, #tpu.memory_space<hbm>>
        %dma_wait3A_117 = tpu.memref_slice %arg3[%multiple_of3A_115] : memref<320000xi32, #tpu.memory_space<hbm>> -> memref<104xi32, #tpu.memory_space<hbm>>
        tpu.wait_dma2 semaphore(%arg22 : memref<!tpu.dma_semaphore, #tpu.memory_space<semaphore_mem>>) src(%dma_wait3A_117 : memref<104xi32, #tpu.memory_space<hbm>>) dst(%arg12 : memref<104xi32, #tpu.memory_space<vmem>>)
      } else {
      }
      %eq3A_91 = arith.constant 0 : i32
      %eq3A_92 = arith.cmpi eq, %rem3A_53, %eq3A_91 : i32
      %convert_element_type3A_93 = arith.extui %eq3A_92 : i1 to i32
      %cond3A_94 = arith.constant 0 : i32
      %cond3A_95 = arith.cmpi ne, %convert_element_type3A_93, %cond3A_94 : i32
      scf.if %cond3A_95 {
        %dma_start3A_106 = arith.constant 0 : i32
        %dma_start3A_107 = arith.constant 0 : i32
        %dma_start3A_108 = tpu.memref_slice %arg4[%dma_start3A_106, %dma_start3A_107] : memref<10000x128xf32, #tpu.memory_space<hbm>> -> memref<10000x128xf32, #tpu.memory_space<hbm>>
        tpu.enqueue_indirect_dma source(%dma_start3A_108 : memref<10000x128xf32, #tpu.memory_space<hbm>>) target(%arg13 : memref<104x128xf32, #tpu.memory_space<vmem>>) offsets(%arg7 : memref<104xi32, #tpu.memory_space<vmem>>) semaphore(%arg23 : memref<!tpu.dma_semaphore, #tpu.memory_space<semaphore_mem>>)
      } else {
      }
      %eq3A_96 = arith.constant 1 : i32
      %eq3A_97 = arith.cmpi eq, %rem3A_53, %eq3A_96 : i32
      %convert_element_type3A_98 = arith.extui %eq3A_97 : i1 to i32
      %cond3A_99 = arith.constant 0 : i32
      %cond3A_100 = arith.cmpi ne, %convert_element_type3A_98, %cond3A_99 : i32
      scf.if %cond3A_100 {
        %dma_start3A_106 = arith.constant 0 : i32
        %dma_start3A_107 = arith.constant 0 : i32
        %dma_start3A_108 = tpu.memref_slice %arg4[%dma_start3A_106, %dma_start3A_107] : memref<10000x128xf32, #tpu.memory_space<hbm>> -> memref<10000x128xf32, #tpu.memory_space<hbm>>
        tpu.enqueue_indirect_dma source(%dma_start3A_108 : memref<10000x128xf32, #tpu.memory_space<hbm>>) target(%arg14 : memref<104x128xf32, #tpu.memory_space<vmem>>) offsets(%arg8 : memref<104xi32, #tpu.memory_space<vmem>>) semaphore(%arg24 : memref<!tpu.dma_semaphore, #tpu.memory_space<semaphore_mem>>)
      } else {
      }
      %eq3A_101 = arith.constant 2 : i32
      %eq3A_102 = arith.cmpi eq, %rem3A_53, %eq3A_101 : i32
      %convert_element_type3A_103 = arith.extui %eq3A_102 : i1 to i32
      %cond3A_104 = arith.constant 0 : i32
      %cond3A_105 = arith.cmpi ne, %convert_element_type3A_103, %cond3A_104 : i32
      scf.if %cond3A_105 {
        %dma_start3A_106 = arith.constant 0 : i32
        %dma_start3A_107 = arith.constant 0 : i32
        %dma_start3A_108 = tpu.memref_slice %arg4[%dma_start3A_106, %dma_start3A_107] : memref<10000x128xf32, #tpu.memory_space<hbm>> -> memref<10000x128xf32, #tpu.memory_space<hbm>>
        tpu.enqueue_indirect_dma source(%dma_start3A_108 : memref<10000x128xf32, #tpu.memory_space<hbm>>) target(%arg15 : memref<104x128xf32, #tpu.memory_space<vmem>>) offsets(%arg9 : memref<104xi32, #tpu.memory_space<vmem>>) semaphore(%arg25 : memref<!tpu.dma_semaphore, #tpu.memory_space<semaphore_mem>>)
      } else {
      }
    }
    %scan3A_21 = arith.constant 96 : i32
    %dma_wait3A = arith.constant 0 : i32
    %dma_wait3A_22 = arith.constant 0 : i32
    %dma_wait3A_23 = tpu.memref_slice %arg4[%dma_wait3A, %dma_wait3A_22] : memref<10000x128xf32, #tpu.memory_space<hbm>> -> memref<10000x128xf32, #tpu.memory_space<hbm>>
    tpu.wait_indirect_dma semaphore(%arg25 : memref<!tpu.dma_semaphore, #tpu.memory_space<semaphore_mem>>) src(%dma_wait3A_23 : memref<10000x128xf32, #tpu.memory_space<hbm>>) dst(%arg15 : memref<104x128xf32, #tpu.memory_space<vmem>>)
    %dma_start3A_24 = arith.constant 0 : i32
    %dma_start3A_25 = arith.constant 0 : i32
    %dma_start3A_26 = tpu.memref_slice %arg19[%dma_start3A_24, %dma_start3A_25] : memref<10000x128xf32, #tpu.memory_space<vmem_shared>> -> memref<10000x128xf32, #tpu.memory_space<vmem_shared>>
    tpu.enqueue_indirect_dma source(%arg15 : memref<104x128xf32, #tpu.memory_space<vmem>>) target(%dma_start3A_26 : memref<10000x128xf32, #tpu.memory_space<vmem_shared>>) offsets(%arg12 : memref<104xi32, #tpu.memory_space<vmem>>) semaphore(%arg28 : memref<!tpu.dma_semaphore, #tpu.memory_space<semaphore_mem>>) {add = true}
    %dma_wait3A_27 = arith.constant 0 : i32
    %dma_wait3A_28 = arith.constant 0 : i32
    %dma_wait3A_29 = tpu.memref_slice %arg19[%dma_wait3A_27, %dma_wait3A_28] : memref<10000x128xf32, #tpu.memory_space<vmem_shared>> -> memref<10000x128xf32, #tpu.memory_space<vmem_shared>>
    tpu.wait_indirect_dma semaphore(%arg27 : memref<!tpu.dma_semaphore, #tpu.memory_space<semaphore_mem>>) src(%arg14 : memref<104x128xf32, #tpu.memory_space<vmem>>) dst(%dma_wait3A_29 : memref<10000x128xf32, #tpu.memory_space<vmem_shared>>)
    %dma_wait3A_30 = arith.constant 0 : i32
    %dma_wait3A_31 = arith.constant 0 : i32
    %dma_wait3A_32 = tpu.memref_slice %arg19[%dma_wait3A_30, %dma_wait3A_31] : memref<10000x128xf32, #tpu.memory_space<vmem_shared>> -> memref<10000x128xf32, #tpu.memory_space<vmem_shared>>
    tpu.wait_indirect_dma semaphore(%arg28 : memref<!tpu.dma_semaphore, #tpu.memory_space<semaphore_mem>>) src(%arg15 : memref<104x128xf32, #tpu.memory_space<vmem>>) dst(%dma_wait3A_32 : memref<10000x128xf32, #tpu.memory_space<vmem_shared>>)
    %add3A_33 = arith.constant 9984 : i32
    %add3A_34 = arith.addi %mul3A_8, %add3A_33 : i32
    %multiple_of3A_35 = tpu.assume_multiple %add3A_34, 8 : i32
    "tpu.region"() ({
      %run_scoped3A = tpu.sem_alloc : memref<!tpu.dma_semaphore, #tpu.memory_space<semaphore_mem>>
      %dma_start3A_52 = tpu.memref_slice %arg2[%multiple_of3A_35] : memref<320000xi32, #tpu.memory_space<hbm>> -> memref<16xi32, #tpu.memory_space<hbm>>
      %dma_start3A_53 = tpu.memref_slice %arg2[%multiple_of3A_35] : memref<320000xi32, #tpu.memory_space<hbm>> -> memref<16xi32, #tpu.memory_space<hbm>>
      tpu.enqueue_dma source(%dma_start3A_53 : memref<16xi32, #tpu.memory_space<hbm>>) target(%arg16 : memref<16xi32, #tpu.memory_space<vmem>>) target_semaphore(%run_scoped3A : memref<!tpu.dma_semaphore, #tpu.memory_space<semaphore_mem>>)
      %dma_wait3A_54 = tpu.memref_slice %arg2[%multiple_of3A_35] : memref<320000xi32, #tpu.memory_space<hbm>> -> memref<16xi32, #tpu.memory_space<hbm>>
      %dma_wait3A_55 = tpu.memref_slice %arg2[%multiple_of3A_35] : memref<320000xi32, #tpu.memory_space<hbm>> -> memref<16xi32, #tpu.memory_space<hbm>>
      tpu.wait_dma2 semaphore(%run_scoped3A : memref<!tpu.dma_semaphore, #tpu.memory_space<semaphore_mem>>) src(%dma_wait3A_55 : memref<16xi32, #tpu.memory_space<hbm>>) dst(%arg16 : memref<16xi32, #tpu.memory_space<vmem>>)
      tpu.yield
    }) : () -> ()
    "tpu.region"() ({
      %run_scoped3A = tpu.sem_alloc : memref<!tpu.dma_semaphore, #tpu.memory_space<semaphore_mem>>
      %dma_start3A_52 = tpu.memref_slice %arg3[%multiple_of3A_35] : memref<320000xi32, #tpu.memory_space<hbm>> -> memref<16xi32, #tpu.memory_space<hbm>>
      %dma_start3A_53 = tpu.memref_slice %arg3[%multiple_of3A_35] : memref<320000xi32, #tpu.memory_space<hbm>> -> memref<16xi32, #tpu.memory_space<hbm>>
      tpu.enqueue_dma source(%dma_start3A_53 : memref<16xi32, #tpu.memory_space<hbm>>) target(%arg17 : memref<16xi32, #tpu.memory_space<vmem>>) target_semaphore(%run_scoped3A : memref<!tpu.dma_semaphore, #tpu.memory_space<semaphore_mem>>)
      %dma_wait3A_54 = tpu.memref_slice %arg3[%multiple_of3A_35] : memref<320000xi32, #tpu.memory_space<hbm>> -> memref<16xi32, #tpu.memory_space<hbm>>
      %dma_wait3A_55 = tpu.memref_slice %arg3[%multiple_of3A_35] : memref<320000xi32, #tpu.memory_space<hbm>> -> memref<16xi32, #tpu.memory_space<hbm>>
      tpu.wait_dma2 semaphore(%run_scoped3A : memref<!tpu.dma_semaphore, #tpu.memory_space<semaphore_mem>>) src(%dma_wait3A_55 : memref<16xi32, #tpu.memory_space<hbm>>) dst(%arg17 : memref<16xi32, #tpu.memory_space<vmem>>)
      tpu.yield
    }) : () -> ()
    %dma_start3A_36 = arith.constant 0 : i32
    %dma_start3A_37 = arith.constant 0 : i32
    %dma_start3A_38 = tpu.memref_slice %arg4[%dma_start3A_36, %dma_start3A_37] : memref<10000x128xf32, #tpu.memory_space<hbm>> -> memref<10000x128xf32, #tpu.memory_space<hbm>>
    tpu.enqueue_indirect_dma source(%dma_start3A_38 : memref<10000x128xf32, #tpu.memory_space<hbm>>) target(%arg18 : memref<16x128xf32, #tpu.memory_space<vmem>>) offsets(%arg16 : memref<16xi32, #tpu.memory_space<vmem>>) semaphore(%arg20 : memref<!tpu.dma_semaphore, #tpu.memory_space<semaphore_mem>>)
    %dma_wait3A_39 = arith.constant 0 : i32
    %dma_wait3A_40 = arith.constant 0 : i32
    %dma_wait3A_41 = tpu.memref_slice %arg4[%dma_wait3A_39, %dma_wait3A_40] : memref<10000x128xf32, #tpu.memory_space<hbm>> -> memref<10000x128xf32, #tpu.memory_space<hbm>>
    tpu.wait_indirect_dma semaphore(%arg20 : memref<!tpu.dma_semaphore, #tpu.memory_space<semaphore_mem>>) src(%dma_wait3A_41 : memref<10000x128xf32, #tpu.memory_space<hbm>>) dst(%arg18 : memref<16x128xf32, #tpu.memory_space<vmem>>)
    "tpu.region"() ({
      %run_scoped3A = tpu.sem_alloc : memref<!tpu.dma_semaphore, #tpu.memory_space<semaphore_mem>>
      %dma_start3A_52 = arith.constant 0 : i32
      %dma_start3A_53 = arith.constant 0 : i32
      %dma_start3A_54 = tpu.memref_slice %arg19[%dma_start3A_52, %dma_start3A_53] : memref<10000x128xf32, #tpu.memory_space<vmem_shared>> -> memref<10000x128xf32, #tpu.memory_space<vmem_shared>>
      tpu.enqueue_indirect_dma source(%arg18 : memref<16x128xf32, #tpu.memory_space<vmem>>) target(%dma_start3A_54 : memref<10000x128xf32, #tpu.memory_space<vmem_shared>>) offsets(%arg17 : memref<16xi32, #tpu.memory_space<vmem>>) semaphore(%run_scoped3A : memref<!tpu.dma_semaphore, #tpu.memory_space<semaphore_mem>>) {add = true}
      %dma_wait3A_55 = arith.constant 0 : i32
      %dma_wait3A_56 = arith.constant 0 : i32
      %dma_wait3A_57 = tpu.memref_slice %arg19[%dma_wait3A_55, %dma_wait3A_56] : memref<10000x128xf32, #tpu.memory_space<vmem_shared>> -> memref<10000x128xf32, #tpu.memory_space<vmem_shared>>
      tpu.wait_indirect_dma semaphore(%run_scoped3A : memref<!tpu.dma_semaphore, #tpu.memory_space<semaphore_mem>>) src(%arg18 : memref<16x128xf32, #tpu.memory_space<vmem>>) dst(%dma_wait3A_57 : memref<10000x128xf32, #tpu.memory_space<vmem_shared>>)
      tpu.yield
    }) : () -> ()
    %barrier3A_42 = arith.constant 0 : index
    tpu.barrier barrier_id(%barrier3A_42)
    %lt3A = arith.constant 15 : i32
    %lt3A_43 = arith.cmpi slt, %arg1, %lt3A : i32
    %convert_element_type3A_44 = arith.extui %lt3A_43 : i1 to i32
    %cond3A_45 = arith.constant 0 : i32
    %cond3A_46 = arith.cmpi ne, %convert_element_type3A_44, %cond3A_45 : i32
    scf.if %cond3A_46 {
      %mul3A_52 = arith.constant 624 : i32
      %mul3A_53 = arith.muli %arg1, %mul3A_52 : i32
      %multiple_of3A_54 = tpu.assume_multiple %mul3A_53, 8 : i32
      "tpu.region"() ({
        %run_scoped3A = tpu.sem_alloc : memref<!tpu.dma_semaphore, #tpu.memory_space<semaphore_mem>>
        %dma_start3A_55 = arith.constant 0 : i32
        %dma_start3A_56 = tpu.memref_slice %arg6[%arg0, %multiple_of3A_54, %dma_start3A_55] : memref<2x10000x128xf32, #tpu.memory_space<hbm>> -> memref<1x624x128xf32, #tpu.memory_space<hbm>>
        %dma_start3A_57 = tpu.memref_squeeze %dma_start3A_56 : memref<1x624x128xf32, #tpu.memory_space<hbm>> -> memref<624x128xf32, #tpu.memory_space<hbm>>
        %dma_start3A_58 = arith.constant 0 : i32
        %dma_start3A_59 = tpu.memref_slice %arg19[%multiple_of3A_54, %dma_start3A_58] : memref<10000x128xf32, #tpu.memory_space<vmem_shared>> -> memref<624x128xf32, #tpu.memory_space<vmem_shared>>
        tpu.enqueue_dma source(%dma_start3A_59 : memref<624x128xf32, #tpu.memory_space<vmem_shared>>) target(%dma_start3A_57 : memref<624x128xf32, #tpu.memory_space<hbm>>) target_semaphore(%run_scoped3A : memref<!tpu.dma_semaphore, #tpu.memory_space<semaphore_mem>>)
        %dma_wait3A_60 = arith.constant 0 : i32
        %dma_wait3A_61 = tpu.memref_slice %arg6[%arg0, %multiple_of3A_54, %dma_wait3A_60] : memref<2x10000x128xf32, #tpu.memory_space<hbm>> -> memref<1x624x128xf32, #tpu.memory_space<hbm>>
        %dma_wait3A_62 = tpu.memref_squeeze %dma_wait3A_61 : memref<1x624x128xf32, #tpu.memory_space<hbm>> -> memref<624x128xf32, #tpu.memory_space<hbm>>
        %dma_wait3A_63 = arith.constant 0 : i32
        %dma_wait3A_64 = tpu.memref_slice %arg19[%multiple_of3A_54, %dma_wait3A_63] : memref<10000x128xf32, #tpu.memory_space<vmem_shared>> -> memref<624x128xf32, #tpu.memory_space<vmem_shared>>
        tpu.wait_dma2 semaphore(%run_scoped3A : memref<!tpu.dma_semaphore, #tpu.memory_space<semaphore_mem>>) src(%dma_wait3A_64 : memref<624x128xf32, #tpu.memory_space<vmem_shared>>) dst(%dma_wait3A_62 : memref<624x128xf32, #tpu.memory_space<hbm>>)
        tpu.yield
      }) : () -> ()
    } else {
    }
    %eq3A_47 = arith.constant 15 : i32
    %eq3A_48 = arith.cmpi eq, %arg1, %eq3A_47 : i32
    %convert_element_type3A_49 = arith.extui %eq3A_48 : i1 to i32
    %cond3A_50 = arith.constant 0 : i32
    %cond3A_51 = arith.cmpi ne, %convert_element_type3A_49, %cond3A_50 : i32
    scf.if %cond3A_51 {
      "tpu.region"() ({
        %run_scoped3A = tpu.sem_alloc : memref<!tpu.dma_semaphore, #tpu.memory_space<semaphore_mem>>
        %dma_start3A_52 = arith.constant 9360 : i32
        %dma_start3A_53 = arith.constant 0 : i32
        %dma_start3A_54 = tpu.memref_slice %arg6[%arg0, %dma_start3A_52, %dma_start3A_53] : memref<2x10000x128xf32, #tpu.memory_space<hbm>> -> memref<1x640x128xf32, #tpu.memory_space<hbm>>
        %dma_start3A_55 = tpu.memref_squeeze %dma_start3A_54 : memref<1x640x128xf32, #tpu.memory_space<hbm>> -> memref<640x128xf32, #tpu.memory_space<hbm>>
        %dma_start3A_56 = arith.constant 9360 : i32
        %dma_start3A_57 = arith.constant 0 : i32
        %dma_start3A_58 = tpu.memref_slice %arg19[%dma_start3A_56, %dma_start3A_57] : memref<10000x128xf32, #tpu.memory_space<vmem_shared>> -> memref<640x128xf32, #tpu.memory_space<vmem_shared>>
        tpu.enqueue_dma source(%dma_start3A_58 : memref<640x128xf32, #tpu.memory_space<vmem_shared>>) target(%dma_start3A_55 : memref<640x128xf32, #tpu.memory_space<hbm>>) target_semaphore(%run_scoped3A : memref<!tpu.dma_semaphore, #tpu.memory_space<semaphore_mem>>)
        %dma_wait3A_59 = arith.constant 9360 : i32
        %dma_wait3A_60 = arith.constant 0 : i32
        %dma_wait3A_61 = tpu.memref_slice %arg6[%arg0, %dma_wait3A_59, %dma_wait3A_60] : memref<2x10000x128xf32, #tpu.memory_space<hbm>> -> memref<1x640x128xf32, #tpu.memory_space<hbm>>
        %dma_wait3A_62 = tpu.memref_squeeze %dma_wait3A_61 : memref<1x640x128xf32, #tpu.memory_space<hbm>> -> memref<640x128xf32, #tpu.memory_space<hbm>>
        %dma_wait3A_63 = arith.constant 9360 : i32
        %dma_wait3A_64 = arith.constant 0 : i32
        %dma_wait3A_65 = tpu.memref_slice %arg19[%dma_wait3A_63, %dma_wait3A_64] : memref<10000x128xf32, #tpu.memory_space<vmem_shared>> -> memref<640x128xf32, #tpu.memory_space<vmem_shared>>
        tpu.wait_dma2 semaphore(%run_scoped3A : memref<!tpu.dma_semaphore, #tpu.memory_space<semaphore_mem>>) src(%dma_wait3A_65 : memref<640x128xf32, #tpu.memory_space<vmem_shared>>) dst(%dma_wait3A_62 : memref<640x128xf32, #tpu.memory_space<hbm>>)
        tpu.yield
      }) : () -> ()
    } else {
    }
    return
  }
}

#map = affine_map<(d0, d1) -> (0)>
module attributes {stable_mosaic.version = 14 : i64} {
  func.func @_deg_sc(%arg0: i32, %arg1: i32, %arg2: memref<320000xi32, #tpu.memory_space<hbm>>, %arg3: memref<104xf32, #tpu.memory_space<hbm>>, %arg4: memref<10000xf32, #tpu.memory_space<hbm>>, %arg5: memref<10000xf32, #tpu.memory_space<hbm>>, %arg6: memref<10000xf32, #tpu.memory_space<hbm>>, %arg7: memref<104xi32, #tpu.memory_space<vmem>>, %arg8: memref<104xi32, #tpu.memory_space<vmem>>, %arg9: memref<104xi32, #tpu.memory_space<vmem>>, %arg10: memref<104xf32, #tpu.memory_space<vmem>>, %arg11: memref<16xi32, #tpu.memory_space<vmem>>, %arg12: memref<16xf32, #tpu.memory_space<vmem>>, %arg13: memref<640xf32, #tpu.memory_space<vmem>>, %arg14: memref<10000xf32, #tpu.memory_space<vmem_shared>>, %arg15: memref<!tpu.dma_semaphore, #tpu.memory_space<semaphore_mem>>, %arg16: memref<!tpu.dma_semaphore, #tpu.memory_space<semaphore_mem>>, %arg17: memref<!tpu.dma_semaphore, #tpu.memory_space<semaphore_mem>>, %arg18: memref<!tpu.dma_semaphore, #tpu.memory_space<semaphore_mem>>, %arg19: memref<!tpu.dma_semaphore, #tpu.memory_space<semaphore_mem>>, %arg20: memref<!tpu.dma_semaphore, #tpu.memory_space<semaphore_mem>>) attributes {dimension_semantics = [#tpu.dimension_semantics<core_parallel>, #tpu.dimension_semantics<subcore_parallel>], iteration_bounds = array<i64: 2, 16>, scalar_prefetch = 0 : i64, scratch_operands = 14 : i64, tpu.core_type = #tpu.core_type<sc_vector_subcore>, window_params = [{transform_indices = #map}, {transform_indices = #map}, {transform_indices = #map}, {transform_indices = #map}, {transform_indices = #map}]} {
    %lt3A = arith.constant 15 : i32
    %lt3A_0 = arith.cmpi slt, %arg1, %lt3A : i32
    %convert_element_type3A = arith.extui %lt3A_0 : i1 to i32
    %cond3A = arith.constant 0 : i32
    %cond3A_1 = arith.cmpi ne, %convert_element_type3A, %cond3A : i32
    scf.if %cond3A_1 {
      %mul3A_33 = arith.constant 624 : i32
      %mul3A_34 = arith.muli %arg1, %mul3A_33 : i32
      %multiple_of3A_35 = tpu.assume_multiple %mul3A_34, 8 : i32
      "tpu.region"() ({
        %run_scoped3A = tpu.sem_alloc : memref<!tpu.dma_semaphore, #tpu.memory_space<semaphore_mem>>
        %dma_start3A_36 = arith.constant 0 : i32
        %dma_start3A_37 = tpu.memref_slice %arg13[%dma_start3A_36] : memref<640xf32, #tpu.memory_space<vmem>> -> memref<624xf32, #tpu.memory_space<vmem>>
        %dma_start3A_38 = tpu.memref_slice %arg4[%multiple_of3A_35] : memref<10000xf32, #tpu.memory_space<hbm>> -> memref<624xf32, #tpu.memory_space<hbm>>
        %dma_start3A_39 = arith.constant 0 : i32
        %dma_start3A_40 = tpu.memref_slice %arg13[%dma_start3A_39] : memref<640xf32, #tpu.memory_space<vmem>> -> memref<624xf32, #tpu.memory_space<vmem>>
        %dma_start3A_41 = tpu.memref_slice %arg4[%multiple_of3A_35] : memref<10000xf32, #tpu.memory_space<hbm>> -> memref<624xf32, #tpu.memory_space<hbm>>
        tpu.enqueue_dma source(%dma_start3A_41 : memref<624xf32, #tpu.memory_space<hbm>>) target(%dma_start3A_40 : memref<624xf32, #tpu.memory_space<vmem>>) target_semaphore(%run_scoped3A : memref<!tpu.dma_semaphore, #tpu.memory_space<semaphore_mem>>)
        %dma_wait3A_42 = arith.constant 0 : i32
        %dma_wait3A_43 = tpu.memref_slice %arg13[%dma_wait3A_42] : memref<640xf32, #tpu.memory_space<vmem>> -> memref<624xf32, #tpu.memory_space<vmem>>
        %dma_wait3A_44 = tpu.memref_slice %arg4[%multiple_of3A_35] : memref<10000xf32, #tpu.memory_space<hbm>> -> memref<624xf32, #tpu.memory_space<hbm>>
        %dma_wait3A_45 = arith.constant 0 : i32
        %dma_wait3A_46 = tpu.memref_slice %arg13[%dma_wait3A_45] : memref<640xf32, #tpu.memory_space<vmem>> -> memref<624xf32, #tpu.memory_space<vmem>>
        %dma_wait3A_47 = tpu.memref_slice %arg4[%multiple_of3A_35] : memref<10000xf32, #tpu.memory_space<hbm>> -> memref<624xf32, #tpu.memory_space<hbm>>
        tpu.wait_dma2 semaphore(%run_scoped3A : memref<!tpu.dma_semaphore, #tpu.memory_space<semaphore_mem>>) src(%dma_wait3A_47 : memref<624xf32, #tpu.memory_space<hbm>>) dst(%dma_wait3A_46 : memref<624xf32, #tpu.memory_space<vmem>>)
        tpu.yield
      }) : () -> ()
      "tpu.region"() ({
        %run_scoped3A = tpu.sem_alloc : memref<!tpu.dma_semaphore, #tpu.memory_space<semaphore_mem>>
        %dma_start3A_36 = arith.constant 0 : i32
        %dma_start3A_37 = tpu.memref_slice %arg13[%dma_start3A_36] : memref<640xf32, #tpu.memory_space<vmem>> -> memref<624xf32, #tpu.memory_space<vmem>>
        %dma_start3A_38 = tpu.memref_slice %arg14[%multiple_of3A_35] : memref<10000xf32, #tpu.memory_space<vmem_shared>> -> memref<624xf32, #tpu.memory_space<vmem_shared>>
        %dma_start3A_39 = tpu.memref_slice %arg14[%multiple_of3A_35] : memref<10000xf32, #tpu.memory_space<vmem_shared>> -> memref<624xf32, #tpu.memory_space<vmem_shared>>
        %dma_start3A_40 = arith.constant 0 : i32
        %dma_start3A_41 = tpu.memref_slice %arg13[%dma_start3A_40] : memref<640xf32, #tpu.memory_space<vmem>> -> memref<624xf32, #tpu.memory_space<vmem>>
        tpu.enqueue_dma source(%dma_start3A_41 : memref<624xf32, #tpu.memory_space<vmem>>) target(%dma_start3A_39 : memref<624xf32, #tpu.memory_space<vmem_shared>>) target_semaphore(%run_scoped3A : memref<!tpu.dma_semaphore, #tpu.memory_space<semaphore_mem>>)
        %dma_wait3A_42 = arith.constant 0 : i32
        %dma_wait3A_43 = tpu.memref_slice %arg13[%dma_wait3A_42] : memref<640xf32, #tpu.memory_space<vmem>> -> memref<624xf32, #tpu.memory_space<vmem>>
        %dma_wait3A_44 = tpu.memref_slice %arg14[%multiple_of3A_35] : memref<10000xf32, #tpu.memory_space<vmem_shared>> -> memref<624xf32, #tpu.memory_space<vmem_shared>>
        %dma_wait3A_45 = tpu.memref_slice %arg14[%multiple_of3A_35] : memref<10000xf32, #tpu.memory_space<vmem_shared>> -> memref<624xf32, #tpu.memory_space<vmem_shared>>
        %dma_wait3A_46 = arith.constant 0 : i32
        %dma_wait3A_47 = tpu.memref_slice %arg13[%dma_wait3A_46] : memref<640xf32, #tpu.memory_space<vmem>> -> memref<624xf32, #tpu.memory_space<vmem>>
        tpu.wait_dma2 semaphore(%run_scoped3A : memref<!tpu.dma_semaphore, #tpu.memory_space<semaphore_mem>>) src(%dma_wait3A_47 : memref<624xf32, #tpu.memory_space<vmem>>) dst(%dma_wait3A_45 : memref<624xf32, #tpu.memory_space<vmem_shared>>)
        tpu.yield
      }) : () -> ()
    } else {
    }
    %eq3A = arith.constant 15 : i32
    %eq3A_2 = arith.cmpi eq, %arg1, %eq3A : i32
    %convert_element_type3A_3 = arith.extui %eq3A_2 : i1 to i32
    %cond3A_4 = arith.constant 0 : i32
    %cond3A_5 = arith.cmpi ne, %convert_element_type3A_3, %cond3A_4 : i32
    scf.if %cond3A_5 {
      "tpu.region"() ({
        %run_scoped3A = tpu.sem_alloc : memref<!tpu.dma_semaphore, #tpu.memory_space<semaphore_mem>>
        %dma_start3A_33 = arith.constant 0 : i32
        %dma_start3A_34 = tpu.memref_slice %arg13[%dma_start3A_33] : memref<640xf32, #tpu.memory_space<vmem>> -> memref<640xf32, #tpu.memory_space<vmem>>
        %dma_start3A_35 = arith.constant 9360 : i32
        %dma_start3A_36 = tpu.memref_slice %arg4[%dma_start3A_35] : memref<10000xf32, #tpu.memory_space<hbm>> -> memref<640xf32, #tpu.memory_space<hbm>>
        %dma_start3A_37 = arith.constant 0 : i32
        %dma_start3A_38 = tpu.memref_slice %arg13[%dma_start3A_37] : memref<640xf32, #tpu.memory_space<vmem>> -> memref<640xf32, #tpu.memory_space<vmem>>
        %dma_start3A_39 = arith.constant 9360 : i32
        %dma_start3A_40 = tpu.memref_slice %arg4[%dma_start3A_39] : memref<10000xf32, #tpu.memory_space<hbm>> -> memref<640xf32, #tpu.memory_space<hbm>>
        tpu.enqueue_dma source(%dma_start3A_40 : memref<640xf32, #tpu.memory_space<hbm>>) target(%dma_start3A_38 : memref<640xf32, #tpu.memory_space<vmem>>) target_semaphore(%run_scoped3A : memref<!tpu.dma_semaphore, #tpu.memory_space<semaphore_mem>>)
        %dma_wait3A_41 = arith.constant 0 : i32
        %dma_wait3A_42 = tpu.memref_slice %arg13[%dma_wait3A_41] : memref<640xf32, #tpu.memory_space<vmem>> -> memref<640xf32, #tpu.memory_space<vmem>>
        %dma_wait3A_43 = arith.constant 9360 : i32
        %dma_wait3A_44 = tpu.memref_slice %arg4[%dma_wait3A_43] : memref<10000xf32, #tpu.memory_space<hbm>> -> memref<640xf32, #tpu.memory_space<hbm>>
        %dma_wait3A_45 = arith.constant 0 : i32
        %dma_wait3A_46 = tpu.memref_slice %arg13[%dma_wait3A_45] : memref<640xf32, #tpu.memory_space<vmem>> -> memref<640xf32, #tpu.memory_space<vmem>>
        %dma_wait3A_47 = arith.constant 9360 : i32
        %dma_wait3A_48 = tpu.memref_slice %arg4[%dma_wait3A_47] : memref<10000xf32, #tpu.memory_space<hbm>> -> memref<640xf32, #tpu.memory_space<hbm>>
        tpu.wait_dma2 semaphore(%run_scoped3A : memref<!tpu.dma_semaphore, #tpu.memory_space<semaphore_mem>>) src(%dma_wait3A_48 : memref<640xf32, #tpu.memory_space<hbm>>) dst(%dma_wait3A_46 : memref<640xf32, #tpu.memory_space<vmem>>)
        tpu.yield
      }) : () -> ()
      "tpu.region"() ({
        %run_scoped3A = tpu.sem_alloc : memref<!tpu.dma_semaphore, #tpu.memory_space<semaphore_mem>>
        %dma_start3A_33 = arith.constant 0 : i32
        %dma_start3A_34 = tpu.memref_slice %arg13[%dma_start3A_33] : memref<640xf32, #tpu.memory_space<vmem>> -> memref<640xf32, #tpu.memory_space<vmem>>
        %dma_start3A_35 = arith.constant 9360 : i32
        %dma_start3A_36 = tpu.memref_slice %arg14[%dma_start3A_35] : memref<10000xf32, #tpu.memory_space<vmem_shared>> -> memref<640xf32, #tpu.memory_space<vmem_shared>>
        %dma_start3A_37 = arith.constant 9360 : i32
        %dma_start3A_38 = tpu.memref_slice %arg14[%dma_start3A_37] : memref<10000xf32, #tpu.memory_space<vmem_shared>> -> memref<640xf32, #tpu.memory_space<vmem_shared>>
        %dma_start3A_39 = arith.constant 0 : i32
        %dma_start3A_40 = tpu.memref_slice %arg13[%dma_start3A_39] : memref<640xf32, #tpu.memory_space<vmem>> -> memref<640xf32, #tpu.memory_space<vmem>>
        tpu.enqueue_dma source(%dma_start3A_40 : memref<640xf32, #tpu.memory_space<vmem>>) target(%dma_start3A_38 : memref<640xf32, #tpu.memory_space<vmem_shared>>) target_semaphore(%run_scoped3A : memref<!tpu.dma_semaphore, #tpu.memory_space<semaphore_mem>>)
        %dma_wait3A_41 = arith.constant 0 : i32
        %dma_wait3A_42 = tpu.memref_slice %arg13[%dma_wait3A_41] : memref<640xf32, #tpu.memory_space<vmem>> -> memref<640xf32, #tpu.memory_space<vmem>>
        %dma_wait3A_43 = arith.constant 9360 : i32
        %dma_wait3A_44 = tpu.memref_slice %arg14[%dma_wait3A_43] : memref<10000xf32, #tpu.memory_space<vmem_shared>> -> memref<640xf32, #tpu.memory_space<vmem_shared>>
        %dma_wait3A_45 = arith.constant 9360 : i32
        %dma_wait3A_46 = tpu.memref_slice %arg14[%dma_wait3A_45] : memref<10000xf32, #tpu.memory_space<vmem_shared>> -> memref<640xf32, #tpu.memory_space<vmem_shared>>
        %dma_wait3A_47 = arith.constant 0 : i32
        %dma_wait3A_48 = tpu.memref_slice %arg13[%dma_wait3A_47] : memref<640xf32, #tpu.memory_space<vmem>> -> memref<640xf32, #tpu.memory_space<vmem>>
        tpu.wait_dma2 semaphore(%run_scoped3A : memref<!tpu.dma_semaphore, #tpu.memory_space<semaphore_mem>>) src(%dma_wait3A_48 : memref<640xf32, #tpu.memory_space<vmem>>) dst(%dma_wait3A_46 : memref<640xf32, #tpu.memory_space<vmem_shared>>)
        tpu.yield
      }) : () -> ()
    } else {
    }
    "tpu.region"() ({
      %run_scoped3A = tpu.sem_alloc : memref<!tpu.dma_semaphore, #tpu.memory_space<semaphore_mem>>
      tpu.enqueue_dma source(%arg3 : memref<104xf32, #tpu.memory_space<hbm>>) target(%arg10 : memref<104xf32, #tpu.memory_space<vmem>>) target_semaphore(%run_scoped3A : memref<!tpu.dma_semaphore, #tpu.memory_space<semaphore_mem>>)
      tpu.wait_dma2 semaphore(%run_scoped3A : memref<!tpu.dma_semaphore, #tpu.memory_space<semaphore_mem>>) src(%arg3 : memref<104xf32, #tpu.memory_space<hbm>>) dst(%arg10 : memref<104xf32, #tpu.memory_space<vmem>>)
      tpu.yield
    }) : () -> ()
    %barrier3A = arith.constant 0 : index
    tpu.barrier barrier_id(%barrier3A)
    %mul3A = arith.constant 16 : i32
    %mul3A_6 = arith.muli %arg0, %mul3A : i32
    %add3A = arith.addi %mul3A_6, %arg1 : i32
    %mul3A_7 = arith.constant 10000 : i32
    %mul3A_8 = arith.muli %add3A, %mul3A_7 : i32
    %add3A_9 = arith.constant 0 : i32
    %add3A_10 = arith.addi %mul3A_8, %add3A_9 : i32
    %multiple_of3A = tpu.assume_multiple %add3A_10, 8 : i32
    %dma_start3A = tpu.memref_slice %arg2[%multiple_of3A] : memref<320000xi32, #tpu.memory_space<hbm>> -> memref<104xi32, #tpu.memory_space<hbm>>
    %dma_start3A_11 = tpu.memref_slice %arg2[%multiple_of3A] : memref<320000xi32, #tpu.memory_space<hbm>> -> memref<104xi32, #tpu.memory_space<hbm>>
    tpu.enqueue_dma source(%dma_start3A_11 : memref<104xi32, #tpu.memory_space<hbm>>) target(%arg7 : memref<104xi32, #tpu.memory_space<vmem>>) target_semaphore(%arg15 : memref<!tpu.dma_semaphore, #tpu.memory_space<semaphore_mem>>)
    %scan3A = arith.constant 0 : i32
    %scan3A_12 = arith.constant 0 : i32
    %scan3A_13 = arith.constant 96 : i32
    %scan3A_14 = arith.addi %scan3A_12, %scan3A_13 : i32
    %scan3A_15 = arith.constant 1 : i32
    scf.for %scan3A_33 = %scan3A_12 to %scan3A_14 step %scan3A_15  : i32 {
      %rem3A = arith.constant 3 : i32
      %rem3A_34 = arith.remsi %scan3A_33, %rem3A : i32
      %add3A_35 = arith.constant 1 : i32
      %add3A_36 = arith.addi %scan3A_33, %add3A_35 : i32
      %rem3A_37 = arith.constant 3 : i32
      %rem3A_38 = arith.remsi %add3A_36, %rem3A_37 : i32
      %ge3A = arith.constant 2 : i32
      %ge3A_39 = arith.cmpi sge, %scan3A_33, %ge3A : i32
      %convert_element_type3A_40 = arith.extui %ge3A_39 : i1 to i32
      %cond3A_41 = arith.constant 0 : i32
      %cond3A_42 = arith.cmpi ne, %convert_element_type3A_40, %cond3A_41 : i32
      scf.if %cond3A_42 {
        %eq3A_77 = arith.constant 0 : i32
        %eq3A_78 = arith.cmpi eq, %rem3A_38, %eq3A_77 : i32
        %convert_element_type3A_79 = arith.extui %eq3A_78 : i1 to i32
        %cond3A_80 = arith.constant 0 : i32
        %cond3A_81 = arith.cmpi ne, %convert_element_type3A_79, %cond3A_80 : i32
        scf.if %cond3A_81 {
          %dma_wait3A_92 = arith.constant 0 : i32
          %dma_wait3A_93 = tpu.memref_slice %arg14[%dma_wait3A_92] : memref<10000xf32, #tpu.memory_space<vmem_shared>> -> memref<10000xf32, #tpu.memory_space<vmem_shared>>
          tpu.wait_indirect_dma semaphore(%arg18 : memref<!tpu.dma_semaphore, #tpu.memory_space<semaphore_mem>>) src(%arg10 : memref<104xf32, #tpu.memory_space<vmem>>) dst(%dma_wait3A_93 : memref<10000xf32, #tpu.memory_space<vmem_shared>>)
        } else {
        }
        %eq3A_82 = arith.constant 1 : i32
        %eq3A_83 = arith.cmpi eq, %rem3A_38, %eq3A_82 : i32
        %convert_element_type3A_84 = arith.extui %eq3A_83 : i1 to i32
        %cond3A_85 = arith.constant 0 : i32
        %cond3A_86 = arith.cmpi ne, %convert_element_type3A_84, %cond3A_85 : i32
        scf.if %cond3A_86 {
          %dma_wait3A_92 = arith.constant 0 : i32
          %dma_wait3A_93 = tpu.memref_slice %arg14[%dma_wait3A_92] : memref<10000xf32, #tpu.memory_space<vmem_shared>> -> memref<10000xf32, #tpu.memory_space<vmem_shared>>
          tpu.wait_indirect_dma semaphore(%arg19 : memref<!tpu.dma_semaphore, #tpu.memory_space<semaphore_mem>>) src(%arg10 : memref<104xf32, #tpu.memory_space<vmem>>) dst(%dma_wait3A_93 : memref<10000xf32, #tpu.memory_space<vmem_shared>>)
        } else {
        }
        %eq3A_87 = arith.constant 2 : i32
        %eq3A_88 = arith.cmpi eq, %rem3A_38, %eq3A_87 : i32
        %convert_element_type3A_89 = arith.extui %eq3A_88 : i1 to i32
        %cond3A_90 = arith.constant 0 : i32
        %cond3A_91 = arith.cmpi ne, %convert_element_type3A_89, %cond3A_90 : i32
        scf.if %cond3A_91 {
          %dma_wait3A_92 = arith.constant 0 : i32
          %dma_wait3A_93 = tpu.memref_slice %arg14[%dma_wait3A_92] : memref<10000xf32, #tpu.memory_space<vmem_shared>> -> memref<10000xf32, #tpu.memory_space<vmem_shared>>
          tpu.wait_indirect_dma semaphore(%arg20 : memref<!tpu.dma_semaphore, #tpu.memory_space<semaphore_mem>>) src(%arg10 : memref<104xf32, #tpu.memory_space<vmem>>) dst(%dma_wait3A_93 : memref<10000xf32, #tpu.memory_space<vmem_shared>>)
        } else {
        }
      } else {
      }
      %le3A = arith.constant 94 : i32
      %le3A_43 = arith.cmpi sle, %scan3A_33, %le3A : i32
      %convert_element_type3A_44 = arith.extui %le3A_43 : i1 to i32
      %cond3A_45 = arith.constant 0 : i32
      %cond3A_46 = arith.cmpi ne, %convert_element_type3A_44, %cond3A_45 : i32
      scf.if %cond3A_46 {
        %eq3A_77 = arith.constant 0 : i32
        %eq3A_78 = arith.cmpi eq, %rem3A_38, %eq3A_77 : i32
        %convert_element_type3A_79 = arith.extui %eq3A_78 : i1 to i32
        %cond3A_80 = arith.constant 0 : i32
        %cond3A_81 = arith.cmpi ne, %convert_element_type3A_79, %cond3A_80 : i32
        scf.if %cond3A_81 {
          %add3A_92 = arith.constant 1 : i32
          %add3A_93 = arith.addi %scan3A_33, %add3A_92 : i32
          %mul3A_94 = arith.constant 104 : i32
          %mul3A_95 = arith.muli %add3A_93, %mul3A_94 : i32
          %add3A_96 = arith.addi %mul3A_8, %mul3A_95 : i32
          %multiple_of3A_97 = tpu.assume_multiple %add3A_96, 8 : i32
          %dma_start3A_98 = tpu.memref_slice %arg2[%multiple_of3A_97] : memref<320000xi32, #tpu.memory_space<hbm>> -> memref<104xi32, #tpu.memory_space<hbm>>
          %dma_start3A_99 = tpu.memref_slice %arg2[%multiple_of3A_97] : memref<320000xi32, #tpu.memory_space<hbm>> -> memref<104xi32, #tpu.memory_space<hbm>>
          tpu.enqueue_dma source(%dma_start3A_99 : memref<104xi32, #tpu.memory_space<hbm>>) target(%arg7 : memref<104xi32, #tpu.memory_space<vmem>>) target_semaphore(%arg15 : memref<!tpu.dma_semaphore, #tpu.memory_space<semaphore_mem>>)
        } else {
        }
        %eq3A_82 = arith.constant 1 : i32
        %eq3A_83 = arith.cmpi eq, %rem3A_38, %eq3A_82 : i32
        %convert_element_type3A_84 = arith.extui %eq3A_83 : i1 to i32
        %cond3A_85 = arith.constant 0 : i32
        %cond3A_86 = arith.cmpi ne, %convert_element_type3A_84, %cond3A_85 : i32
        scf.if %cond3A_86 {
          %add3A_92 = arith.constant 1 : i32
          %add3A_93 = arith.addi %scan3A_33, %add3A_92 : i32
          %mul3A_94 = arith.constant 104 : i32
          %mul3A_95 = arith.muli %add3A_93, %mul3A_94 : i32
          %add3A_96 = arith.addi %mul3A_8, %mul3A_95 : i32
          %multiple_of3A_97 = tpu.assume_multiple %add3A_96, 8 : i32
          %dma_start3A_98 = tpu.memref_slice %arg2[%multiple_of3A_97] : memref<320000xi32, #tpu.memory_space<hbm>> -> memref<104xi32, #tpu.memory_space<hbm>>
          %dma_start3A_99 = tpu.memref_slice %arg2[%multiple_of3A_97] : memref<320000xi32, #tpu.memory_space<hbm>> -> memref<104xi32, #tpu.memory_space<hbm>>
          tpu.enqueue_dma source(%dma_start3A_99 : memref<104xi32, #tpu.memory_space<hbm>>) target(%arg8 : memref<104xi32, #tpu.memory_space<vmem>>) target_semaphore(%arg16 : memref<!tpu.dma_semaphore, #tpu.memory_space<semaphore_mem>>)
        } else {
        }
        %eq3A_87 = arith.constant 2 : i32
        %eq3A_88 = arith.cmpi eq, %rem3A_38, %eq3A_87 : i32
        %convert_element_type3A_89 = arith.extui %eq3A_88 : i1 to i32
        %cond3A_90 = arith.constant 0 : i32
        %cond3A_91 = arith.cmpi ne, %convert_element_type3A_89, %cond3A_90 : i32
        scf.if %cond3A_91 {
          %add3A_92 = arith.constant 1 : i32
          %add3A_93 = arith.addi %scan3A_33, %add3A_92 : i32
          %mul3A_94 = arith.constant 104 : i32
          %mul3A_95 = arith.muli %add3A_93, %mul3A_94 : i32
          %add3A_96 = arith.addi %mul3A_8, %mul3A_95 : i32
          %multiple_of3A_97 = tpu.assume_multiple %add3A_96, 8 : i32
          %dma_start3A_98 = tpu.memref_slice %arg2[%multiple_of3A_97] : memref<320000xi32, #tpu.memory_space<hbm>> -> memref<104xi32, #tpu.memory_space<hbm>>
          %dma_start3A_99 = tpu.memref_slice %arg2[%multiple_of3A_97] : memref<320000xi32, #tpu.memory_space<hbm>> -> memref<104xi32, #tpu.memory_space<hbm>>
          tpu.enqueue_dma source(%dma_start3A_99 : memref<104xi32, #tpu.memory_space<hbm>>) target(%arg9 : memref<104xi32, #tpu.memory_space<vmem>>) target_semaphore(%arg17 : memref<!tpu.dma_semaphore, #tpu.memory_space<semaphore_mem>>)
        } else {
        }
      } else {
      }
      %eq3A_47 = arith.constant 0 : i32
      %eq3A_48 = arith.cmpi eq, %rem3A_34, %eq3A_47 : i32
      %convert_element_type3A_49 = arith.extui %eq3A_48 : i1 to i32
      %cond3A_50 = arith.constant 0 : i32
      %cond3A_51 = arith.cmpi ne, %convert_element_type3A_49, %cond3A_50 : i32
      scf.if %cond3A_51 {
        %mul3A_77 = arith.constant 104 : i32
        %mul3A_78 = arith.muli %scan3A_33, %mul3A_77 : i32
        %add3A_79 = arith.addi %mul3A_8, %mul3A_78 : i32
        %multiple_of3A_80 = tpu.assume_multiple %add3A_79, 8 : i32
        %dma_wait3A_81 = tpu.memref_slice %arg2[%multiple_of3A_80] : memref<320000xi32, #tpu.memory_space<hbm>> -> memref<104xi32, #tpu.memory_space<hbm>>
        %dma_wait3A_82 = tpu.memref_slice %arg2[%multiple_of3A_80] : memref<320000xi32, #tpu.memory_space<hbm>> -> memref<104xi32, #tpu.memory_space<hbm>>
        tpu.wait_dma2 semaphore(%arg15 : memref<!tpu.dma_semaphore, #tpu.memory_space<semaphore_mem>>) src(%dma_wait3A_82 : memref<104xi32, #tpu.memory_space<hbm>>) dst(%arg7 : memref<104xi32, #tpu.memory_space<vmem>>)
      } else {
      }
      %eq3A_52 = arith.constant 1 : i32
      %eq3A_53 = arith.cmpi eq, %rem3A_34, %eq3A_52 : i32
      %convert_element_type3A_54 = arith.extui %eq3A_53 : i1 to i32
      %cond3A_55 = arith.constant 0 : i32
      %cond3A_56 = arith.cmpi ne, %convert_element_type3A_54, %cond3A_55 : i32
      scf.if %cond3A_56 {
        %mul3A_77 = arith.constant 104 : i32
        %mul3A_78 = arith.muli %scan3A_33, %mul3A_77 : i32
        %add3A_79 = arith.addi %mul3A_8, %mul3A_78 : i32
        %multiple_of3A_80 = tpu.assume_multiple %add3A_79, 8 : i32
        %dma_wait3A_81 = tpu.memref_slice %arg2[%multiple_of3A_80] : memref<320000xi32, #tpu.memory_space<hbm>> -> memref<104xi32, #tpu.memory_space<hbm>>
        %dma_wait3A_82 = tpu.memref_slice %arg2[%multiple_of3A_80] : memref<320000xi32, #tpu.memory_space<hbm>> -> memref<104xi32, #tpu.memory_space<hbm>>
        tpu.wait_dma2 semaphore(%arg16 : memref<!tpu.dma_semaphore, #tpu.memory_space<semaphore_mem>>) src(%dma_wait3A_82 : memref<104xi32, #tpu.memory_space<hbm>>) dst(%arg8 : memref<104xi32, #tpu.memory_space<vmem>>)
      } else {
      }
      %eq3A_57 = arith.constant 2 : i32
      %eq3A_58 = arith.cmpi eq, %rem3A_34, %eq3A_57 : i32
      %convert_element_type3A_59 = arith.extui %eq3A_58 : i1 to i32
      %cond3A_60 = arith.constant 0 : i32
      %cond3A_61 = arith.cmpi ne, %convert_element_type3A_59, %cond3A_60 : i32
      scf.if %cond3A_61 {
        %mul3A_77 = arith.constant 104 : i32
        %mul3A_78 = arith.muli %scan3A_33, %mul3A_77 : i32
        %add3A_79 = arith.addi %mul3A_8, %mul3A_78 : i32
        %multiple_of3A_80 = tpu.assume_multiple %add3A_79, 8 : i32
        %dma_wait3A_81 = tpu.memref_slice %arg2[%multiple_of3A_80] : memref<320000xi32, #tpu.memory_space<hbm>> -> memref<104xi32, #tpu.memory_space<hbm>>
        %dma_wait3A_82 = tpu.memref_slice %arg2[%multiple_of3A_80] : memref<320000xi32, #tpu.memory_space<hbm>> -> memref<104xi32, #tpu.memory_space<hbm>>
        tpu.wait_dma2 semaphore(%arg17 : memref<!tpu.dma_semaphore, #tpu.memory_space<semaphore_mem>>) src(%dma_wait3A_82 : memref<104xi32, #tpu.memory_space<hbm>>) dst(%arg9 : memref<104xi32, #tpu.memory_space<vmem>>)
      } else {
      }
      %eq3A_62 = arith.constant 0 : i32
      %eq3A_63 = arith.cmpi eq, %rem3A_34, %eq3A_62 : i32
      %convert_element_type3A_64 = arith.extui %eq3A_63 : i1 to i32
      %cond3A_65 = arith.constant 0 : i32
      %cond3A_66 = arith.cmpi ne, %convert_element_type3A_64, %cond3A_65 : i32
      scf.if %cond3A_66 {
        %dma_start3A_77 = arith.constant 0 : i32
        %dma_start3A_78 = tpu.memref_slice %arg14[%dma_start3A_77] : memref<10000xf32, #tpu.memory_space<vmem_shared>> -> memref<10000xf32, #tpu.memory_space<vmem_shared>>
        tpu.enqueue_indirect_dma source(%arg10 : memref<104xf32, #tpu.memory_space<vmem>>) target(%dma_start3A_78 : memref<10000xf32, #tpu.memory_space<vmem_shared>>) offsets(%arg7 : memref<104xi32, #tpu.memory_space<vmem>>) semaphore(%arg18 : memref<!tpu.dma_semaphore, #tpu.memory_space<semaphore_mem>>) {add = true}
      } else {
      }
      %eq3A_67 = arith.constant 1 : i32
      %eq3A_68 = arith.cmpi eq, %rem3A_34, %eq3A_67 : i32
      %convert_element_type3A_69 = arith.extui %eq3A_68 : i1 to i32
      %cond3A_70 = arith.constant 0 : i32
      %cond3A_71 = arith.cmpi ne, %convert_element_type3A_69, %cond3A_70 : i32
      scf.if %cond3A_71 {
        %dma_start3A_77 = arith.constant 0 : i32
        %dma_start3A_78 = tpu.memref_slice %arg14[%dma_start3A_77] : memref<10000xf32, #tpu.memory_space<vmem_shared>> -> memref<10000xf32, #tpu.memory_space<vmem_shared>>
        tpu.enqueue_indirect_dma source(%arg10 : memref<104xf32, #tpu.memory_space<vmem>>) target(%dma_start3A_78 : memref<10000xf32, #tpu.memory_space<vmem_shared>>) offsets(%arg8 : memref<104xi32, #tpu.memory_space<vmem>>) semaphore(%arg19 : memref<!tpu.dma_semaphore, #tpu.memory_space<semaphore_mem>>) {add = true}
      } else {
      }
      %eq3A_72 = arith.constant 2 : i32
      %eq3A_73 = arith.cmpi eq, %rem3A_34, %eq3A_72 : i32
      %convert_element_type3A_74 = arith.extui %eq3A_73 : i1 to i32
      %cond3A_75 = arith.constant 0 : i32
      %cond3A_76 = arith.cmpi ne, %convert_element_type3A_74, %cond3A_75 : i32
      scf.if %cond3A_76 {
        %dma_start3A_77 = arith.constant 0 : i32
        %dma_start3A_78 = tpu.memref_slice %arg14[%dma_start3A_77] : memref<10000xf32, #tpu.memory_space<vmem_shared>> -> memref<10000xf32, #tpu.memory_space<vmem_shared>>
        tpu.enqueue_indirect_dma source(%arg10 : memref<104xf32, #tpu.memory_space<vmem>>) target(%dma_start3A_78 : memref<10000xf32, #tpu.memory_space<vmem_shared>>) offsets(%arg9 : memref<104xi32, #tpu.memory_space<vmem>>) semaphore(%arg20 : memref<!tpu.dma_semaphore, #tpu.memory_space<semaphore_mem>>) {add = true}
      } else {
      }
    }
    %scan3A_16 = arith.constant 96 : i32
    %dma_wait3A = arith.constant 0 : i32
    %dma_wait3A_17 = tpu.memref_slice %arg14[%dma_wait3A] : memref<10000xf32, #tpu.memory_space<vmem_shared>> -> memref<10000xf32, #tpu.memory_space<vmem_shared>>
    tpu.wait_indirect_dma semaphore(%arg19 : memref<!tpu.dma_semaphore, #tpu.memory_space<semaphore_mem>>) src(%arg10 : memref<104xf32, #tpu.memory_space<vmem>>) dst(%dma_wait3A_17 : memref<10000xf32, #tpu.memory_space<vmem_shared>>)
    %dma_wait3A_18 = arith.constant 0 : i32
    %dma_wait3A_19 = tpu.memref_slice %arg14[%dma_wait3A_18] : memref<10000xf32, #tpu.memory_space<vmem_shared>> -> memref<10000xf32, #tpu.memory_space<vmem_shared>>
    tpu.wait_indirect_dma semaphore(%arg20 : memref<!tpu.dma_semaphore, #tpu.memory_space<semaphore_mem>>) src(%arg10 : memref<104xf32, #tpu.memory_space<vmem>>) dst(%dma_wait3A_19 : memref<10000xf32, #tpu.memory_space<vmem_shared>>)
    "tpu.region"() ({
      %run_scoped3A = tpu.sem_alloc : memref<!tpu.dma_semaphore, #tpu.memory_space<semaphore_mem>>
      %dma_start3A_33 = arith.constant 0 : i32
      %dma_start3A_34 = tpu.memref_slice %arg3[%dma_start3A_33] : memref<104xf32, #tpu.memory_space<hbm>> -> memref<16xf32, #tpu.memory_space<hbm>>
      %dma_start3A_35 = arith.constant 0 : i32
      %dma_start3A_36 = tpu.memref_slice %arg3[%dma_start3A_35] : memref<104xf32, #tpu.memory_space<hbm>> -> memref<16xf32, #tpu.memory_space<hbm>>
      tpu.enqueue_dma source(%dma_start3A_36 : memref<16xf32, #tpu.memory_space<hbm>>) target(%arg12 : memref<16xf32, #tpu.memory_space<vmem>>) target_semaphore(%run_scoped3A : memref<!tpu.dma_semaphore, #tpu.memory_space<semaphore_mem>>)
      %dma_wait3A_37 = arith.constant 0 : i32
      %dma_wait3A_38 = tpu.memref_slice %arg3[%dma_wait3A_37] : memref<104xf32, #tpu.memory_space<hbm>> -> memref<16xf32, #tpu.memory_space<hbm>>
      %dma_wait3A_39 = arith.constant 0 : i32
      %dma_wait3A_40 = tpu.memref_slice %arg3[%dma_wait3A_39] : memref<104xf32, #tpu.memory_space<hbm>> -> memref<16xf32, #tpu.memory_space<hbm>>
      tpu.wait_dma2 semaphore(%run_scoped3A : memref<!tpu.dma_semaphore, #tpu.memory_space<semaphore_mem>>) src(%dma_wait3A_40 : memref<16xf32, #tpu.memory_space<hbm>>) dst(%arg12 : memref<16xf32, #tpu.memory_space<vmem>>)
      tpu.yield
    }) : () -> ()
    %add3A_20 = arith.constant 9984 : i32
    %add3A_21 = arith.addi %mul3A_8, %add3A_20 : i32
    %multiple_of3A_22 = tpu.assume_multiple %add3A_21, 8 : i32
    "tpu.region"() ({
      %run_scoped3A = tpu.sem_alloc : memref<!tpu.dma_semaphore, #tpu.memory_space<semaphore_mem>>
      %dma_start3A_33 = tpu.memref_slice %arg2[%multiple_of3A_22] : memref<320000xi32, #tpu.memory_space<hbm>> -> memref<16xi32, #tpu.memory_space<hbm>>
      %dma_start3A_34 = tpu.memref_slice %arg2[%multiple_of3A_22] : memref<320000xi32, #tpu.memory_space<hbm>> -> memref<16xi32, #tpu.memory_space<hbm>>
      tpu.enqueue_dma source(%dma_start3A_34 : memref<16xi32, #tpu.memory_space<hbm>>) target(%arg11 : memref<16xi32, #tpu.memory_space<vmem>>) target_semaphore(%run_scoped3A : memref<!tpu.dma_semaphore, #tpu.memory_space<semaphore_mem>>)
      %dma_wait3A_35 = tpu.memref_slice %arg2[%multiple_of3A_22] : memref<320000xi32, #tpu.memory_space<hbm>> -> memref<16xi32, #tpu.memory_space<hbm>>
      %dma_wait3A_36 = tpu.memref_slice %arg2[%multiple_of3A_22] : memref<320000xi32, #tpu.memory_space<hbm>> -> memref<16xi32, #tpu.memory_space<hbm>>
      tpu.wait_dma2 semaphore(%run_scoped3A : memref<!tpu.dma_semaphore, #tpu.memory_space<semaphore_mem>>) src(%dma_wait3A_36 : memref<16xi32, #tpu.memory_space<hbm>>) dst(%arg11 : memref<16xi32, #tpu.memory_space<vmem>>)
      tpu.yield
    }) : () -> ()
    "tpu.region"() ({
      %run_scoped3A = tpu.sem_alloc : memref<!tpu.dma_semaphore, #tpu.memory_space<semaphore_mem>>
      %dma_start3A_33 = arith.constant 0 : i32
      %dma_start3A_34 = tpu.memref_slice %arg14[%dma_start3A_33] : memref<10000xf32, #tpu.memory_space<vmem_shared>> -> memref<10000xf32, #tpu.memory_space<vmem_shared>>
      tpu.enqueue_indirect_dma source(%arg12 : memref<16xf32, #tpu.memory_space<vmem>>) target(%dma_start3A_34 : memref<10000xf32, #tpu.memory_space<vmem_shared>>) offsets(%arg11 : memref<16xi32, #tpu.memory_space<vmem>>) semaphore(%run_scoped3A : memref<!tpu.dma_semaphore, #tpu.memory_space<semaphore_mem>>) {add = true}
      %dma_wait3A_35 = arith.constant 0 : i32
      %dma_wait3A_36 = tpu.memref_slice %arg14[%dma_wait3A_35] : memref<10000xf32, #tpu.memory_space<vmem_shared>> -> memref<10000xf32, #tpu.memory_space<vmem_shared>>
      tpu.wait_indirect_dma semaphore(%run_scoped3A : memref<!tpu.dma_semaphore, #tpu.memory_space<semaphore_mem>>) src(%arg12 : memref<16xf32, #tpu.memory_space<vmem>>) dst(%dma_wait3A_36 : memref<10000xf32, #tpu.memory_space<vmem_shared>>)
      tpu.yield
    }) : () -> ()
    %barrier3A_23 = arith.constant 0 : index
    tpu.barrier barrier_id(%barrier3A_23)
    %eq3A_24 = arith.constant 0 : i32
    %eq3A_25 = arith.cmpi eq, %arg0, %eq3A_24 : i32
    %convert_element_type3A_26 = arith.extui %eq3A_25 : i1 to i32
    %cond3A_27 = arith.constant 0 : i32
    %cond3A_28 = arith.cmpi ne, %convert_element_type3A_26, %cond3A_27 : i32
    scf.if %cond3A_28 {
      %lt3A_33 = arith.constant 15 : i32
      %lt3A_34 = arith.cmpi slt, %arg1, %lt3A_33 : i32
      %convert_element_type3A_35 = arith.extui %lt3A_34 : i1 to i32
      %cond3A_36 = arith.constant 0 : i32
      %cond3A_37 = arith.cmpi ne, %convert_element_type3A_35, %cond3A_36 : i32
      scf.if %cond3A_37 {
        %mul3A_43 = arith.constant 624 : i32
        %mul3A_44 = arith.muli %arg1, %mul3A_43 : i32
        %multiple_of3A_45 = tpu.assume_multiple %mul3A_44, 8 : i32
        "tpu.region"() ({
          %run_scoped3A = tpu.sem_alloc : memref<!tpu.dma_semaphore, #tpu.memory_space<semaphore_mem>>
          %dma_start3A_46 = arith.constant 0 : i32
          %dma_start3A_47 = tpu.memref_slice %arg13[%dma_start3A_46] : memref<640xf32, #tpu.memory_space<vmem>> -> memref<624xf32, #tpu.memory_space<vmem>>
          %dma_start3A_48 = tpu.memref_slice %arg14[%multiple_of3A_45] : memref<10000xf32, #tpu.memory_space<vmem_shared>> -> memref<624xf32, #tpu.memory_space<vmem_shared>>
          %dma_start3A_49 = arith.constant 0 : i32
          %dma_start3A_50 = tpu.memref_slice %arg13[%dma_start3A_49] : memref<640xf32, #tpu.memory_space<vmem>> -> memref<624xf32, #tpu.memory_space<vmem>>
          %dma_start3A_51 = tpu.memref_slice %arg14[%multiple_of3A_45] : memref<10000xf32, #tpu.memory_space<vmem_shared>> -> memref<624xf32, #tpu.memory_space<vmem_shared>>
          tpu.enqueue_dma source(%dma_start3A_51 : memref<624xf32, #tpu.memory_space<vmem_shared>>) target(%dma_start3A_50 : memref<624xf32, #tpu.memory_space<vmem>>) target_semaphore(%run_scoped3A : memref<!tpu.dma_semaphore, #tpu.memory_space<semaphore_mem>>)
          %dma_wait3A_52 = arith.constant 0 : i32
          %dma_wait3A_53 = tpu.memref_slice %arg13[%dma_wait3A_52] : memref<640xf32, #tpu.memory_space<vmem>> -> memref<624xf32, #tpu.memory_space<vmem>>
          %dma_wait3A_54 = tpu.memref_slice %arg14[%multiple_of3A_45] : memref<10000xf32, #tpu.memory_space<vmem_shared>> -> memref<624xf32, #tpu.memory_space<vmem_shared>>
          %dma_wait3A_55 = arith.constant 0 : i32
          %dma_wait3A_56 = tpu.memref_slice %arg13[%dma_wait3A_55] : memref<640xf32, #tpu.memory_space<vmem>> -> memref<624xf32, #tpu.memory_space<vmem>>
          %dma_wait3A_57 = tpu.memref_slice %arg14[%multiple_of3A_45] : memref<10000xf32, #tpu.memory_space<vmem_shared>> -> memref<624xf32, #tpu.memory_space<vmem_shared>>
          tpu.wait_dma2 semaphore(%run_scoped3A : memref<!tpu.dma_semaphore, #tpu.memory_space<semaphore_mem>>) src(%dma_wait3A_57 : memref<624xf32, #tpu.memory_space<vmem_shared>>) dst(%dma_wait3A_56 : memref<624xf32, #tpu.memory_space<vmem>>)
          tpu.yield
        }) : () -> ()
        "tpu.region"() ({
          %run_scoped3A = tpu.sem_alloc : memref<!tpu.dma_semaphore, #tpu.memory_space<semaphore_mem>>
          %dma_start3A_46 = arith.constant 0 : i32
          %dma_start3A_47 = tpu.memref_slice %arg13[%dma_start3A_46] : memref<640xf32, #tpu.memory_space<vmem>> -> memref<624xf32, #tpu.memory_space<vmem>>
          %dma_start3A_48 = tpu.memref_slice %arg5[%multiple_of3A_45] : memref<10000xf32, #tpu.memory_space<hbm>> -> memref<624xf32, #tpu.memory_space<hbm>>
          %dma_start3A_49 = tpu.memref_slice %arg5[%multiple_of3A_45] : memref<10000xf32, #tpu.memory_space<hbm>> -> memref<624xf32, #tpu.memory_space<hbm>>
          %dma_start3A_50 = arith.constant 0 : i32
          %dma_start3A_51 = tpu.memref_slice %arg13[%dma_start3A_50] : memref<640xf32, #tpu.memory_space<vmem>> -> memref<624xf32, #tpu.memory_space<vmem>>
          tpu.enqueue_dma source(%dma_start3A_51 : memref<624xf32, #tpu.memory_space<vmem>>) target(%dma_start3A_49 : memref<624xf32, #tpu.memory_space<hbm>>) target_semaphore(%run_scoped3A : memref<!tpu.dma_semaphore, #tpu.memory_space<semaphore_mem>>)
          %dma_wait3A_52 = arith.constant 0 : i32
          %dma_wait3A_53 = tpu.memref_slice %arg13[%dma_wait3A_52] : memref<640xf32, #tpu.memory_space<vmem>> -> memref<624xf32, #tpu.memory_space<vmem>>
          %dma_wait3A_54 = tpu.memref_slice %arg5[%multiple_of3A_45] : memref<10000xf32, #tpu.memory_space<hbm>> -> memref<624xf32, #tpu.memory_space<hbm>>
          %dma_wait3A_55 = tpu.memref_slice %arg5[%multiple_of3A_45] : memref<10000xf32, #tpu.memory_space<hbm>> -> memref<624xf32, #tpu.memory_space<hbm>>
          %dma_wait3A_56 = arith.constant 0 : i32
          %dma_wait3A_57 = tpu.memref_slice %arg13[%dma_wait3A_56] : memref<640xf32, #tpu.memory_space<vmem>> -> memref<624xf32, #tpu.memory_space<vmem>>
          tpu.wait_dma2 semaphore(%run_scoped3A : memref<!tpu.dma_semaphore, #tpu.memory_space<semaphore_mem>>) src(%dma_wait3A_57 : memref<624xf32, #tpu.memory_space<vmem>>) dst(%dma_wait3A_55 : memref<624xf32, #tpu.memory_space<hbm>>)
          tpu.yield
        }) : () -> ()
      } else {
      }
      %eq3A_38 = arith.constant 15 : i32
      %eq3A_39 = arith.cmpi eq, %arg1, %eq3A_38 : i32
      %convert_element_type3A_40 = arith.extui %eq3A_39 : i1 to i32
      %cond3A_41 = arith.constant 0 : i32
      %cond3A_42 = arith.cmpi ne, %convert_element_type3A_40, %cond3A_41 : i32
      scf.if %cond3A_42 {
        "tpu.region"() ({
          %run_scoped3A = tpu.sem_alloc : memref<!tpu.dma_semaphore, #tpu.memory_space<semaphore_mem>>
          %dma_start3A_43 = arith.constant 0 : i32
          %dma_start3A_44 = tpu.memref_slice %arg13[%dma_start3A_43] : memref<640xf32, #tpu.memory_space<vmem>> -> memref<640xf32, #tpu.memory_space<vmem>>
          %dma_start3A_45 = arith.constant 9360 : i32
          %dma_start3A_46 = tpu.memref_slice %arg14[%dma_start3A_45] : memref<10000xf32, #tpu.memory_space<vmem_shared>> -> memref<640xf32, #tpu.memory_space<vmem_shared>>
          %dma_start3A_47 = arith.constant 0 : i32
          %dma_start3A_48 = tpu.memref_slice %arg13[%dma_start3A_47] : memref<640xf32, #tpu.memory_space<vmem>> -> memref<640xf32, #tpu.memory_space<vmem>>
          %dma_start3A_49 = arith.constant 9360 : i32
          %dma_start3A_50 = tpu.memref_slice %arg14[%dma_start3A_49] : memref<10000xf32, #tpu.memory_space<vmem_shared>> -> memref<640xf32, #tpu.memory_space<vmem_shared>>
          tpu.enqueue_dma source(%dma_start3A_50 : memref<640xf32, #tpu.memory_space<vmem_shared>>) target(%dma_start3A_48 : memref<640xf32, #tpu.memory_space<vmem>>) target_semaphore(%run_scoped3A : memref<!tpu.dma_semaphore, #tpu.memory_space<semaphore_mem>>)
          %dma_wait3A_51 = arith.constant 0 : i32
          %dma_wait3A_52 = tpu.memref_slice %arg13[%dma_wait3A_51] : memref<640xf32, #tpu.memory_space<vmem>> -> memref<640xf32, #tpu.memory_space<vmem>>
          %dma_wait3A_53 = arith.constant 9360 : i32
          %dma_wait3A_54 = tpu.memref_slice %arg14[%dma_wait3A_53] : memref<10000xf32, #tpu.memory_space<vmem_shared>> -> memref<640xf32, #tpu.memory_space<vmem_shared>>
          %dma_wait3A_55 = arith.constant 0 : i32
          %dma_wait3A_56 = tpu.memref_slice %arg13[%dma_wait3A_55] : memref<640xf32, #tpu.memory_space<vmem>> -> memref<640xf32, #tpu.memory_space<vmem>>
          %dma_wait3A_57 = arith.constant 9360 : i32
          %dma_wait3A_58 = tpu.memref_slice %arg14[%dma_wait3A_57] : memref<10000xf32, #tpu.memory_space<vmem_shared>> -> memref<640xf32, #tpu.memory_space<vmem_shared>>
          tpu.wait_dma2 semaphore(%run_scoped3A : memref<!tpu.dma_semaphore, #tpu.memory_space<semaphore_mem>>) src(%dma_wait3A_58 : memref<640xf32, #tpu.memory_space<vmem_shared>>) dst(%dma_wait3A_56 : memref<640xf32, #tpu.memory_space<vmem>>)
          tpu.yield
        }) : () -> ()
        "tpu.region"() ({
          %run_scoped3A = tpu.sem_alloc : memref<!tpu.dma_semaphore, #tpu.memory_space<semaphore_mem>>
          %dma_start3A_43 = arith.constant 0 : i32
          %dma_start3A_44 = tpu.memref_slice %arg13[%dma_start3A_43] : memref<640xf32, #tpu.memory_space<vmem>> -> memref<640xf32, #tpu.memory_space<vmem>>
          %dma_start3A_45 = arith.constant 9360 : i32
          %dma_start3A_46 = tpu.memref_slice %arg5[%dma_start3A_45] : memref<10000xf32, #tpu.memory_space<hbm>> -> memref<640xf32, #tpu.memory_space<hbm>>
          %dma_start3A_47 = arith.constant 9360 : i32
          %dma_start3A_48 = tpu.memref_slice %arg5[%dma_start3A_47] : memref<10000xf32, #tpu.memory_space<hbm>> -> memref<640xf32, #tpu.memory_space<hbm>>
          %dma_start3A_49 = arith.constant 0 : i32
          %dma_start3A_50 = tpu.memref_slice %arg13[%dma_start3A_49] : memref<640xf32, #tpu.memory_space<vmem>> -> memref<640xf32, #tpu.memory_space<vmem>>
          tpu.enqueue_dma source(%dma_start3A_50 : memref<640xf32, #tpu.memory_space<vmem>>) target(%dma_start3A_48 : memref<640xf32, #tpu.memory_space<hbm>>) target_semaphore(%run_scoped3A : memref<!tpu.dma_semaphore, #tpu.memory_space<semaphore_mem>>)
          %dma_wait3A_51 = arith.constant 0 : i32
          %dma_wait3A_52 = tpu.memref_slice %arg13[%dma_wait3A_51] : memref<640xf32, #tpu.memory_space<vmem>> -> memref<640xf32, #tpu.memory_space<vmem>>
          %dma_wait3A_53 = arith.constant 9360 : i32
          %dma_wait3A_54 = tpu.memref_slice %arg5[%dma_wait3A_53] : memref<10000xf32, #tpu.memory_space<hbm>> -> memref<640xf32, #tpu.memory_space<hbm>>
          %dma_wait3A_55 = arith.constant 9360 : i32
          %dma_wait3A_56 = tpu.memref_slice %arg5[%dma_wait3A_55] : memref<10000xf32, #tpu.memory_space<hbm>> -> memref<640xf32, #tpu.memory_space<hbm>>
          %dma_wait3A_57 = arith.constant 0 : i32
          %dma_wait3A_58 = tpu.memref_slice %arg13[%dma_wait3A_57] : memref<640xf32, #tpu.memory_space<vmem>> -> memref<640xf32, #tpu.memory_space<vmem>>
          tpu.wait_dma2 semaphore(%run_scoped3A : memref<!tpu.dma_semaphore, #tpu.memory_space<semaphore_mem>>) src(%dma_wait3A_58 : memref<640xf32, #tpu.memory_space<vmem>>) dst(%dma_wait3A_56 : memref<640xf32, #tpu.memory_space<hbm>>)
          tpu.yield
        }) : () -> ()
      } else {
      }
    } else {
    }
    %ne3A = arith.constant 0 : i32
    %ne3A_29 = arith.cmpi ne, %arg0, %ne3A : i32
    %convert_element_type3A_30 = arith.extui %ne3A_29 : i1 to i32
    %cond3A_31 = arith.constant 0 : i32
    %cond3A_32 = arith.cmpi ne, %convert_element_type3A_30, %cond3A_31 : i32
    scf.if %cond3A_32 {
      %lt3A_33 = arith.constant 15 : i32
      %lt3A_34 = arith.cmpi slt, %arg1, %lt3A_33 : i32
      %convert_element_type3A_35 = arith.extui %lt3A_34 : i1 to i32
      %cond3A_36 = arith.constant 0 : i32
      %cond3A_37 = arith.cmpi ne, %convert_element_type3A_35, %cond3A_36 : i32
      scf.if %cond3A_37 {
        %mul3A_43 = arith.constant 624 : i32
        %mul3A_44 = arith.muli %arg1, %mul3A_43 : i32
        %multiple_of3A_45 = tpu.assume_multiple %mul3A_44, 8 : i32
        "tpu.region"() ({
          %run_scoped3A = tpu.sem_alloc : memref<!tpu.dma_semaphore, #tpu.memory_space<semaphore_mem>>
          %dma_start3A_46 = arith.constant 0 : i32
          %dma_start3A_47 = tpu.memref_slice %arg13[%dma_start3A_46] : memref<640xf32, #tpu.memory_space<vmem>> -> memref<624xf32, #tpu.memory_space<vmem>>
          %dma_start3A_48 = tpu.memref_slice %arg14[%multiple_of3A_45] : memref<10000xf32, #tpu.memory_space<vmem_shared>> -> memref<624xf32, #tpu.memory_space<vmem_shared>>
          %dma_start3A_49 = arith.constant 0 : i32
          %dma_start3A_50 = tpu.memref_slice %arg13[%dma_start3A_49] : memref<640xf32, #tpu.memory_space<vmem>> -> memref<624xf32, #tpu.memory_space<vmem>>
          %dma_start3A_51 = tpu.memref_slice %arg14[%multiple_of3A_45] : memref<10000xf32, #tpu.memory_space<vmem_shared>> -> memref<624xf32, #tpu.memory_space<vmem_shared>>
          tpu.enqueue_dma source(%dma_start3A_51 : memref<624xf32, #tpu.memory_space<vmem_shared>>) target(%dma_start3A_50 : memref<624xf32, #tpu.memory_space<vmem>>) target_semaphore(%run_scoped3A : memref<!tpu.dma_semaphore, #tpu.memory_space<semaphore_mem>>)
          %dma_wait3A_52 = arith.constant 0 : i32
          %dma_wait3A_53 = tpu.memref_slice %arg13[%dma_wait3A_52] : memref<640xf32, #tpu.memory_space<vmem>> -> memref<624xf32, #tpu.memory_space<vmem>>
          %dma_wait3A_54 = tpu.memref_slice %arg14[%multiple_of3A_45] : memref<10000xf32, #tpu.memory_space<vmem_shared>> -> memref<624xf32, #tpu.memory_space<vmem_shared>>
          %dma_wait3A_55 = arith.constant 0 : i32
          %dma_wait3A_56 = tpu.memref_slice %arg13[%dma_wait3A_55] : memref<640xf32, #tpu.memory_space<vmem>> -> memref<624xf32, #tpu.memory_space<vmem>>
          %dma_wait3A_57 = tpu.memref_slice %arg14[%multiple_of3A_45] : memref<10000xf32, #tpu.memory_space<vmem_shared>> -> memref<624xf32, #tpu.memory_space<vmem_shared>>
          tpu.wait_dma2 semaphore(%run_scoped3A : memref<!tpu.dma_semaphore, #tpu.memory_space<semaphore_mem>>) src(%dma_wait3A_57 : memref<624xf32, #tpu.memory_space<vmem_shared>>) dst(%dma_wait3A_56 : memref<624xf32, #tpu.memory_space<vmem>>)
          tpu.yield
        }) : () -> ()
        "tpu.region"() ({
          %run_scoped3A = tpu.sem_alloc : memref<!tpu.dma_semaphore, #tpu.memory_space<semaphore_mem>>
          %dma_start3A_46 = arith.constant 0 : i32
          %dma_start3A_47 = tpu.memref_slice %arg13[%dma_start3A_46] : memref<640xf32, #tpu.memory_space<vmem>> -> memref<624xf32, #tpu.memory_space<vmem>>
          %dma_start3A_48 = tpu.memref_slice %arg6[%multiple_of3A_45] : memref<10000xf32, #tpu.memory_space<hbm>> -> memref<624xf32, #tpu.memory_space<hbm>>
          %dma_start3A_49 = tpu.memref_slice %arg6[%multiple_of3A_45] : memref<10000xf32, #tpu.memory_space<hbm>> -> memref<624xf32, #tpu.memory_space<hbm>>
          %dma_start3A_50 = arith.constant 0 : i32
          %dma_start3A_51 = tpu.memref_slice %arg13[%dma_start3A_50] : memref<640xf32, #tpu.memory_space<vmem>> -> memref<624xf32, #tpu.memory_space<vmem>>
          tpu.enqueue_dma source(%dma_start3A_51 : memref<624xf32, #tpu.memory_space<vmem>>) target(%dma_start3A_49 : memref<624xf32, #tpu.memory_space<hbm>>) target_semaphore(%run_scoped3A : memref<!tpu.dma_semaphore, #tpu.memory_space<semaphore_mem>>)
          %dma_wait3A_52 = arith.constant 0 : i32
          %dma_wait3A_53 = tpu.memref_slice %arg13[%dma_wait3A_52] : memref<640xf32, #tpu.memory_space<vmem>> -> memref<624xf32, #tpu.memory_space<vmem>>
          %dma_wait3A_54 = tpu.memref_slice %arg6[%multiple_of3A_45] : memref<10000xf32, #tpu.memory_space<hbm>> -> memref<624xf32, #tpu.memory_space<hbm>>
          %dma_wait3A_55 = tpu.memref_slice %arg6[%multiple_of3A_45] : memref<10000xf32, #tpu.memory_space<hbm>> -> memref<624xf32, #tpu.memory_space<hbm>>
          %dma_wait3A_56 = arith.constant 0 : i32
          %dma_wait3A_57 = tpu.memref_slice %arg13[%dma_wait3A_56] : memref<640xf32, #tpu.memory_space<vmem>> -> memref<624xf32, #tpu.memory_space<vmem>>
          tpu.wait_dma2 semaphore(%run_scoped3A : memref<!tpu.dma_semaphore, #tpu.memory_space<semaphore_mem>>) src(%dma_wait3A_57 : memref<624xf32, #tpu.memory_space<vmem>>) dst(%dma_wait3A_55 : memref<624xf32, #tpu.memory_space<hbm>>)
          tpu.yield
        }) : () -> ()
      } else {
      }
      %eq3A_38 = arith.constant 15 : i32
      %eq3A_39 = arith.cmpi eq, %arg1, %eq3A_38 : i32
      %convert_element_type3A_40 = arith.extui %eq3A_39 : i1 to i32
      %cond3A_41 = arith.constant 0 : i32
      %cond3A_42 = arith.cmpi ne, %convert_element_type3A_40, %cond3A_41 : i32
      scf.if %cond3A_42 {
        "tpu.region"() ({
          %run_scoped3A = tpu.sem_alloc : memref<!tpu.dma_semaphore, #tpu.memory_space<semaphore_mem>>
          %dma_start3A_43 = arith.constant 0 : i32
          %dma_start3A_44 = tpu.memref_slice %arg13[%dma_start3A_43] : memref<640xf32, #tpu.memory_space<vmem>> -> memref<640xf32, #tpu.memory_space<vmem>>
          %dma_start3A_45 = arith.constant 9360 : i32
          %dma_start3A_46 = tpu.memref_slice %arg14[%dma_start3A_45] : memref<10000xf32, #tpu.memory_space<vmem_shared>> -> memref<640xf32, #tpu.memory_space<vmem_shared>>
          %dma_start3A_47 = arith.constant 0 : i32
          %dma_start3A_48 = tpu.memref_slice %arg13[%dma_start3A_47] : memref<640xf32, #tpu.memory_space<vmem>> -> memref<640xf32, #tpu.memory_space<vmem>>
          %dma_start3A_49 = arith.constant 9360 : i32
          %dma_start3A_50 = tpu.memref_slice %arg14[%dma_start3A_49] : memref<10000xf32, #tpu.memory_space<vmem_shared>> -> memref<640xf32, #tpu.memory_space<vmem_shared>>
          tpu.enqueue_dma source(%dma_start3A_50 : memref<640xf32, #tpu.memory_space<vmem_shared>>) target(%dma_start3A_48 : memref<640xf32, #tpu.memory_space<vmem>>) target_semaphore(%run_scoped3A : memref<!tpu.dma_semaphore, #tpu.memory_space<semaphore_mem>>)
          %dma_wait3A_51 = arith.constant 0 : i32
          %dma_wait3A_52 = tpu.memref_slice %arg13[%dma_wait3A_51] : memref<640xf32, #tpu.memory_space<vmem>> -> memref<640xf32, #tpu.memory_space<vmem>>
          %dma_wait3A_53 = arith.constant 9360 : i32
          %dma_wait3A_54 = tpu.memref_slice %arg14[%dma_wait3A_53] : memref<10000xf32, #tpu.memory_space<vmem_shared>> -> memref<640xf32, #tpu.memory_space<vmem_shared>>
          %dma_wait3A_55 = arith.constant 0 : i32
          %dma_wait3A_56 = tpu.memref_slice %arg13[%dma_wait3A_55] : memref<640xf32, #tpu.memory_space<vmem>> -> memref<640xf32, #tpu.memory_space<vmem>>
          %dma_wait3A_57 = arith.constant 9360 : i32
          %dma_wait3A_58 = tpu.memref_slice %arg14[%dma_wait3A_57] : memref<10000xf32, #tpu.memory_space<vmem_shared>> -> memref<640xf32, #tpu.memory_space<vmem_shared>>
          tpu.wait_dma2 semaphore(%run_scoped3A : memref<!tpu.dma_semaphore, #tpu.memory_space<semaphore_mem>>) src(%dma_wait3A_58 : memref<640xf32, #tpu.memory_space<vmem_shared>>) dst(%dma_wait3A_56 : memref<640xf32, #tpu.memory_space<vmem>>)
          tpu.yield
        }) : () -> ()
        "tpu.region"() ({
          %run_scoped3A = tpu.sem_alloc : memref<!tpu.dma_semaphore, #tpu.memory_space<semaphore_mem>>
          %dma_start3A_43 = arith.constant 0 : i32
          %dma_start3A_44 = tpu.memref_slice %arg13[%dma_start3A_43] : memref<640xf32, #tpu.memory_space<vmem>> -> memref<640xf32, #tpu.memory_space<vmem>>
          %dma_start3A_45 = arith.constant 9360 : i32
          %dma_start3A_46 = tpu.memref_slice %arg6[%dma_start3A_45] : memref<10000xf32, #tpu.memory_space<hbm>> -> memref<640xf32, #tpu.memory_space<hbm>>
          %dma_start3A_47 = arith.constant 9360 : i32
          %dma_start3A_48 = tpu.memref_slice %arg6[%dma_start3A_47] : memref<10000xf32, #tpu.memory_space<hbm>> -> memref<640xf32, #tpu.memory_space<hbm>>
          %dma_start3A_49 = arith.constant 0 : i32
          %dma_start3A_50 = tpu.memref_slice %arg13[%dma_start3A_49] : memref<640xf32, #tpu.memory_space<vmem>> -> memref<640xf32, #tpu.memory_space<vmem>>
          tpu.enqueue_dma source(%dma_start3A_50 : memref<640xf32, #tpu.memory_space<vmem>>) target(%dma_start3A_48 : memref<640xf32, #tpu.memory_space<hbm>>) target_semaphore(%run_scoped3A : memref<!tpu.dma_semaphore, #tpu.memory_space<semaphore_mem>>)
          %dma_wait3A_51 = arith.constant 0 : i32
          %dma_wait3A_52 = tpu.memref_slice %arg13[%dma_wait3A_51] : memref<640xf32, #tpu.memory_space<vmem>> -> memref<640xf32, #tpu.memory_space<vmem>>
          %dma_wait3A_53 = arith.constant 9360 : i32
          %dma_wait3A_54 = tpu.memref_slice %arg6[%dma_wait3A_53] : memref<10000xf32, #tpu.memory_space<hbm>> -> memref<640xf32, #tpu.memory_space<hbm>>
          %dma_wait3A_55 = arith.constant 9360 : i32
          %dma_wait3A_56 = tpu.memref_slice %arg6[%dma_wait3A_55] : memref<10000xf32, #tpu.memory_space<hbm>> -> memref<640xf32, #tpu.memory_space<hbm>>
          %dma_wait3A_57 = arith.constant 0 : i32
          %dma_wait3A_58 = tpu.memref_slice %arg13[%dma_wait3A_57] : memref<640xf32, #tpu.memory_space<vmem>> -> memref<640xf32, #tpu.memory_space<vmem>>
          tpu.wait_dma2 semaphore(%run_scoped3A : memref<!tpu.dma_semaphore, #tpu.memory_space<semaphore_mem>>) src(%dma_wait3A_58 : memref<640xf32, #tpu.memory_space<vmem>>) dst(%dma_wait3A_56 : memref<640xf32, #tpu.memory_space<hbm>>)
          tpu.yield
        }) : () -> ()
      } else {
      }
    } else {
    }
    return
  }
}

#map = affine_map<(d0, d1) -> (0)>
#map1 = affine_map<(d0, d1) -> (0, 0)>
#map2 = affine_map<(d0, d1) -> (0, 0, 0)>
module attributes {stable_mosaic.version = 14 : i64} {
  func.func @_spmm_sc(%arg0: i32, %arg1: i32, %arg2: memref<320000xi32, #tpu.memory_space<hbm>>, %arg3: memref<320000xi32, #tpu.memory_space<hbm>>, %arg4: memref<10000x128xf32, #tpu.memory_space<hbm>>, %arg5: memref<10000x128xf32, #tpu.memory_space<hbm>>, %arg6: memref<2x10000x128xf32, #tpu.memory_space<hbm>>, %arg7: memref<104xi32, #tpu.memory_space<vmem>>, %arg8: memref<104xi32, #tpu.memory_space<vmem>>, %arg9: memref<104xi32, #tpu.memory_space<vmem>>, %arg10: memref<104xi32, #tpu.memory_space<vmem>>, %arg11: memref<104xi32, #tpu.memory_space<vmem>>, %arg12: memref<104xi32, #tpu.memory_space<vmem>>, %arg13: memref<104x128xf32, #tpu.memory_space<vmem>>, %arg14: memref<104x128xf32, #tpu.memory_space<vmem>>, %arg15: memref<104x128xf32, #tpu.memory_space<vmem>>, %arg16: memref<16xi32, #tpu.memory_space<vmem>>, %arg17: memref<16xi32, #tpu.memory_space<vmem>>, %arg18: memref<16x128xf32, #tpu.memory_space<vmem>>, %arg19: memref<10000x128xf32, #tpu.memory_space<vmem_shared>>, %arg20: memref<!tpu.dma_semaphore, #tpu.memory_space<semaphore_mem>>, %arg21: memref<!tpu.dma_semaphore, #tpu.memory_space<semaphore_mem>>, %arg22: memref<!tpu.dma_semaphore, #tpu.memory_space<semaphore_mem>>, %arg23: memref<!tpu.dma_semaphore, #tpu.memory_space<semaphore_mem>>, %arg24: memref<!tpu.dma_semaphore, #tpu.memory_space<semaphore_mem>>, %arg25: memref<!tpu.dma_semaphore, #tpu.memory_space<semaphore_mem>>, %arg26: memref<!tpu.dma_semaphore, #tpu.memory_space<semaphore_mem>>, %arg27: memref<!tpu.dma_semaphore, #tpu.memory_space<semaphore_mem>>, %arg28: memref<!tpu.dma_semaphore, #tpu.memory_space<semaphore_mem>>) attributes {dimension_semantics = [#tpu.dimension_semantics<core_parallel>, #tpu.dimension_semantics<subcore_parallel>], iteration_bounds = array<i64: 2, 16>, scalar_prefetch = 0 : i64, scratch_operands = 22 : i64, tpu.core_type = #tpu.core_type<sc_vector_subcore>, window_params = [{transform_indices = #map}, {transform_indices = #map}, {transform_indices = #map1}, {transform_indices = #map1}, {transform_indices = #map2}]} {
    %eq3A = arith.constant 0 : i32
    %eq3A_0 = arith.cmpi eq, %arg0, %eq3A : i32
    %convert_element_type3A = arith.extui %eq3A_0 : i1 to i32
    %cond3A = arith.constant 0 : i32
    %cond3A_1 = arith.cmpi ne, %convert_element_type3A, %cond3A : i32
    scf.if %cond3A_1 {
      %lt3A_52 = arith.constant 15 : i32
      %lt3A_53 = arith.cmpi slt, %arg1, %lt3A_52 : i32
      %convert_element_type3A_54 = arith.extui %lt3A_53 : i1 to i32
      %cond3A_55 = arith.constant 0 : i32
      %cond3A_56 = arith.cmpi ne, %convert_element_type3A_54, %cond3A_55 : i32
      scf.if %cond3A_56 {
        %mul3A_62 = arith.constant 624 : i32
        %mul3A_63 = arith.muli %arg1, %mul3A_62 : i32
        %multiple_of3A_64 = tpu.assume_multiple %mul3A_63, 8 : i32
        "tpu.region"() ({
          %run_scoped3A = tpu.sem_alloc : memref<!tpu.dma_semaphore, #tpu.memory_space<semaphore_mem>>
          %dma_start3A_65 = arith.constant 0 : i32
          %dma_start3A_66 = tpu.memref_slice %arg19[%multiple_of3A_64, %dma_start3A_65] : memref<10000x128xf32, #tpu.memory_space<vmem_shared>> -> memref<624x128xf32, #tpu.memory_space<vmem_shared>>
          %dma_start3A_67 = arith.constant 0 : i32
          %dma_start3A_68 = tpu.memref_slice %arg4[%multiple_of3A_64, %dma_start3A_67] : memref<10000x128xf32, #tpu.memory_space<hbm>> -> memref<624x128xf32, #tpu.memory_space<hbm>>
          tpu.enqueue_dma source(%dma_start3A_68 : memref<624x128xf32, #tpu.memory_space<hbm>>) target(%dma_start3A_66 : memref<624x128xf32, #tpu.memory_space<vmem_shared>>) target_semaphore(%run_scoped3A : memref<!tpu.dma_semaphore, #tpu.memory_space<semaphore_mem>>)
          %dma_wait3A_69 = arith.constant 0 : i32
          %dma_wait3A_70 = tpu.memref_slice %arg19[%multiple_of3A_64, %dma_wait3A_69] : memref<10000x128xf32, #tpu.memory_space<vmem_shared>> -> memref<624x128xf32, #tpu.memory_space<vmem_shared>>
          %dma_wait3A_71 = arith.constant 0 : i32
          %dma_wait3A_72 = tpu.memref_slice %arg4[%multiple_of3A_64, %dma_wait3A_71] : memref<10000x128xf32, #tpu.memory_space<hbm>> -> memref<624x128xf32, #tpu.memory_space<hbm>>
          tpu.wait_dma2 semaphore(%run_scoped3A : memref<!tpu.dma_semaphore, #tpu.memory_space<semaphore_mem>>) src(%dma_wait3A_72 : memref<624x128xf32, #tpu.memory_space<hbm>>) dst(%dma_wait3A_70 : memref<624x128xf32, #tpu.memory_space<vmem_shared>>)
          tpu.yield
        }) : () -> ()
      } else {
      }
      %eq3A_57 = arith.constant 15 : i32
      %eq3A_58 = arith.cmpi eq, %arg1, %eq3A_57 : i32
      %convert_element_type3A_59 = arith.extui %eq3A_58 : i1 to i32
      %cond3A_60 = arith.constant 0 : i32
      %cond3A_61 = arith.cmpi ne, %convert_element_type3A_59, %cond3A_60 : i32
      scf.if %cond3A_61 {
        "tpu.region"() ({
          %run_scoped3A = tpu.sem_alloc : memref<!tpu.dma_semaphore, #tpu.memory_space<semaphore_mem>>
          %dma_start3A_62 = arith.constant 9360 : i32
          %dma_start3A_63 = arith.constant 0 : i32
          %dma_start3A_64 = tpu.memref_slice %arg19[%dma_start3A_62, %dma_start3A_63] : memref<10000x128xf32, #tpu.memory_space<vmem_shared>> -> memref<640x128xf32, #tpu.memory_space<vmem_shared>>
          %dma_start3A_65 = arith.constant 9360 : i32
          %dma_start3A_66 = arith.constant 0 : i32
          %dma_start3A_67 = tpu.memref_slice %arg4[%dma_start3A_65, %dma_start3A_66] : memref<10000x128xf32, #tpu.memory_space<hbm>> -> memref<640x128xf32, #tpu.memory_space<hbm>>
          tpu.enqueue_dma source(%dma_start3A_67 : memref<640x128xf32, #tpu.memory_space<hbm>>) target(%dma_start3A_64 : memref<640x128xf32, #tpu.memory_space<vmem_shared>>) target_semaphore(%run_scoped3A : memref<!tpu.dma_semaphore, #tpu.memory_space<semaphore_mem>>)
          %dma_wait3A_68 = arith.constant 9360 : i32
          %dma_wait3A_69 = arith.constant 0 : i32
          %dma_wait3A_70 = tpu.memref_slice %arg19[%dma_wait3A_68, %dma_wait3A_69] : memref<10000x128xf32, #tpu.memory_space<vmem_shared>> -> memref<640x128xf32, #tpu.memory_space<vmem_shared>>
          %dma_wait3A_71 = arith.constant 9360 : i32
          %dma_wait3A_72 = arith.constant 0 : i32
          %dma_wait3A_73 = tpu.memref_slice %arg4[%dma_wait3A_71, %dma_wait3A_72] : memref<10000x128xf32, #tpu.memory_space<hbm>> -> memref<640x128xf32, #tpu.memory_space<hbm>>
          tpu.wait_dma2 semaphore(%run_scoped3A : memref<!tpu.dma_semaphore, #tpu.memory_space<semaphore_mem>>) src(%dma_wait3A_73 : memref<640x128xf32, #tpu.memory_space<hbm>>) dst(%dma_wait3A_70 : memref<640x128xf32, #tpu.memory_space<vmem_shared>>)
          tpu.yield
        }) : () -> ()
      } else {
      }
    } else {
    }
    %ne3A = arith.constant 0 : i32
    %ne3A_2 = arith.cmpi ne, %arg0, %ne3A : i32
    %convert_element_type3A_3 = arith.extui %ne3A_2 : i1 to i32
    %cond3A_4 = arith.constant 0 : i32
    %cond3A_5 = arith.cmpi ne, %convert_element_type3A_3, %cond3A_4 : i32
    scf.if %cond3A_5 {
      %lt3A_52 = arith.constant 15 : i32
      %lt3A_53 = arith.cmpi slt, %arg1, %lt3A_52 : i32
      %convert_element_type3A_54 = arith.extui %lt3A_53 : i1 to i32
      %cond3A_55 = arith.constant 0 : i32
      %cond3A_56 = arith.cmpi ne, %convert_element_type3A_54, %cond3A_55 : i32
      scf.if %cond3A_56 {
        %mul3A_62 = arith.constant 624 : i32
        %mul3A_63 = arith.muli %arg1, %mul3A_62 : i32
        %multiple_of3A_64 = tpu.assume_multiple %mul3A_63, 8 : i32
        "tpu.region"() ({
          %run_scoped3A = tpu.sem_alloc : memref<!tpu.dma_semaphore, #tpu.memory_space<semaphore_mem>>
          %dma_start3A_65 = arith.constant 0 : i32
          %dma_start3A_66 = tpu.memref_slice %arg19[%multiple_of3A_64, %dma_start3A_65] : memref<10000x128xf32, #tpu.memory_space<vmem_shared>> -> memref<624x128xf32, #tpu.memory_space<vmem_shared>>
          %dma_start3A_67 = arith.constant 0 : i32
          %dma_start3A_68 = tpu.memref_slice %arg5[%multiple_of3A_64, %dma_start3A_67] : memref<10000x128xf32, #tpu.memory_space<hbm>> -> memref<624x128xf32, #tpu.memory_space<hbm>>
          tpu.enqueue_dma source(%dma_start3A_68 : memref<624x128xf32, #tpu.memory_space<hbm>>) target(%dma_start3A_66 : memref<624x128xf32, #tpu.memory_space<vmem_shared>>) target_semaphore(%run_scoped3A : memref<!tpu.dma_semaphore, #tpu.memory_space<semaphore_mem>>)
          %dma_wait3A_69 = arith.constant 0 : i32
          %dma_wait3A_70 = tpu.memref_slice %arg19[%multiple_of3A_64, %dma_wait3A_69] : memref<10000x128xf32, #tpu.memory_space<vmem_shared>> -> memref<624x128xf32, #tpu.memory_space<vmem_shared>>
          %dma_wait3A_71 = arith.constant 0 : i32
          %dma_wait3A_72 = tpu.memref_slice %arg5[%multiple_of3A_64, %dma_wait3A_71] : memref<10000x128xf32, #tpu.memory_space<hbm>> -> memref<624x128xf32, #tpu.memory_space<hbm>>
          tpu.wait_dma2 semaphore(%run_scoped3A : memref<!tpu.dma_semaphore, #tpu.memory_space<semaphore_mem>>) src(%dma_wait3A_72 : memref<624x128xf32, #tpu.memory_space<hbm>>) dst(%dma_wait3A_70 : memref<624x128xf32, #tpu.memory_space<vmem_shared>>)
          tpu.yield
        }) : () -> ()
      } else {
      }
      %eq3A_57 = arith.constant 15 : i32
      %eq3A_58 = arith.cmpi eq, %arg1, %eq3A_57 : i32
      %convert_element_type3A_59 = arith.extui %eq3A_58 : i1 to i32
      %cond3A_60 = arith.constant 0 : i32
      %cond3A_61 = arith.cmpi ne, %convert_element_type3A_59, %cond3A_60 : i32
      scf.if %cond3A_61 {
        "tpu.region"() ({
          %run_scoped3A = tpu.sem_alloc : memref<!tpu.dma_semaphore, #tpu.memory_space<semaphore_mem>>
          %dma_start3A_62 = arith.constant 9360 : i32
          %dma_start3A_63 = arith.constant 0 : i32
          %dma_start3A_64 = tpu.memref_slice %arg19[%dma_start3A_62, %dma_start3A_63] : memref<10000x128xf32, #tpu.memory_space<vmem_shared>> -> memref<640x128xf32, #tpu.memory_space<vmem_shared>>
          %dma_start3A_65 = arith.constant 9360 : i32
          %dma_start3A_66 = arith.constant 0 : i32
          %dma_start3A_67 = tpu.memref_slice %arg5[%dma_start3A_65, %dma_start3A_66] : memref<10000x128xf32, #tpu.memory_space<hbm>> -> memref<640x128xf32, #tpu.memory_space<hbm>>
          tpu.enqueue_dma source(%dma_start3A_67 : memref<640x128xf32, #tpu.memory_space<hbm>>) target(%dma_start3A_64 : memref<640x128xf32, #tpu.memory_space<vmem_shared>>) target_semaphore(%run_scoped3A : memref<!tpu.dma_semaphore, #tpu.memory_space<semaphore_mem>>)
          %dma_wait3A_68 = arith.constant 9360 : i32
          %dma_wait3A_69 = arith.constant 0 : i32
          %dma_wait3A_70 = tpu.memref_slice %arg19[%dma_wait3A_68, %dma_wait3A_69] : memref<10000x128xf32, #tpu.memory_space<vmem_shared>> -> memref<640x128xf32, #tpu.memory_space<vmem_shared>>
          %dma_wait3A_71 = arith.constant 9360 : i32
          %dma_wait3A_72 = arith.constant 0 : i32
          %dma_wait3A_73 = tpu.memref_slice %arg5[%dma_wait3A_71, %dma_wait3A_72] : memref<10000x128xf32, #tpu.memory_space<hbm>> -> memref<640x128xf32, #tpu.memory_space<hbm>>
          tpu.wait_dma2 semaphore(%run_scoped3A : memref<!tpu.dma_semaphore, #tpu.memory_space<semaphore_mem>>) src(%dma_wait3A_73 : memref<640x128xf32, #tpu.memory_space<hbm>>) dst(%dma_wait3A_70 : memref<640x128xf32, #tpu.memory_space<vmem_shared>>)
          tpu.yield
        }) : () -> ()
      } else {
      }
    } else {
    }
    %barrier3A = arith.constant 0 : index
    tpu.barrier barrier_id(%barrier3A)
    %mul3A = arith.constant 16 : i32
    %mul3A_6 = arith.muli %arg0, %mul3A : i32
    %add3A = arith.addi %mul3A_6, %arg1 : i32
    %mul3A_7 = arith.constant 10000 : i32
    %mul3A_8 = arith.muli %add3A, %mul3A_7 : i32
    %add3A_9 = arith.constant 0 : i32
    %add3A_10 = arith.addi %mul3A_8, %add3A_9 : i32
    %multiple_of3A = tpu.assume_multiple %add3A_10, 8 : i32
    %dma_start3A = tpu.memref_slice %arg2[%multiple_of3A] : memref<320000xi32, #tpu.memory_space<hbm>> -> memref<104xi32, #tpu.memory_space<hbm>>
    %dma_start3A_11 = tpu.memref_slice %arg2[%multiple_of3A] : memref<320000xi32, #tpu.memory_space<hbm>> -> memref<104xi32, #tpu.memory_space<hbm>>
    tpu.enqueue_dma source(%dma_start3A_11 : memref<104xi32, #tpu.memory_space<hbm>>) target(%arg7 : memref<104xi32, #tpu.memory_space<vmem>>) target_semaphore(%arg20 : memref<!tpu.dma_semaphore, #tpu.memory_space<semaphore_mem>>)
    %add3A_12 = arith.constant 0 : i32
    %add3A_13 = arith.addi %mul3A_8, %add3A_12 : i32
    %multiple_of3A_14 = tpu.assume_multiple %add3A_13, 8 : i32
    %dma_start3A_15 = tpu.memref_slice %arg3[%multiple_of3A_14] : memref<320000xi32, #tpu.memory_space<hbm>> -> memref<104xi32, #tpu.memory_space<hbm>>
    %dma_start3A_16 = tpu.memref_slice %arg3[%multiple_of3A_14] : memref<320000xi32, #tpu.memory_space<hbm>> -> memref<104xi32, #tpu.memory_space<hbm>>
    tpu.enqueue_dma source(%dma_start3A_16 : memref<104xi32, #tpu.memory_space<hbm>>) target(%arg10 : memref<104xi32, #tpu.memory_space<vmem>>) target_semaphore(%arg20 : memref<!tpu.dma_semaphore, #tpu.memory_space<semaphore_mem>>)
    %scan3A = arith.constant 0 : i32
    %scan3A_17 = arith.constant 0 : i32
    %scan3A_18 = arith.constant 96 : i32
    %scan3A_19 = arith.addi %scan3A_17, %scan3A_18 : i32
    %scan3A_20 = arith.constant 1 : i32
    scf.for %scan3A_52 = %scan3A_17 to %scan3A_19 step %scan3A_20  : i32 {
      %rem3A = arith.constant 3 : i32
      %rem3A_53 = arith.remsi %scan3A_52, %rem3A : i32
      %add3A_54 = arith.constant 1 : i32
      %add3A_55 = arith.addi %scan3A_52, %add3A_54 : i32
      %rem3A_56 = arith.constant 3 : i32
      %rem3A_57 = arith.remsi %add3A_55, %rem3A_56 : i32
      %add3A_58 = arith.constant 3 : i32
      %add3A_59 = arith.addi %scan3A_52, %add3A_58 : i32
      %sub3A = arith.constant 1 : i32
      %sub3A_60 = arith.subi %add3A_59, %sub3A : i32
      %rem3A_61 = arith.constant 3 : i32
      %rem3A_62 = arith.remsi %sub3A_60, %rem3A_61 : i32
      %ge3A = arith.constant 2 : i32
      %ge3A_63 = arith.cmpi sge, %scan3A_52, %ge3A : i32
      %convert_element_type3A_64 = arith.extui %ge3A_63 : i1 to i32
      %cond3A_65 = arith.constant 0 : i32
      %cond3A_66 = arith.cmpi ne, %convert_element_type3A_64, %cond3A_65 : i32
      scf.if %cond3A_66 {
        %eq3A_106 = arith.constant 0 : i32
        %eq3A_107 = arith.cmpi eq, %rem3A_57, %eq3A_106 : i32
        %convert_element_type3A_108 = arith.extui %eq3A_107 : i1 to i32
        %cond3A_109 = arith.constant 0 : i32
        %cond3A_110 = arith.cmpi ne, %convert_element_type3A_108, %cond3A_109 : i32
        scf.if %cond3A_110 {
          %dma_wait3A_121 = arith.constant 0 : i32
          %dma_wait3A_122 = arith.constant 0 : i32
          %dma_wait3A_123 = tpu.memref_slice %arg19[%dma_wait3A_121, %dma_wait3A_122] : memref<10000x128xf32, #tpu.memory_space<vmem_shared>> -> memref<10000x128xf32, #tpu.memory_space<vmem_shared>>
          tpu.wait_indirect_dma semaphore(%arg26 : memref<!tpu.dma_semaphore, #tpu.memory_space<semaphore_mem>>) src(%arg13 : memref<104x128xf32, #tpu.memory_space<vmem>>) dst(%dma_wait3A_123 : memref<10000x128xf32, #tpu.memory_space<vmem_shared>>)
        } else {
        }
        %eq3A_111 = arith.constant 1 : i32
        %eq3A_112 = arith.cmpi eq, %rem3A_57, %eq3A_111 : i32
        %convert_element_type3A_113 = arith.extui %eq3A_112 : i1 to i32
        %cond3A_114 = arith.constant 0 : i32
        %cond3A_115 = arith.cmpi ne, %convert_element_type3A_113, %cond3A_114 : i32
        scf.if %cond3A_115 {
          %dma_wait3A_121 = arith.constant 0 : i32
          %dma_wait3A_122 = arith.constant 0 : i32
          %dma_wait3A_123 = tpu.memref_slice %arg19[%dma_wait3A_121, %dma_wait3A_122] : memref<10000x128xf32, #tpu.memory_space<vmem_shared>> -> memref<10000x128xf32, #tpu.memory_space<vmem_shared>>
          tpu.wait_indirect_dma semaphore(%arg27 : memref<!tpu.dma_semaphore, #tpu.memory_space<semaphore_mem>>) src(%arg14 : memref<104x128xf32, #tpu.memory_space<vmem>>) dst(%dma_wait3A_123 : memref<10000x128xf32, #tpu.memory_space<vmem_shared>>)
        } else {
        }
        %eq3A_116 = arith.constant 2 : i32
        %eq3A_117 = arith.cmpi eq, %rem3A_57, %eq3A_116 : i32
        %convert_element_type3A_118 = arith.extui %eq3A_117 : i1 to i32
        %cond3A_119 = arith.constant 0 : i32
        %cond3A_120 = arith.cmpi ne, %convert_element_type3A_118, %cond3A_119 : i32
        scf.if %cond3A_120 {
          %dma_wait3A_121 = arith.constant 0 : i32
          %dma_wait3A_122 = arith.constant 0 : i32
          %dma_wait3A_123 = tpu.memref_slice %arg19[%dma_wait3A_121, %dma_wait3A_122] : memref<10000x128xf32, #tpu.memory_space<vmem_shared>> -> memref<10000x128xf32, #tpu.memory_space<vmem_shared>>
          tpu.wait_indirect_dma semaphore(%arg28 : memref<!tpu.dma_semaphore, #tpu.memory_space<semaphore_mem>>) src(%arg15 : memref<104x128xf32, #tpu.memory_space<vmem>>) dst(%dma_wait3A_123 : memref<10000x128xf32, #tpu.memory_space<vmem_shared>>)
        } else {
        }
      } else {
      }
      %le3A = arith.constant 94 : i32
      %le3A_67 = arith.cmpi sle, %scan3A_52, %le3A : i32
      %convert_element_type3A_68 = arith.extui %le3A_67 : i1 to i32
      %cond3A_69 = arith.constant 0 : i32
      %cond3A_70 = arith.cmpi ne, %convert_element_type3A_68, %cond3A_69 : i32
      scf.if %cond3A_70 {
        %eq3A_106 = arith.constant 0 : i32
        %eq3A_107 = arith.cmpi eq, %rem3A_57, %eq3A_106 : i32
        %convert_element_type3A_108 = arith.extui %eq3A_107 : i1 to i32
        %cond3A_109 = arith.constant 0 : i32
        %cond3A_110 = arith.cmpi ne, %convert_element_type3A_108, %cond3A_109 : i32
        scf.if %cond3A_110 {
          %add3A_121 = arith.constant 1 : i32
          %add3A_122 = arith.addi %scan3A_52, %add3A_121 : i32
          %mul3A_123 = arith.constant 104 : i32
          %mul3A_124 = arith.muli %add3A_122, %mul3A_123 : i32
          %add3A_125 = arith.addi %mul3A_8, %mul3A_124 : i32
          %multiple_of3A_126 = tpu.assume_multiple %add3A_125, 8 : i32
          %dma_start3A_127 = tpu.memref_slice %arg2[%multiple_of3A_126] : memref<320000xi32, #tpu.memory_space<hbm>> -> memref<104xi32, #tpu.memory_space<hbm>>
          %dma_start3A_128 = tpu.memref_slice %arg2[%multiple_of3A_126] : memref<320000xi32, #tpu.memory_space<hbm>> -> memref<104xi32, #tpu.memory_space<hbm>>
          tpu.enqueue_dma source(%dma_start3A_128 : memref<104xi32, #tpu.memory_space<hbm>>) target(%arg7 : memref<104xi32, #tpu.memory_space<vmem>>) target_semaphore(%arg20 : memref<!tpu.dma_semaphore, #tpu.memory_space<semaphore_mem>>)
          %mul3A_129 = arith.constant 104 : i32
          %mul3A_130 = arith.muli %add3A_122, %mul3A_129 : i32
          %add3A_131 = arith.addi %mul3A_8, %mul3A_130 : i32
          %multiple_of3A_132 = tpu.assume_multiple %add3A_131, 8 : i32
          %dma_start3A_133 = tpu.memref_slice %arg3[%multiple_of3A_132] : memref<320000xi32, #tpu.memory_space<hbm>> -> memref<104xi32, #tpu.memory_space<hbm>>
          %dma_start3A_134 = tpu.memref_slice %arg3[%multiple_of3A_132] : memref<320000xi32, #tpu.memory_space<hbm>> -> memref<104xi32, #tpu.memory_space<hbm>>
          tpu.enqueue_dma source(%dma_start3A_134 : memref<104xi32, #tpu.memory_space<hbm>>) target(%arg10 : memref<104xi32, #tpu.memory_space<vmem>>) target_semaphore(%arg20 : memref<!tpu.dma_semaphore, #tpu.memory_space<semaphore_mem>>)
        } else {
        }
        %eq3A_111 = arith.constant 1 : i32
        %eq3A_112 = arith.cmpi eq, %rem3A_57, %eq3A_111 : i32
        %convert_element_type3A_113 = arith.extui %eq3A_112 : i1 to i32
        %cond3A_114 = arith.constant 0 : i32
        %cond3A_115 = arith.cmpi ne, %convert_element_type3A_113, %cond3A_114 : i32
        scf.if %cond3A_115 {
          %add3A_121 = arith.constant 1 : i32
          %add3A_122 = arith.addi %scan3A_52, %add3A_121 : i32
          %mul3A_123 = arith.constant 104 : i32
          %mul3A_124 = arith.muli %add3A_122, %mul3A_123 : i32
          %add3A_125 = arith.addi %mul3A_8, %mul3A_124 : i32
          %multiple_of3A_126 = tpu.assume_multiple %add3A_125, 8 : i32
          %dma_start3A_127 = tpu.memref_slice %arg2[%multiple_of3A_126] : memref<320000xi32, #tpu.memory_space<hbm>> -> memref<104xi32, #tpu.memory_space<hbm>>
          %dma_start3A_128 = tpu.memref_slice %arg2[%multiple_of3A_126] : memref<320000xi32, #tpu.memory_space<hbm>> -> memref<104xi32, #tpu.memory_space<hbm>>
          tpu.enqueue_dma source(%dma_start3A_128 : memref<104xi32, #tpu.memory_space<hbm>>) target(%arg8 : memref<104xi32, #tpu.memory_space<vmem>>) target_semaphore(%arg21 : memref<!tpu.dma_semaphore, #tpu.memory_space<semaphore_mem>>)
          %mul3A_129 = arith.constant 104 : i32
          %mul3A_130 = arith.muli %add3A_122, %mul3A_129 : i32
          %add3A_131 = arith.addi %mul3A_8, %mul3A_130 : i32
          %multiple_of3A_132 = tpu.assume_multiple %add3A_131, 8 : i32
          %dma_start3A_133 = tpu.memref_slice %arg3[%multiple_of3A_132] : memref<320000xi32, #tpu.memory_space<hbm>> -> memref<104xi32, #tpu.memory_space<hbm>>
          %dma_start3A_134 = tpu.memref_slice %arg3[%multiple_of3A_132] : memref<320000xi32, #tpu.memory_space<hbm>> -> memref<104xi32, #tpu.memory_space<hbm>>
          tpu.enqueue_dma source(%dma_start3A_134 : memref<104xi32, #tpu.memory_space<hbm>>) target(%arg11 : memref<104xi32, #tpu.memory_space<vmem>>) target_semaphore(%arg21 : memref<!tpu.dma_semaphore, #tpu.memory_space<semaphore_mem>>)
        } else {
        }
        %eq3A_116 = arith.constant 2 : i32
        %eq3A_117 = arith.cmpi eq, %rem3A_57, %eq3A_116 : i32
        %convert_element_type3A_118 = arith.extui %eq3A_117 : i1 to i32
        %cond3A_119 = arith.constant 0 : i32
        %cond3A_120 = arith.cmpi ne, %convert_element_type3A_118, %cond3A_119 : i32
        scf.if %cond3A_120 {
          %add3A_121 = arith.constant 1 : i32
          %add3A_122 = arith.addi %scan3A_52, %add3A_121 : i32
          %mul3A_123 = arith.constant 104 : i32
          %mul3A_124 = arith.muli %add3A_122, %mul3A_123 : i32
          %add3A_125 = arith.addi %mul3A_8, %mul3A_124 : i32
          %multiple_of3A_126 = tpu.assume_multiple %add3A_125, 8 : i32
          %dma_start3A_127 = tpu.memref_slice %arg2[%multiple_of3A_126] : memref<320000xi32, #tpu.memory_space<hbm>> -> memref<104xi32, #tpu.memory_space<hbm>>
          %dma_start3A_128 = tpu.memref_slice %arg2[%multiple_of3A_126] : memref<320000xi32, #tpu.memory_space<hbm>> -> memref<104xi32, #tpu.memory_space<hbm>>
          tpu.enqueue_dma source(%dma_start3A_128 : memref<104xi32, #tpu.memory_space<hbm>>) target(%arg9 : memref<104xi32, #tpu.memory_space<vmem>>) target_semaphore(%arg22 : memref<!tpu.dma_semaphore, #tpu.memory_space<semaphore_mem>>)
          %mul3A_129 = arith.constant 104 : i32
          %mul3A_130 = arith.muli %add3A_122, %mul3A_129 : i32
          %add3A_131 = arith.addi %mul3A_8, %mul3A_130 : i32
          %multiple_of3A_132 = tpu.assume_multiple %add3A_131, 8 : i32
          %dma_start3A_133 = tpu.memref_slice %arg3[%multiple_of3A_132] : memref<320000xi32, #tpu.memory_space<hbm>> -> memref<104xi32, #tpu.memory_space<hbm>>
          %dma_start3A_134 = tpu.memref_slice %arg3[%multiple_of3A_132] : memref<320000xi32, #tpu.memory_space<hbm>> -> memref<104xi32, #tpu.memory_space<hbm>>
          tpu.enqueue_dma source(%dma_start3A_134 : memref<104xi32, #tpu.memory_space<hbm>>) target(%arg12 : memref<104xi32, #tpu.memory_space<vmem>>) target_semaphore(%arg22 : memref<!tpu.dma_semaphore, #tpu.memory_space<semaphore_mem>>)
        } else {
        }
      } else {
      }
      %ge3A_71 = arith.constant 1 : i32
      %ge3A_72 = arith.cmpi sge, %scan3A_52, %ge3A_71 : i32
      %convert_element_type3A_73 = arith.extui %ge3A_72 : i1 to i32
      %cond3A_74 = arith.constant 0 : i32
      %cond3A_75 = arith.cmpi ne, %convert_element_type3A_73, %cond3A_74 : i32
      scf.if %cond3A_75 {
        %eq3A_106 = arith.constant 0 : i32
        %eq3A_107 = arith.cmpi eq, %rem3A_62, %eq3A_106 : i32
        %convert_element_type3A_108 = arith.extui %eq3A_107 : i1 to i32
        %cond3A_109 = arith.constant 0 : i32
        %cond3A_110 = arith.cmpi ne, %convert_element_type3A_108, %cond3A_109 : i32
        scf.if %cond3A_110 {
          %dma_wait3A_136 = arith.constant 0 : i32
          %dma_wait3A_137 = arith.constant 0 : i32
          %dma_wait3A_138 = tpu.memref_slice %arg4[%dma_wait3A_136, %dma_wait3A_137] : memref<10000x128xf32, #tpu.memory_space<hbm>> -> memref<10000x128xf32, #tpu.memory_space<hbm>>
          tpu.wait_indirect_dma semaphore(%arg23 : memref<!tpu.dma_semaphore, #tpu.memory_space<semaphore_mem>>) src(%dma_wait3A_138 : memref<10000x128xf32, #tpu.memory_space<hbm>>) dst(%arg13 : memref<104x128xf32, #tpu.memory_space<vmem>>)
        } else {
        }
        %eq3A_111 = arith.constant 1 : i32
        %eq3A_112 = arith.cmpi eq, %rem3A_62, %eq3A_111 : i32
        %convert_element_type3A_113 = arith.extui %eq3A_112 : i1 to i32
        %cond3A_114 = arith.constant 0 : i32
        %cond3A_115 = arith.cmpi ne, %convert_element_type3A_113, %cond3A_114 : i32
        scf.if %cond3A_115 {
          %dma_wait3A_136 = arith.constant 0 : i32
          %dma_wait3A_137 = arith.constant 0 : i32
          %dma_wait3A_138 = tpu.memref_slice %arg4[%dma_wait3A_136, %dma_wait3A_137] : memref<10000x128xf32, #tpu.memory_space<hbm>> -> memref<10000x128xf32, #tpu.memory_space<hbm>>
          tpu.wait_indirect_dma semaphore(%arg24 : memref<!tpu.dma_semaphore, #tpu.memory_space<semaphore_mem>>) src(%dma_wait3A_138 : memref<10000x128xf32, #tpu.memory_space<hbm>>) dst(%arg14 : memref<104x128xf32, #tpu.memory_space<vmem>>)
        } else {
        }
        %eq3A_116 = arith.constant 2 : i32
        %eq3A_117 = arith.cmpi eq, %rem3A_62, %eq3A_116 : i32
        %convert_element_type3A_118 = arith.extui %eq3A_117 : i1 to i32
        %cond3A_119 = arith.constant 0 : i32
        %cond3A_120 = arith.cmpi ne, %convert_element_type3A_118, %cond3A_119 : i32
        scf.if %cond3A_120 {
          %dma_wait3A_136 = arith.constant 0 : i32
          %dma_wait3A_137 = arith.constant 0 : i32
          %dma_wait3A_138 = tpu.memref_slice %arg4[%dma_wait3A_136, %dma_wait3A_137] : memref<10000x128xf32, #tpu.memory_space<hbm>> -> memref<10000x128xf32, #tpu.memory_space<hbm>>
          tpu.wait_indirect_dma semaphore(%arg25 : memref<!tpu.dma_semaphore, #tpu.memory_space<semaphore_mem>>) src(%dma_wait3A_138 : memref<10000x128xf32, #tpu.memory_space<hbm>>) dst(%arg15 : memref<104x128xf32, #tpu.memory_space<vmem>>)
        } else {
        }
        %eq3A_121 = arith.constant 0 : i32
        %eq3A_122 = arith.cmpi eq, %rem3A_62, %eq3A_121 : i32
        %convert_element_type3A_123 = arith.extui %eq3A_122 : i1 to i32
        %cond3A_124 = arith.constant 0 : i32
        %cond3A_125 = arith.cmpi ne, %convert_element_type3A_123, %cond3A_124 : i32
        scf.if %cond3A_125 {
          %dma_start3A_136 = arith.constant 0 : i32
          %dma_start3A_137 = arith.constant 0 : i32
          %dma_start3A_138 = tpu.memref_slice %arg19[%dma_start3A_136, %dma_start3A_137] : memref<10000x128xf32, #tpu.memory_space<vmem_shared>> -> memref<10000x128xf32, #tpu.memory_space<vmem_shared>>
          tpu.enqueue_indirect_dma source(%arg13 : memref<104x128xf32, #tpu.memory_space<vmem>>) target(%dma_start3A_138 : memref<10000x128xf32, #tpu.memory_space<vmem_shared>>) offsets(%arg10 : memref<104xi32, #tpu.memory_space<vmem>>) semaphore(%arg26 : memref<!tpu.dma_semaphore, #tpu.memory_space<semaphore_mem>>) {add = true}
        } else {
        }
        %eq3A_126 = arith.constant 1 : i32
        %eq3A_127 = arith.cmpi eq, %rem3A_62, %eq3A_126 : i32
        %convert_element_type3A_128 = arith.extui %eq3A_127 : i1 to i32
        %cond3A_129 = arith.constant 0 : i32
        %cond3A_130 = arith.cmpi ne, %convert_element_type3A_128, %cond3A_129 : i32
        scf.if %cond3A_130 {
          %dma_start3A_136 = arith.constant 0 : i32
          %dma_start3A_137 = arith.constant 0 : i32
          %dma_start3A_138 = tpu.memref_slice %arg19[%dma_start3A_136, %dma_start3A_137] : memref<10000x128xf32, #tpu.memory_space<vmem_shared>> -> memref<10000x128xf32, #tpu.memory_space<vmem_shared>>
          tpu.enqueue_indirect_dma source(%arg14 : memref<104x128xf32, #tpu.memory_space<vmem>>) target(%dma_start3A_138 : memref<10000x128xf32, #tpu.memory_space<vmem_shared>>) offsets(%arg11 : memref<104xi32, #tpu.memory_space<vmem>>) semaphore(%arg27 : memref<!tpu.dma_semaphore, #tpu.memory_space<semaphore_mem>>) {add = true}
        } else {
        }
        %eq3A_131 = arith.constant 2 : i32
        %eq3A_132 = arith.cmpi eq, %rem3A_62, %eq3A_131 : i32
        %convert_element_type3A_133 = arith.extui %eq3A_132 : i1 to i32
        %cond3A_134 = arith.constant 0 : i32
        %cond3A_135 = arith.cmpi ne, %convert_element_type3A_133, %cond3A_134 : i32
        scf.if %cond3A_135 {
          %dma_start3A_136 = arith.constant 0 : i32
          %dma_start3A_137 = arith.constant 0 : i32
          %dma_start3A_138 = tpu.memref_slice %arg19[%dma_start3A_136, %dma_start3A_137] : memref<10000x128xf32, #tpu.memory_space<vmem_shared>> -> memref<10000x128xf32, #tpu.memory_space<vmem_shared>>
          tpu.enqueue_indirect_dma source(%arg15 : memref<104x128xf32, #tpu.memory_space<vmem>>) target(%dma_start3A_138 : memref<10000x128xf32, #tpu.memory_space<vmem_shared>>) offsets(%arg12 : memref<104xi32, #tpu.memory_space<vmem>>) semaphore(%arg28 : memref<!tpu.dma_semaphore, #tpu.memory_space<semaphore_mem>>) {add = true}
        } else {
        }
      } else {
      }
      %eq3A_76 = arith.constant 0 : i32
      %eq3A_77 = arith.cmpi eq, %rem3A_53, %eq3A_76 : i32
      %convert_element_type3A_78 = arith.extui %eq3A_77 : i1 to i32
      %cond3A_79 = arith.constant 0 : i32
      %cond3A_80 = arith.cmpi ne, %convert_element_type3A_78, %cond3A_79 : i32
      scf.if %cond3A_80 {
        %mul3A_106 = arith.constant 104 : i32
        %mul3A_107 = arith.muli %scan3A_52, %mul3A_106 : i32
        %add3A_108 = arith.addi %mul3A_8, %mul3A_107 : i32
        %multiple_of3A_109 = tpu.assume_multiple %add3A_108, 8 : i32
        %dma_wait3A_110 = tpu.memref_slice %arg2[%multiple_of3A_109] : memref<320000xi32, #tpu.memory_space<hbm>> -> memref<104xi32, #tpu.memory_space<hbm>>
        %dma_wait3A_111 = tpu.memref_slice %arg2[%multiple_of3A_109] : memref<320000xi32, #tpu.memory_space<hbm>> -> memref<104xi32, #tpu.memory_space<hbm>>
        tpu.wait_dma2 semaphore(%arg20 : memref<!tpu.dma_semaphore, #tpu.memory_space<semaphore_mem>>) src(%dma_wait3A_111 : memref<104xi32, #tpu.memory_space<hbm>>) dst(%arg7 : memref<104xi32, #tpu.memory_space<vmem>>)
        %mul3A_112 = arith.constant 104 : i32
        %mul3A_113 = arith.muli %scan3A_52, %mul3A_112 : i32
        %add3A_114 = arith.addi %mul3A_8, %mul3A_113 : i32
        %multiple_of3A_115 = tpu.assume_multiple %add3A_114, 8 : i32
        %dma_wait3A_116 = tpu.memref_slice %arg3[%multiple_of3A_115] : memref<320000xi32, #tpu.memory_space<hbm>> -> memref<104xi32, #tpu.memory_space<hbm>>
        %dma_wait3A_117 = tpu.memref_slice %arg3[%multiple_of3A_115] : memref<320000xi32, #tpu.memory_space<hbm>> -> memref<104xi32, #tpu.memory_space<hbm>>
        tpu.wait_dma2 semaphore(%arg20 : memref<!tpu.dma_semaphore, #tpu.memory_space<semaphore_mem>>) src(%dma_wait3A_117 : memref<104xi32, #tpu.memory_space<hbm>>) dst(%arg10 : memref<104xi32, #tpu.memory_space<vmem>>)
      } else {
      }
      %eq3A_81 = arith.constant 1 : i32
      %eq3A_82 = arith.cmpi eq, %rem3A_53, %eq3A_81 : i32
      %convert_element_type3A_83 = arith.extui %eq3A_82 : i1 to i32
      %cond3A_84 = arith.constant 0 : i32
      %cond3A_85 = arith.cmpi ne, %convert_element_type3A_83, %cond3A_84 : i32
      scf.if %cond3A_85 {
        %mul3A_106 = arith.constant 104 : i32
        %mul3A_107 = arith.muli %scan3A_52, %mul3A_106 : i32
        %add3A_108 = arith.addi %mul3A_8, %mul3A_107 : i32
        %multiple_of3A_109 = tpu.assume_multiple %add3A_108, 8 : i32
        %dma_wait3A_110 = tpu.memref_slice %arg2[%multiple_of3A_109] : memref<320000xi32, #tpu.memory_space<hbm>> -> memref<104xi32, #tpu.memory_space<hbm>>
        %dma_wait3A_111 = tpu.memref_slice %arg2[%multiple_of3A_109] : memref<320000xi32, #tpu.memory_space<hbm>> -> memref<104xi32, #tpu.memory_space<hbm>>
        tpu.wait_dma2 semaphore(%arg21 : memref<!tpu.dma_semaphore, #tpu.memory_space<semaphore_mem>>) src(%dma_wait3A_111 : memref<104xi32, #tpu.memory_space<hbm>>) dst(%arg8 : memref<104xi32, #tpu.memory_space<vmem>>)
        %mul3A_112 = arith.constant 104 : i32
        %mul3A_113 = arith.muli %scan3A_52, %mul3A_112 : i32
        %add3A_114 = arith.addi %mul3A_8, %mul3A_113 : i32
        %multiple_of3A_115 = tpu.assume_multiple %add3A_114, 8 : i32
        %dma_wait3A_116 = tpu.memref_slice %arg3[%multiple_of3A_115] : memref<320000xi32, #tpu.memory_space<hbm>> -> memref<104xi32, #tpu.memory_space<hbm>>
        %dma_wait3A_117 = tpu.memref_slice %arg3[%multiple_of3A_115] : memref<320000xi32, #tpu.memory_space<hbm>> -> memref<104xi32, #tpu.memory_space<hbm>>
        tpu.wait_dma2 semaphore(%arg21 : memref<!tpu.dma_semaphore, #tpu.memory_space<semaphore_mem>>) src(%dma_wait3A_117 : memref<104xi32, #tpu.memory_space<hbm>>) dst(%arg11 : memref<104xi32, #tpu.memory_space<vmem>>)
      } else {
      }
      %eq3A_86 = arith.constant 2 : i32
      %eq3A_87 = arith.cmpi eq, %rem3A_53, %eq3A_86 : i32
      %convert_element_type3A_88 = arith.extui %eq3A_87 : i1 to i32
      %cond3A_89 = arith.constant 0 : i32
      %cond3A_90 = arith.cmpi ne, %convert_element_type3A_88, %cond3A_89 : i32
      scf.if %cond3A_90 {
        %mul3A_106 = arith.constant 104 : i32
        %mul3A_107 = arith.muli %scan3A_52, %mul3A_106 : i32
        %add3A_108 = arith.addi %mul3A_8, %mul3A_107 : i32
        %multiple_of3A_109 = tpu.assume_multiple %add3A_108, 8 : i32
        %dma_wait3A_110 = tpu.memref_slice %arg2[%multiple_of3A_109] : memref<320000xi32, #tpu.memory_space<hbm>> -> memref<104xi32, #tpu.memory_space<hbm>>
        %dma_wait3A_111 = tpu.memref_slice %arg2[%multiple_of3A_109] : memref<320000xi32, #tpu.memory_space<hbm>> -> memref<104xi32, #tpu.memory_space<hbm>>
        tpu.wait_dma2 semaphore(%arg22 : memref<!tpu.dma_semaphore, #tpu.memory_space<semaphore_mem>>) src(%dma_wait3A_111 : memref<104xi32, #tpu.memory_space<hbm>>) dst(%arg9 : memref<104xi32, #tpu.memory_space<vmem>>)
        %mul3A_112 = arith.constant 104 : i32
        %mul3A_113 = arith.muli %scan3A_52, %mul3A_112 : i32
        %add3A_114 = arith.addi %mul3A_8, %mul3A_113 : i32
        %multiple_of3A_115 = tpu.assume_multiple %add3A_114, 8 : i32
        %dma_wait3A_116 = tpu.memref_slice %arg3[%multiple_of3A_115] : memref<320000xi32, #tpu.memory_space<hbm>> -> memref<104xi32, #tpu.memory_space<hbm>>
        %dma_wait3A_117 = tpu.memref_slice %arg3[%multiple_of3A_115] : memref<320000xi32, #tpu.memory_space<hbm>> -> memref<104xi32, #tpu.memory_space<hbm>>
        tpu.wait_dma2 semaphore(%arg22 : memref<!tpu.dma_semaphore, #tpu.memory_space<semaphore_mem>>) src(%dma_wait3A_117 : memref<104xi32, #tpu.memory_space<hbm>>) dst(%arg12 : memref<104xi32, #tpu.memory_space<vmem>>)
      } else {
      }
      %eq3A_91 = arith.constant 0 : i32
      %eq3A_92 = arith.cmpi eq, %rem3A_53, %eq3A_91 : i32
      %convert_element_type3A_93 = arith.extui %eq3A_92 : i1 to i32
      %cond3A_94 = arith.constant 0 : i32
      %cond3A_95 = arith.cmpi ne, %convert_element_type3A_93, %cond3A_94 : i32
      scf.if %cond3A_95 {
        %dma_start3A_106 = arith.constant 0 : i32
        %dma_start3A_107 = arith.constant 0 : i32
        %dma_start3A_108 = tpu.memref_slice %arg4[%dma_start3A_106, %dma_start3A_107] : memref<10000x128xf32, #tpu.memory_space<hbm>> -> memref<10000x128xf32, #tpu.memory_space<hbm>>
        tpu.enqueue_indirect_dma source(%dma_start3A_108 : memref<10000x128xf32, #tpu.memory_space<hbm>>) target(%arg13 : memref<104x128xf32, #tpu.memory_space<vmem>>) offsets(%arg7 : memref<104xi32, #tpu.memory_space<vmem>>) semaphore(%arg23 : memref<!tpu.dma_semaphore, #tpu.memory_space<semaphore_mem>>)
      } else {
      }
      %eq3A_96 = arith.constant 1 : i32
      %eq3A_97 = arith.cmpi eq, %rem3A_53, %eq3A_96 : i32
      %convert_element_type3A_98 = arith.extui %eq3A_97 : i1 to i32
      %cond3A_99 = arith.constant 0 : i32
      %cond3A_100 = arith.cmpi ne, %convert_element_type3A_98, %cond3A_99 : i32
      scf.if %cond3A_100 {
        %dma_start3A_106 = arith.constant 0 : i32
        %dma_start3A_107 = arith.constant 0 : i32
        %dma_start3A_108 = tpu.memref_slice %arg4[%dma_start3A_106, %dma_start3A_107] : memref<10000x128xf32, #tpu.memory_space<hbm>> -> memref<10000x128xf32, #tpu.memory_space<hbm>>
        tpu.enqueue_indirect_dma source(%dma_start3A_108 : memref<10000x128xf32, #tpu.memory_space<hbm>>) target(%arg14 : memref<104x128xf32, #tpu.memory_space<vmem>>) offsets(%arg8 : memref<104xi32, #tpu.memory_space<vmem>>) semaphore(%arg24 : memref<!tpu.dma_semaphore, #tpu.memory_space<semaphore_mem>>)
      } else {
      }
      %eq3A_101 = arith.constant 2 : i32
      %eq3A_102 = arith.cmpi eq, %rem3A_53, %eq3A_101 : i32
      %convert_element_type3A_103 = arith.extui %eq3A_102 : i1 to i32
      %cond3A_104 = arith.constant 0 : i32
      %cond3A_105 = arith.cmpi ne, %convert_element_type3A_103, %cond3A_104 : i32
      scf.if %cond3A_105 {
        %dma_start3A_106 = arith.constant 0 : i32
        %dma_start3A_107 = arith.constant 0 : i32
        %dma_start3A_108 = tpu.memref_slice %arg4[%dma_start3A_106, %dma_start3A_107] : memref<10000x128xf32, #tpu.memory_space<hbm>> -> memref<10000x128xf32, #tpu.memory_space<hbm>>
        tpu.enqueue_indirect_dma source(%dma_start3A_108 : memref<10000x128xf32, #tpu.memory_space<hbm>>) target(%arg15 : memref<104x128xf32, #tpu.memory_space<vmem>>) offsets(%arg9 : memref<104xi32, #tpu.memory_space<vmem>>) semaphore(%arg25 : memref<!tpu.dma_semaphore, #tpu.memory_space<semaphore_mem>>)
      } else {
      }
    }
    %scan3A_21 = arith.constant 96 : i32
    %dma_wait3A = arith.constant 0 : i32
    %dma_wait3A_22 = arith.constant 0 : i32
    %dma_wait3A_23 = tpu.memref_slice %arg4[%dma_wait3A, %dma_wait3A_22] : memref<10000x128xf32, #tpu.memory_space<hbm>> -> memref<10000x128xf32, #tpu.memory_space<hbm>>
    tpu.wait_indirect_dma semaphore(%arg25 : memref<!tpu.dma_semaphore, #tpu.memory_space<semaphore_mem>>) src(%dma_wait3A_23 : memref<10000x128xf32, #tpu.memory_space<hbm>>) dst(%arg15 : memref<104x128xf32, #tpu.memory_space<vmem>>)
    %dma_start3A_24 = arith.constant 0 : i32
    %dma_start3A_25 = arith.constant 0 : i32
    %dma_start3A_26 = tpu.memref_slice %arg19[%dma_start3A_24, %dma_start3A_25] : memref<10000x128xf32, #tpu.memory_space<vmem_shared>> -> memref<10000x128xf32, #tpu.memory_space<vmem_shared>>
    tpu.enqueue_indirect_dma source(%arg15 : memref<104x128xf32, #tpu.memory_space<vmem>>) target(%dma_start3A_26 : memref<10000x128xf32, #tpu.memory_space<vmem_shared>>) offsets(%arg12 : memref<104xi32, #tpu.memory_space<vmem>>) semaphore(%arg28 : memref<!tpu.dma_semaphore, #tpu.memory_space<semaphore_mem>>) {add = true}
    %dma_wait3A_27 = arith.constant 0 : i32
    %dma_wait3A_28 = arith.constant 0 : i32
    %dma_wait3A_29 = tpu.memref_slice %arg19[%dma_wait3A_27, %dma_wait3A_28] : memref<10000x128xf32, #tpu.memory_space<vmem_shared>> -> memref<10000x128xf32, #tpu.memory_space<vmem_shared>>
    tpu.wait_indirect_dma semaphore(%arg27 : memref<!tpu.dma_semaphore, #tpu.memory_space<semaphore_mem>>) src(%arg14 : memref<104x128xf32, #tpu.memory_space<vmem>>) dst(%dma_wait3A_29 : memref<10000x128xf32, #tpu.memory_space<vmem_shared>>)
    %dma_wait3A_30 = arith.constant 0 : i32
    %dma_wait3A_31 = arith.constant 0 : i32
    %dma_wait3A_32 = tpu.memref_slice %arg19[%dma_wait3A_30, %dma_wait3A_31] : memref<10000x128xf32, #tpu.memory_space<vmem_shared>> -> memref<10000x128xf32, #tpu.memory_space<vmem_shared>>
    tpu.wait_indirect_dma semaphore(%arg28 : memref<!tpu.dma_semaphore, #tpu.memory_space<semaphore_mem>>) src(%arg15 : memref<104x128xf32, #tpu.memory_space<vmem>>) dst(%dma_wait3A_32 : memref<10000x128xf32, #tpu.memory_space<vmem_shared>>)
    %add3A_33 = arith.constant 9984 : i32
    %add3A_34 = arith.addi %mul3A_8, %add3A_33 : i32
    %multiple_of3A_35 = tpu.assume_multiple %add3A_34, 8 : i32
    "tpu.region"() ({
      %run_scoped3A = tpu.sem_alloc : memref<!tpu.dma_semaphore, #tpu.memory_space<semaphore_mem>>
      %dma_start3A_52 = tpu.memref_slice %arg2[%multiple_of3A_35] : memref<320000xi32, #tpu.memory_space<hbm>> -> memref<16xi32, #tpu.memory_space<hbm>>
      %dma_start3A_53 = tpu.memref_slice %arg2[%multiple_of3A_35] : memref<320000xi32, #tpu.memory_space<hbm>> -> memref<16xi32, #tpu.memory_space<hbm>>
      tpu.enqueue_dma source(%dma_start3A_53 : memref<16xi32, #tpu.memory_space<hbm>>) target(%arg16 : memref<16xi32, #tpu.memory_space<vmem>>) target_semaphore(%run_scoped3A : memref<!tpu.dma_semaphore, #tpu.memory_space<semaphore_mem>>)
      %dma_wait3A_54 = tpu.memref_slice %arg2[%multiple_of3A_35] : memref<320000xi32, #tpu.memory_space<hbm>> -> memref<16xi32, #tpu.memory_space<hbm>>
      %dma_wait3A_55 = tpu.memref_slice %arg2[%multiple_of3A_35] : memref<320000xi32, #tpu.memory_space<hbm>> -> memref<16xi32, #tpu.memory_space<hbm>>
      tpu.wait_dma2 semaphore(%run_scoped3A : memref<!tpu.dma_semaphore, #tpu.memory_space<semaphore_mem>>) src(%dma_wait3A_55 : memref<16xi32, #tpu.memory_space<hbm>>) dst(%arg16 : memref<16xi32, #tpu.memory_space<vmem>>)
      tpu.yield
    }) : () -> ()
    "tpu.region"() ({
      %run_scoped3A = tpu.sem_alloc : memref<!tpu.dma_semaphore, #tpu.memory_space<semaphore_mem>>
      %dma_start3A_52 = tpu.memref_slice %arg3[%multiple_of3A_35] : memref<320000xi32, #tpu.memory_space<hbm>> -> memref<16xi32, #tpu.memory_space<hbm>>
      %dma_start3A_53 = tpu.memref_slice %arg3[%multiple_of3A_35] : memref<320000xi32, #tpu.memory_space<hbm>> -> memref<16xi32, #tpu.memory_space<hbm>>
      tpu.enqueue_dma source(%dma_start3A_53 : memref<16xi32, #tpu.memory_space<hbm>>) target(%arg17 : memref<16xi32, #tpu.memory_space<vmem>>) target_semaphore(%run_scoped3A : memref<!tpu.dma_semaphore, #tpu.memory_space<semaphore_mem>>)
      %dma_wait3A_54 = tpu.memref_slice %arg3[%multiple_of3A_35] : memref<320000xi32, #tpu.memory_space<hbm>> -> memref<16xi32, #tpu.memory_space<hbm>>
      %dma_wait3A_55 = tpu.memref_slice %arg3[%multiple_of3A_35] : memref<320000xi32, #tpu.memory_space<hbm>> -> memref<16xi32, #tpu.memory_space<hbm>>
      tpu.wait_dma2 semaphore(%run_scoped3A : memref<!tpu.dma_semaphore, #tpu.memory_space<semaphore_mem>>) src(%dma_wait3A_55 : memref<16xi32, #tpu.memory_space<hbm>>) dst(%arg17 : memref<16xi32, #tpu.memory_space<vmem>>)
      tpu.yield
    }) : () -> ()
    %dma_start3A_36 = arith.constant 0 : i32
    %dma_start3A_37 = arith.constant 0 : i32
    %dma_start3A_38 = tpu.memref_slice %arg4[%dma_start3A_36, %dma_start3A_37] : memref<10000x128xf32, #tpu.memory_space<hbm>> -> memref<10000x128xf32, #tpu.memory_space<hbm>>
    tpu.enqueue_indirect_dma source(%dma_start3A_38 : memref<10000x128xf32, #tpu.memory_space<hbm>>) target(%arg18 : memref<16x128xf32, #tpu.memory_space<vmem>>) offsets(%arg16 : memref<16xi32, #tpu.memory_space<vmem>>) semaphore(%arg20 : memref<!tpu.dma_semaphore, #tpu.memory_space<semaphore_mem>>)
    %dma_wait3A_39 = arith.constant 0 : i32
    %dma_wait3A_40 = arith.constant 0 : i32
    %dma_wait3A_41 = tpu.memref_slice %arg4[%dma_wait3A_39, %dma_wait3A_40] : memref<10000x128xf32, #tpu.memory_space<hbm>> -> memref<10000x128xf32, #tpu.memory_space<hbm>>
    tpu.wait_indirect_dma semaphore(%arg20 : memref<!tpu.dma_semaphore, #tpu.memory_space<semaphore_mem>>) src(%dma_wait3A_41 : memref<10000x128xf32, #tpu.memory_space<hbm>>) dst(%arg18 : memref<16x128xf32, #tpu.memory_space<vmem>>)
    "tpu.region"() ({
      %run_scoped3A = tpu.sem_alloc : memref<!tpu.dma_semaphore, #tpu.memory_space<semaphore_mem>>
      %dma_start3A_52 = arith.constant 0 : i32
      %dma_start3A_53 = arith.constant 0 : i32
      %dma_start3A_54 = tpu.memref_slice %arg19[%dma_start3A_52, %dma_start3A_53] : memref<10000x128xf32, #tpu.memory_space<vmem_shared>> -> memref<10000x128xf32, #tpu.memory_space<vmem_shared>>
      tpu.enqueue_indirect_dma source(%arg18 : memref<16x128xf32, #tpu.memory_space<vmem>>) target(%dma_start3A_54 : memref<10000x128xf32, #tpu.memory_space<vmem_shared>>) offsets(%arg17 : memref<16xi32, #tpu.memory_space<vmem>>) semaphore(%run_scoped3A : memref<!tpu.dma_semaphore, #tpu.memory_space<semaphore_mem>>) {add = true}
      %dma_wait3A_55 = arith.constant 0 : i32
      %dma_wait3A_56 = arith.constant 0 : i32
      %dma_wait3A_57 = tpu.memref_slice %arg19[%dma_wait3A_55, %dma_wait3A_56] : memref<10000x128xf32, #tpu.memory_space<vmem_shared>> -> memref<10000x128xf32, #tpu.memory_space<vmem_shared>>
      tpu.wait_indirect_dma semaphore(%run_scoped3A : memref<!tpu.dma_semaphore, #tpu.memory_space<semaphore_mem>>) src(%arg18 : memref<16x128xf32, #tpu.memory_space<vmem>>) dst(%dma_wait3A_57 : memref<10000x128xf32, #tpu.memory_space<vmem_shared>>)
      tpu.yield
    }) : () -> ()
    %barrier3A_42 = arith.constant 0 : index
    tpu.barrier barrier_id(%barrier3A_42)
    %lt3A = arith.constant 15 : i32
    %lt3A_43 = arith.cmpi slt, %arg1, %lt3A : i32
    %convert_element_type3A_44 = arith.extui %lt3A_43 : i1 to i32
    %cond3A_45 = arith.constant 0 : i32
    %cond3A_46 = arith.cmpi ne, %convert_element_type3A_44, %cond3A_45 : i32
    scf.if %cond3A_46 {
      %mul3A_52 = arith.constant 624 : i32
      %mul3A_53 = arith.muli %arg1, %mul3A_52 : i32
      %multiple_of3A_54 = tpu.assume_multiple %mul3A_53, 8 : i32
      "tpu.region"() ({
        %run_scoped3A = tpu.sem_alloc : memref<!tpu.dma_semaphore, #tpu.memory_space<semaphore_mem>>
        %dma_start3A_55 = arith.constant 0 : i32
        %dma_start3A_56 = tpu.memref_slice %arg6[%arg0, %multiple_of3A_54, %dma_start3A_55] : memref<2x10000x128xf32, #tpu.memory_space<hbm>> -> memref<1x624x128xf32, #tpu.memory_space<hbm>>
        %dma_start3A_57 = tpu.memref_squeeze %dma_start3A_56 : memref<1x624x128xf32, #tpu.memory_space<hbm>> -> memref<624x128xf32, #tpu.memory_space<hbm>>
        %dma_start3A_58 = arith.constant 0 : i32
        %dma_start3A_59 = tpu.memref_slice %arg19[%multiple_of3A_54, %dma_start3A_58] : memref<10000x128xf32, #tpu.memory_space<vmem_shared>> -> memref<624x128xf32, #tpu.memory_space<vmem_shared>>
        tpu.enqueue_dma source(%dma_start3A_59 : memref<624x128xf32, #tpu.memory_space<vmem_shared>>) target(%dma_start3A_57 : memref<624x128xf32, #tpu.memory_space<hbm>>) target_semaphore(%run_scoped3A : memref<!tpu.dma_semaphore, #tpu.memory_space<semaphore_mem>>)
        %dma_wait3A_60 = arith.constant 0 : i32
        %dma_wait3A_61 = tpu.memref_slice %arg6[%arg0, %multiple_of3A_54, %dma_wait3A_60] : memref<2x10000x128xf32, #tpu.memory_space<hbm>> -> memref<1x624x128xf32, #tpu.memory_space<hbm>>
        %dma_wait3A_62 = tpu.memref_squeeze %dma_wait3A_61 : memref<1x624x128xf32, #tpu.memory_space<hbm>> -> memref<624x128xf32, #tpu.memory_space<hbm>>
        %dma_wait3A_63 = arith.constant 0 : i32
        %dma_wait3A_64 = tpu.memref_slice %arg19[%multiple_of3A_54, %dma_wait3A_63] : memref<10000x128xf32, #tpu.memory_space<vmem_shared>> -> memref<624x128xf32, #tpu.memory_space<vmem_shared>>
        tpu.wait_dma2 semaphore(%run_scoped3A : memref<!tpu.dma_semaphore, #tpu.memory_space<semaphore_mem>>) src(%dma_wait3A_64 : memref<624x128xf32, #tpu.memory_space<vmem_shared>>) dst(%dma_wait3A_62 : memref<624x128xf32, #tpu.memory_space<hbm>>)
        tpu.yield
      }) : () -> ()
    } else {
    }
    %eq3A_47 = arith.constant 15 : i32
    %eq3A_48 = arith.cmpi eq, %arg1, %eq3A_47 : i32
    %convert_element_type3A_49 = arith.extui %eq3A_48 : i1 to i32
    %cond3A_50 = arith.constant 0 : i32
    %cond3A_51 = arith.cmpi ne, %convert_element_type3A_49, %cond3A_50 : i32
    scf.if %cond3A_51 {
      "tpu.region"() ({
        %run_scoped3A = tpu.sem_alloc : memref<!tpu.dma_semaphore, #tpu.memory_space<semaphore_mem>>
        %dma_start3A_52 = arith.constant 9360 : i32
        %dma_start3A_53 = arith.constant 0 : i32
        %dma_start3A_54 = tpu.memref_slice %arg6[%arg0, %dma_start3A_52, %dma_start3A_53] : memref<2x10000x128xf32, #tpu.memory_space<hbm>> -> memref<1x640x128xf32, #tpu.memory_space<hbm>>
        %dma_start3A_55 = tpu.memref_squeeze %dma_start3A_54 : memref<1x640x128xf32, #tpu.memory_space<hbm>> -> memref<640x128xf32, #tpu.memory_space<hbm>>
        %dma_start3A_56 = arith.constant 9360 : i32
        %dma_start3A_57 = arith.constant 0 : i32
        %dma_start3A_58 = tpu.memref_slice %arg19[%dma_start3A_56, %dma_start3A_57] : memref<10000x128xf32, #tpu.memory_space<vmem_shared>> -> memref<640x128xf32, #tpu.memory_space<vmem_shared>>
        tpu.enqueue_dma source(%dma_start3A_58 : memref<640x128xf32, #tpu.memory_space<vmem_shared>>) target(%dma_start3A_55 : memref<640x128xf32, #tpu.memory_space<hbm>>) target_semaphore(%run_scoped3A : memref<!tpu.dma_semaphore, #tpu.memory_space<semaphore_mem>>)
        %dma_wait3A_59 = arith.constant 9360 : i32
        %dma_wait3A_60 = arith.constant 0 : i32
        %dma_wait3A_61 = tpu.memref_slice %arg6[%arg0, %dma_wait3A_59, %dma_wait3A_60] : memref<2x10000x128xf32, #tpu.memory_space<hbm>> -> memref<1x640x128xf32, #tpu.memory_space<hbm>>
        %dma_wait3A_62 = tpu.memref_squeeze %dma_wait3A_61 : memref<1x640x128xf32, #tpu.memory_space<hbm>> -> memref<640x128xf32, #tpu.memory_space<hbm>>
        %dma_wait3A_63 = arith.constant 9360 : i32
        %dma_wait3A_64 = arith.constant 0 : i32
        %dma_wait3A_65 = tpu.memref_slice %arg19[%dma_wait3A_63, %dma_wait3A_64] : memref<10000x128xf32, #tpu.memory_space<vmem_shared>> -> memref<640x128xf32, #tpu.memory_space<vmem_shared>>
        tpu.wait_dma2 semaphore(%run_scoped3A : memref<!tpu.dma_semaphore, #tpu.memory_space<semaphore_mem>>) src(%dma_wait3A_65 : memref<640x128xf32, #tpu.memory_space<vmem_shared>>) dst(%dma_wait3A_62 : memref<640x128xf32, #tpu.memory_space<hbm>>)
        tpu.yield
      }) : () -> ()
    } else {
    }
    return
  }
}

module attributes {stable_mosaic.version = 14 : i64} {
  func.func @_stage1_body(%arg0: i32, %arg1: memref<2000x128xf32, #tpu.memory_space<vmem>>, %arg2: memref<128x128xf32, #tpu.memory_space<vmem>>, %arg3: memref<2000x1xf32, #tpu.memory_space<vmem>>, %arg4: memref<2000x1xf32, #tpu.memory_space<vmem>>, %arg5: memref<2000x128xf32, #tpu.memory_space<vmem>>, %arg6: memref<2000x1xf32, #tpu.memory_space<vmem>>) attributes {dimension_semantics = [#tpu.dimension_semantics<arbitrary>], iteration_bounds = array<i64: 5>, scalar_prefetch = 0 : i64, scratch_operands = 0 : i64, tpu.core_type = #tpu.core_type<tc>, window_params = [{transform_indices = @transform_0, window_bounds = array<i64: 2000, 128>}, {pipeline_mode = #tpu.pipeline_mode<synchronous>, transform_indices = @transform_1, window_bounds = array<i64: 128, 128>}, {transform_indices = @transform_2, window_bounds = array<i64: 2000, 1>}, {transform_indices = @transform_3, window_bounds = array<i64: 2000, 1>}, {transform_indices = @transform_4, window_bounds = array<i64: 2000, 128>}, {transform_indices = @transform_5, window_bounds = array<i64: 2000, 1>}]} {
    %get3A = arith.constant 0 : index
    %get3A_0 = arith.constant 0 : index
    %get3A_1 = vector.load %arg3[%get3A, %get3A_0] : memref<2000x1xf32, #tpu.memory_space<vmem>>, vector<2000x1xf32>
    %get3A_2 = arith.constant 0 : index
    %get3A_3 = arith.constant 0 : index
    %get3A_4 = vector.load %arg4[%get3A_2, %get3A_3] : memref<2000x1xf32, #tpu.memory_space<vmem>>, vector<2000x1xf32>
    %add3A = arith.addf %get3A_1, %get3A_4 : vector<2000x1xf32>
    %add3A_5 = arith.constant 1.000000e+00 : f32
    %add3A_6 = vector.broadcast %add3A_5 : f32 to vector<2000x1xf32>
    %add3A_7 = arith.addf %add3A, %add3A_6 : vector<2000x1xf32>
    %rsqrt3A = math.rsqrt %add3A_7 : vector<2000x1xf32>
    %get3A_8 = arith.constant 0 : index
    %get3A_9 = arith.constant 0 : index
    %get3A_10 = vector.load %arg1[%get3A_8, %get3A_9] : memref<2000x128xf32, #tpu.memory_space<vmem>>, vector<2000x128xf32>
    %get3A_11 = arith.constant 0 : index
    %get3A_12 = arith.constant 0 : index
    %get3A_13 = vector.load %arg2[%get3A_11, %get3A_12] : memref<128x128xf32, #tpu.memory_space<vmem>>, vector<128x128xf32>
    %dot_general3A = arith.constant dense<0.000000e+00> : vector<2000x128xf32>
    %dot_general3A_14 = tpu.matmul %get3A_10, %get3A_13, %dot_general3A {dimension_numbers = #tpu.dot_dimension_numbers<[1], [0], [0], [1], [0, 0, 1, 1], [], []>, transpose_lhs_hint = false} : vector<2000x128xf32>, vector<128x128xf32>, vector<2000x128xf32> -> vector<2000x128xf32>
    %mul3A = vector.broadcast %rsqrt3A : vector<2000x1xf32> to vector<2000x128xf32>
    %mul3A_15 = arith.mulf %dot_general3A_14, %mul3A : vector<2000x128xf32>
    %swap3A = arith.constant 0 : index
    %swap3A_16 = arith.constant 0 : index
    %swap3A_17 = vector.load %arg5[%swap3A, %swap3A_16] : memref<2000x128xf32, #tpu.memory_space<vmem>>, vector<2000x128xf32>
    tpu.vector_store %arg5[%swap3A, %swap3A_16], %mul3A_15 {strides = array<i32>} : memref<2000x128xf32, #tpu.memory_space<vmem>>, vector<2000x128xf32>,
    %swap3A_18 = arith.constant 0 : index
    %swap3A_19 = arith.constant 0 : index
    %swap3A_20 = vector.load %arg6[%swap3A_18, %swap3A_19] : memref<2000x1xf32, #tpu.memory_space<vmem>>, vector<2000x1xf32>
    tpu.vector_store %arg6[%swap3A_18, %swap3A_19], %rsqrt3A {strides = array<i32>} : memref<2000x1xf32, #tpu.memory_space<vmem>>, vector<2000x1xf32>,
    return
  }
  func.func @transform_0(%arg0: i32) -> (i32, i32) {
    %c0_i32 = arith.constant 0 : i32
    %c0_i32_0 = arith.constant 0 : i32
    return %arg0, %c0_i32 : i32, i32
  }
  func.func @transform_1(%arg0: i32) -> (i32, i32) {
    %c0_i32 = arith.constant 0 : i32
    %c0_i32_0 = arith.constant 0 : i32
    %c0_i32_1 = arith.constant 0 : i32
    return %c0_i32, %c0_i32_0 : i32, i32
  }
  func.func @transform_2(%arg0: i32) -> (i32, i32) {
    %c0_i32 = arith.constant 0 : i32
    %c0_i32_0 = arith.constant 0 : i32
    return %arg0, %c0_i32 : i32, i32
  }
  func.func @transform_3(%arg0: i32) -> (i32, i32) {
    %c0_i32 = arith.constant 0 : i32
    %c0_i32_0 = arith.constant 0 : i32
    return %arg0, %c0_i32 : i32, i32
  }
  func.func @transform_4(%arg0: i32) -> (i32, i32) {
    %c0_i32 = arith.constant 0 : i32
    %c0_i32_0 = arith.constant 0 : i32
    return %arg0, %c0_i32 : i32, i32
  }
  func.func @transform_5(%arg0: i32) -> (i32, i32) {
    %c0_i32 = arith.constant 0 : i32
    %c0_i32_0 = arith.constant 0 : i32
    return %arg0, %c0_i32 : i32, i32
  }
}

module attributes {stable_mosaic.version = 14 : i64} {
  func.func @_stage2_body(%arg0: i32, %arg1: memref<2x2000x128xf32, #tpu.memory_space<vmem>>, %arg2: memref<2000x1xf32, #tpu.memory_space<vmem>>, %arg3: memref<128x128xf32, #tpu.memory_space<vmem>>, %arg4: memref<1x128xf32, #tpu.memory_space<vmem>>, %arg5: memref<2000x128xf32, #tpu.memory_space<vmem>>) attributes {dimension_semantics = [#tpu.dimension_semantics<arbitrary>], iteration_bounds = array<i64: 5>, scalar_prefetch = 0 : i64, scratch_operands = 0 : i64, tpu.core_type = #tpu.core_type<tc>, window_params = [{transform_indices = @transform_0, window_bounds = array<i64: 2, 2000, 128>}, {transform_indices = @transform_1, window_bounds = array<i64: 2000, 1>}, {pipeline_mode = #tpu.pipeline_mode<synchronous>, transform_indices = @transform_2, window_bounds = array<i64: 128, 128>}, {pipeline_mode = #tpu.pipeline_mode<synchronous>, transform_indices = @transform_3, window_bounds = array<i64: 1, 128>}, {transform_indices = @transform_4, window_bounds = array<i64: 2000, 128>}]} {
    %get3A = arith.constant 0 : index
    %get3A_0 = arith.constant 0 : index
    %get3A_1 = vector.load %arg2[%get3A, %get3A_0] : memref<2000x1xf32, #tpu.memory_space<vmem>>, vector<2000x1xf32>
    %get3A_2 = arith.constant 0 : index
    %get3A_3 = arith.constant 0 : index
    %get3A_4 = arith.constant 0 : index
    %get3A_5 = vector.load %arg1[%get3A_2, %get3A_3, %get3A_4] : memref<2x2000x128xf32, #tpu.memory_space<vmem>>, vector<1x2000x128xf32>
    %get3A_6 = vector.shape_cast %get3A_5 : vector<1x2000x128xf32> to vector<2000x128xf32>
    %get3A_7 = arith.constant 1 : index
    %get3A_8 = arith.constant 0 : index
    %get3A_9 = arith.constant 0 : index
    %get3A_10 = vector.load %arg1[%get3A_7, %get3A_8, %get3A_9] : memref<2x2000x128xf32, #tpu.memory_space<vmem>>, vector<1x2000x128xf32>
    %get3A_11 = vector.shape_cast %get3A_10 : vector<1x2000x128xf32> to vector<2000x128xf32>
    %add3A = arith.addf %get3A_6, %get3A_11 : vector<2000x128xf32>
    %mul3A = vector.broadcast %get3A_1 : vector<2000x1xf32> to vector<2000x128xf32>
    %mul3A_12 = arith.mulf %mul3A, %add3A : vector<2000x128xf32>
    %get3A_13 = arith.constant 0 : index
    %get3A_14 = arith.constant 0 : index
    %get3A_15 = vector.load %arg4[%get3A_13, %get3A_14] : memref<1x128xf32, #tpu.memory_space<vmem>>, vector<1x128xf32>
    %add3A_16 = vector.broadcast %get3A_15 : vector<1x128xf32> to vector<2000x128xf32>
    %add3A_17 = arith.addf %mul3A_12, %add3A_16 : vector<2000x128xf32>
    %get3A_18 = arith.constant 0 : index
    %get3A_19 = arith.constant 0 : index
    %get3A_20 = vector.load %arg3[%get3A_18, %get3A_19] : memref<128x128xf32, #tpu.memory_space<vmem>>, vector<128x128xf32>
    %dot_general3A = arith.constant dense<0.000000e+00> : vector<2000x128xf32>
    %dot_general3A_21 = tpu.matmul %add3A_17, %get3A_20, %dot_general3A {dimension_numbers = #tpu.dot_dimension_numbers<[1], [0], [0], [1], [0, 0, 1, 1], [], []>, transpose_lhs_hint = false} : vector<2000x128xf32>, vector<128x128xf32>, vector<2000x128xf32> -> vector<2000x128xf32>
    %get3A_22 = arith.constant 0 : index
    %get3A_23 = arith.constant 0 : index
    %get3A_24 = vector.load %arg2[%get3A_22, %get3A_23] : memref<2000x1xf32, #tpu.memory_space<vmem>>, vector<2000x1xf32>
    %mul3A_25 = vector.broadcast %get3A_24 : vector<2000x1xf32> to vector<2000x128xf32>
    %mul3A_26 = arith.mulf %dot_general3A_21, %mul3A_25 : vector<2000x128xf32>
    %swap3A = arith.constant 0 : index
    %swap3A_27 = arith.constant 0 : index
    %swap3A_28 = vector.load %arg5[%swap3A, %swap3A_27] : memref<2000x128xf32, #tpu.memory_space<vmem>>, vector<2000x128xf32>
    tpu.vector_store %arg5[%swap3A, %swap3A_27], %mul3A_26 {strides = array<i32>} : memref<2000x128xf32, #tpu.memory_space<vmem>>, vector<2000x128xf32>,
    return
  }
  func.func @transform_0(%arg0: i32) -> (i32, i32, i32) {
    %c0_i32 = arith.constant 0 : i32
    %c0_i32_0 = arith.constant 0 : i32
    %c0_i32_1 = arith.constant 0 : i32
    return %c0_i32, %arg0, %c0_i32_0 : i32, i32, i32
  }
  func.func @transform_1(%arg0: i32) -> (i32, i32) {
    %c0_i32 = arith.constant 0 : i32
    %c0_i32_0 = arith.constant 0 : i32
    return %arg0, %c0_i32 : i32, i32
  }
  func.func @transform_2(%arg0: i32) -> (i32, i32) {
    %c0_i32 = arith.constant 0 : i32
    %c0_i32_0 = arith.constant 0 : i32
    %c0_i32_1 = arith.constant 0 : i32
    return %c0_i32, %c0_i32_0 : i32, i32
  }
  func.func @transform_3(%arg0: i32) -> (i32, i32) {
    %c0_i32 = arith.constant 0 : i32
    %c0_i32_0 = arith.constant 0 : i32
    %c0_i32_1 = arith.constant 0 : i32
    return %c0_i32, %c0_i32_0 : i32, i32
  }
  func.func @transform_4(%arg0: i32) -> (i32, i32) {
    %c0_i32 = arith.constant 0 : i32
    %c0_i32_0 = arith.constant 0 : i32
    return %arg0, %c0_i32 : i32, i32
  }
}

module attributes {stable_mosaic.version = 14 : i64} {
  func.func @_stage3_body(%arg0: i32, %arg1: memref<2x2000x128xf32, #tpu.memory_space<vmem>>, %arg2: memref<2000x1xf32, #tpu.memory_space<vmem>>, %arg3: memref<1x128xf32, #tpu.memory_space<vmem>>, %arg4: memref<2000x128xf32, #tpu.memory_space<vmem>>) attributes {dimension_semantics = [#tpu.dimension_semantics<arbitrary>], iteration_bounds = array<i64: 5>, scalar_prefetch = 0 : i64, scratch_operands = 0 : i64, tpu.core_type = #tpu.core_type<tc>, window_params = [{transform_indices = @transform_0, window_bounds = array<i64: 2, 2000, 128>}, {transform_indices = @transform_1, window_bounds = array<i64: 2000, 1>}, {pipeline_mode = #tpu.pipeline_mode<synchronous>, transform_indices = @transform_2, window_bounds = array<i64: 1, 128>}, {transform_indices = @transform_3, window_bounds = array<i64: 2000, 128>}]} {
    %get3A = arith.constant 0 : index
    %get3A_0 = arith.constant 0 : index
    %get3A_1 = vector.load %arg2[%get3A, %get3A_0] : memref<2000x1xf32, #tpu.memory_space<vmem>>, vector<2000x1xf32>
    %get3A_2 = arith.constant 0 : index
    %get3A_3 = arith.constant 0 : index
    %get3A_4 = arith.constant 0 : index
    %get3A_5 = vector.load %arg1[%get3A_2, %get3A_3, %get3A_4] : memref<2x2000x128xf32, #tpu.memory_space<vmem>>, vector<1x2000x128xf32>
    %get3A_6 = vector.shape_cast %get3A_5 : vector<1x2000x128xf32> to vector<2000x128xf32>
    %get3A_7 = arith.constant 1 : index
    %get3A_8 = arith.constant 0 : index
    %get3A_9 = arith.constant 0 : index
    %get3A_10 = vector.load %arg1[%get3A_7, %get3A_8, %get3A_9] : memref<2x2000x128xf32, #tpu.memory_space<vmem>>, vector<1x2000x128xf32>
    %get3A_11 = vector.shape_cast %get3A_10 : vector<1x2000x128xf32> to vector<2000x128xf32>
    %add3A = arith.addf %get3A_6, %get3A_11 : vector<2000x128xf32>
    %mul3A = vector.broadcast %get3A_1 : vector<2000x1xf32> to vector<2000x128xf32>
    %mul3A_12 = arith.mulf %mul3A, %add3A : vector<2000x128xf32>
    %get3A_13 = arith.constant 0 : index
    %get3A_14 = arith.constant 0 : index
    %get3A_15 = vector.load %arg3[%get3A_13, %get3A_14] : memref<1x128xf32, #tpu.memory_space<vmem>>, vector<1x128xf32>
    %add3A_16 = vector.broadcast %get3A_15 : vector<1x128xf32> to vector<2000x128xf32>
    %add3A_17 = arith.addf %mul3A_12, %add3A_16 : vector<2000x128xf32>
    %reduce_max3A = arith.constant dense<0xFF800000> : vector<2000xf32>
    %reduce_max3A_18 = vector.multi_reduction <maximumf>, %add3A_17, %reduce_max3A [1] : vector<2000x128xf32> to vector<2000xf32>
    %broadcast_in_dim3A = vector.shape_cast %reduce_max3A_18 : vector<2000xf32> to vector<2000x1xf32>
    %sub3A = vector.broadcast %broadcast_in_dim3A : vector<2000x1xf32> to vector<2000x128xf32>
    %sub3A_19 = arith.subf %add3A_17, %sub3A : vector<2000x128xf32>
    %exp3A = math.exp %sub3A_19 : vector<2000x128xf32>
    %reduce_sum3A = arith.constant dense<0.000000e+00> : vector<2000xf32>
    %reduce_sum3A_20 = vector.multi_reduction <add>, %exp3A, %reduce_sum3A [1] : vector<2000x128xf32> to vector<2000xf32>
    %broadcast_in_dim3A_21 = vector.shape_cast %reduce_sum3A_20 : vector<2000xf32> to vector<2000x1xf32>
    %log3A = math.log %broadcast_in_dim3A_21 : vector<2000x1xf32>
    %sub3A_22 = vector.broadcast %broadcast_in_dim3A : vector<2000x1xf32> to vector<2000x128xf32>
    %sub3A_23 = arith.subf %add3A_17, %sub3A_22 : vector<2000x128xf32>
    %sub3A_24 = vector.broadcast %log3A : vector<2000x1xf32> to vector<2000x128xf32>
    %sub3A_25 = arith.subf %sub3A_23, %sub3A_24 : vector<2000x128xf32>
    %swap3A = arith.constant 0 : index
    %swap3A_26 = arith.constant 0 : index
    %swap3A_27 = vector.load %arg4[%swap3A, %swap3A_26] : memref<2000x128xf32, #tpu.memory_space<vmem>>, vector<2000x128xf32>
    tpu.vector_store %arg4[%swap3A, %swap3A_26], %sub3A_25 {strides = array<i32>} : memref<2000x128xf32, #tpu.memory_space<vmem>>, vector<2000x128xf32>,
    return
  }
  func.func @transform_0(%arg0: i32) -> (i32, i32, i32) {
    %c0_i32 = arith.constant 0 : i32
    %c0_i32_0 = arith.constant 0 : i32
    %c0_i32_1 = arith.constant 0 : i32
    return %c0_i32, %arg0, %c0_i32_0 : i32, i32, i32
  }
  func.func @transform_1(%arg0: i32) -> (i32, i32) {
    %c0_i32 = arith.constant 0 : i32
    %c0_i32_0 = arith.constant 0 : i32
    return %arg0, %c0_i32 : i32, i32
  }
  func.func @transform_2(%arg0: i32) -> (i32, i32) {
    %c0_i32 = arith.constant 0 : i32
    %c0_i32_0 = arith.constant 0 : i32
    %c0_i32_1 = arith.constant 0 : i32
    return %c0_i32, %c0_i32_0 : i32, i32
  }
  func.func @transform_3(%arg0: i32) -> (i32, i32) {
    %c0_i32 = arith.constant 0 : i32
    %c0_i32_0 = arith.constant 0 : i32
    return %arg0, %c0_i32 : i32, i32
  }
}

</mosaic_0001>

<sc_bundles>
// kernel: kernel.11.cloned.1.call-start
scs
__scs_entry_jumppad:
0x0: {  	(pc) =	sbr.rel $0x88, $3  }
0x1: {  	(tag) =	ssettag $0x0;
	lr =	simm.s32 $0x1  }
0x2: {  	[smem:$0x3F9B] =	sst lr;
	_ =	strace $0xD0000000  }
0x3: {  	_ = 	snop  }
0x4: {  	_ = 	snop  }
0x5: {  	_ = 	snop  }
0x6: {  	_ = 	snop  }
0x7: {  	_ = 	snop  }
__scs_overlays_trampoline_lowered:
0x8: {  	[smem:$0x3FAA] =	sst s0  }
0x9: {  	[smem:$0x3FAB] =	sst s1  }
0xa: {  	[smem:$0x3FAC] =	sst s2  }
0xb: {  	[smem:$0x3FAD] =	sst s3  }
0xc: {  	[smem:$0x3FAE] =	sst s4  }
0xd: {  	[smem:$0x3FAF] =	sst s5  }
0xe: {  	[smem:$0x3FB0] =	sst s6  }
0xf: {  	[smem:$0x3FB1] =	sst s7  }
0x10: {  	[smem:$0x3FB2] =	sst s8  }
0x11: {  	[smem:$0x3FB3] =	sst s9;
	s0 =	simm.s32 @!p0 $0x0  }
0x12: {  	s1 =	sld [smem:$0x3F99];
	s0 =	simm.s32 @p0 $0x1  }
0x13: {  	[smem:$0x3FB4] =	sst s0;
	s0 =	simm.s32 @!p1 $0x0  }
0x14: {  	s2 =	sld [smem:$0x3F98];
	s0 =	simm.s32 @p1 $0x1  }
0x15: {  	[smem:$0x3FB5] =	sst s0;
	s0 =	simm.s32 @!p2 $0x0  }
0x16: {  	s3 =	sld [smem:$0x3FDB];
	s0 =	simm.s32 @p2 $0x1  }
0x17: {  	s4 =	simm.s32 $0x1BF5;
	[smem:$0x3FB7] =	sst s0  }
0x18: {  	s0 =	sld [smem:$0x3F9A];
	_ =	swait.ge [sflag:s4], $0x0  }
0x19: {  	s7 =	sld [smem:$0x3F9B]  }
0x1a: {  	s8 =	sadd.s32 $0xFFFFE003, lr  }
0x1b: {  	s9 =	sadd.s32 $0xFFFFFEF7, lr;
	s5 =	simm.s32 $0xFFFFFFFF;
	p2 =	slt.u32 s8, $0xFFFFF086  }
0x1c: {  	p1 =	slt.u32 s9, $0xF7A;
	s5 =	simm.s32 @!p2 $0x0  }
0x1d: {  	s5 =	simm.s32 @p1 $0x1;
	p0 =	seq.s32 s7, s2  }
0x1e: {  	s7 =	smul.u32 @!p0 $0xF7A, s2;
	p2 =	seq.s32 @!p0 s5, $0x0  }
0x1f: {  	s9 =	smul.u32 $0xF7A, s1;
	s8 =	simm.s32 @!p0 $0x1BF5;
	p2 =	por !p2, p0  }
0x20: {  	[sflag:s8] =	ssyncset.s32 @!p0 $0xFFFFF086;
	s6 =	sadd.s32 @!p0 s3, s7;
	s7 =	simm.s32 @!p0 $0x108  }
0x21: {  	s3 =	sadd.s32 s3, s9;
	s6 =	sadd.s32 @!p0 $0x88, s6;
	s7 =	simm.s32 @p2 $0x1082  }
0x22: {  	[simem:s7], [sflag:s8] =	dma.local @!p0 [hbm:s6], $0xF7A  }
0x23: {  	s9 =	sor.u32 $0xD0000000, s2;
	s6 =	simm.s32 $0x108;
	_ =	swait.ge @!p0 [sflag:s8], $0x0  }
0x24: {  	s3 =	sadd.s32 $0x88, s3;
	s6 =	simm.s32 @!p1 $0x1082;
	[sflag:s4] =	ssyncset.s32 $0xFFFFF086  }
0x25: {  	[simem:s6], [sflag:s4] =	dma.local [hbm:s3], $0xF7A  }
0x26: {  	[smem:$0x3F9B] =	sst s1;
	(tag) =	ssettag s2;
	_ =	strace s9  }
0x27: {  	s1 =	sld [smem:$0x3FAB]  }
0x28: {  	s2 =	sld [smem:$0x3FAC]  }
0x29: {  	s4 =	sld [smem:$0x3FAE]  }
0x2a: {  	p0 =	seq.s32 s5, $0x0;
	s5 =	sld [smem:$0x3FAF]  }
0x2b: {  	s6 =	sld [smem:$0x3FB0]  }
0x2c: {  	s7 =	sld [smem:$0x3FB1]  }
0x2d: {  	s3 =	simm.s32 $0x108;
	s8 =	sld [smem:$0x3FB2]  }
0x2e: {  	s3 =	simm.s32 @!p0 $0x1082;
	s9 =	sld [smem:$0x3FB3]  }
0x2f: {  	lr =	sadd.s32 s0, s3;
	s0 =	sld [smem:$0x3FAA]  }
0x30: {  	s3 =	sld [smem:$0x3FAD]  }
0x31: {  	[smem:$0x3FB6] =	sst s10  }
0x32: {  	s10 =	sld [smem:$0x3FB4];
	_ =	sdelay $0x3  }
0x33: {  	p0 =	seq.s32 s10, $0x1;
	s10 =	sld [smem:$0x3FB6];
	_ =	sdelay $0x3  }
0x34: {  	[smem:$0x3FB6] =	sst s10  }
0x35: {  	s10 =	sld [smem:$0x3FB5];
	_ =	sdelay $0x3  }
0x36: {  	p1 =	seq.s32 s10, $0x1;
	s10 =	sld [smem:$0x3FB6];
	_ =	sdelay $0x3  }
0x37: {  	[smem:$0x3FB6] =	sst s10  }
0x38: {  	s10 =	sld [smem:$0x3FB7]  }
0x39: {  	_ = 	snop;
	(pc) =	sbr.ind lr, $3  }
0x3a: {  	_ = 	snop  }
0x3b: {  	_ = 	snop  }
0x3c: {  	p2 =	seq.s32 s10, $0x1;
	s10 =	sld [smem:$0x3FB6]  }
0x3d: {  	_ =	shalt  }
0x3e: {  	_ =	shalt  }
0x3f: {  	_ =	shalt  }
0x40: {  	_ =	shalt  }
0x41: {  	_ =	shalt  }
0x42: {  	_ =	shalt  }
0x43: {  	_ =	shalt  }
0x44: {  	_ =	shalt  }
0x45: {  	_ =	shalt  }
0x46: {  	_ =	shalt  }
0x47: {  	_ =	shalt  }
0x48: {  	_ =	shalt  }
0x49: {  	_ =	shalt  }
0x4a: {  	_ =	shalt  }
0x4b: {  	_ =	shalt  }
0x4c: {  	_ =	shalt  }
0x4d: {  	_ =	shalt  }
0x4e: {  	_ =	shalt  }
0x4f: {  	_ =	shalt  }
0x50: {  	_ =	shalt  }
0x51: {  	_ =	shalt  }
0x52: {  	_ =	shalt  }
0x53: {  	_ =	shalt  }
0x54: {  	_ =	shalt  }
0x55: {  	_ =	shalt  }
0x56: {  	_ =	shalt  }
0x57: {  	_ =	shalt  }
0x58: {  	_ =	shalt  }
0x59: {  	_ =	shalt  }
0x5a: {  	_ =	shalt  }
0x5b: {  	_ =	shalt  }
0x5c: {  	_ =	shalt  }
0x5d: {  	_ =	shalt  }
0x5e: {  	_ =	shalt  }
0x5f: {  	_ =	shalt  }
0x60: {  	_ =	shalt  }
0x61: {  	_ =	shalt  }
0x62: {  	_ =	shalt  }
0x63: {  	_ =	shalt  }
0x64: {  	_ =	shalt  }
0x65: {  	_ =	shalt  }
0x66: {  	_ =	shalt  }
0x67: {  	_ =	shalt  }
0x68: {  	_ =	shalt  }
0x69: {  	_ =	shalt  }
0x6a: {  	_ =	shalt  }
0x6b: {  	_ =	shalt  }
0x6c: {  	_ =	shalt  }
0x6d: {  	_ =	shalt  }
0x6e: {  	_ =	shalt  }
0x6f: {  	_ =	shalt  }
0x70: {  	_ =	shalt  }
0x71: {  	_ =	shalt  }
0x72: {  	_ =	shalt  }
0x73: {  	_ =	shalt  }
0x74: {  	_ =	shalt  }
0x75: {  	_ =	shalt  }
0x76: {  	_ =	shalt  }
0x77: {  	_ =	shalt  }
0x78: {  	_ =	shalt  }
0x79: {  	_ =	shalt  }
0x7a: {  	_ =	shalt  }
0x7b: {  	_ =	shalt  }
0x7c: {  	_ =	shalt  }
0x7d: {  	_ =	shalt  }
0x7e: {  	_ =	shalt  }
0x7f: {  	_ =	shalt  }
0x80: {  	_ =	shalt  }
0x81: {  	_ =	shalt  }
0x82: {  	_ =	shalt  }
0x83: {  	_ =	shalt  }
0x84: {  	_ =	shalt  }
0x85: {  	_ =	shalt  }
0x86: {  	_ =	shalt  }
0x87: {  	_ =	shalt  }
.Lfunc_end0:
.L_simem_size_0:
called_computation.1_lowered:
.L_overlay_start_0:
0x88: {  	s2 =	sld [smem:$0x3FD9]  }
0x89: {  	s3 =	sld [smem:$0x3FFE];
	_ =	sdelay $0x1  }
0x8a: {  	s1 =	srdreg.scid  }
0x8b: {  	s0 =	sand.u32 $0x1, s1  }
0x8c: {  	s17 =	sshll.u32 s0, $0xA;
	s2 =	sadd.s32 s3, s2  }
0x8d: {  	s2 =	sadd.s32 s2, s17  }
0x8e: {  	[smem:$0x3FC2] =	sst s2  }
0x8f: {  	_ = 	snop  }
0x90: {  	s2 =	sld [smem:$0x3FD0];
	(tm) =	ssettm $0x1  }
0x91: {  	s18 =	sld [smem:$0x3FFB];
	_ =	sdelay $0x3  }
0x92: {  	_ =	strace s18  }
0x93: {  	s3 =	sld [smem:$0x3FFC];
	_ =	sdelay $0x3  }
0x94: {  	_ =	strace s3  }
0x95: {  	s3 =	sld [smem:$0x3FFD];
	_ =	sdelay $0x3  }
0x96: {  	_ =	strace s3  }
0x97: {  	_ =	strace $0x8FFFFFFF  }
0x98: {  	s19 =	sld [smem:$0x3FDB];
	_ =	sdelay $0x1  }
0x99: {  	s4 =	simm.s32 $_scs_section_size  }
0x9a: {  	s5 =	simm.s32 $_size__tile_overlayer_lowered;
	s6 =	simm.s32 $_tile_overlayer_lowered  }
0x9b: {  	s22 =	simm.s32 $0x1BFF;
	s21 =	sshll.u32 s6, $0x1;
	s3 =	sadd.s32 s4, s19  }
0x9c: {  	s7 =	simm.s32 $0x0;
	s20 =	sshll.u32 s5, $0x1;
	s5 =	sadd.s32 s21, s3  }
0x9d: {  	[timem:s7], [sflag:s22] =	dma.local [hbm:s5], s20  }
0x9e: {  	_ =	swait.ge [sflag:s22], s20  }
0x9f: {  	s4 =	ssub.s32 $0x0, s20;
	[sflag:s22] =	ssyncset.done $0x0  }
0xa0: {  	[sflag:s22] =	ssyncadd.s32 s4;
	_ =	sdelay $0x1  }
0xa1: {  	s23 =	simm.s32 $0x1B8B  }
0xa2: {  	_ =	swait.ge [sflag:s23], $0x1  }
0xa3: {  	[sflag:s23] =	ssyncset.done $0x0  }
0xa4: {  	s25 =	simm.s32 $0x1B8E;
	s24 =	sld [smem:$0x3FFE];
	[sflag:s23] =	ssyncadd.s32 $0xFFFFFFFF  }
0xa5: {  	s26 =	simm.s32 $execute0_lowered;
	[smem:$0x3FD2] =	sst s25  }
0xa6: {  	s5 =	sshll.u32 s26, $0x1;
	_ =	strace $0x80000049;
	[dreg:$0x1] =	wrdreg $0xFFFFFFFF  }
0xa7: {  	s28 =	simm.s32 $_size_execute0_lowered;
	s3 =	sadd.s32 s3, s5;
	[dreg:$0x0] =	wrdreg $0x0  }
0xa8: {  	s5 =	sshll.u32 s28, $0x1;
	[dreg:$0x2] =	wrdreg s3  }
0xa9: {  	[dreg:$0x3] =	wrdreg s5  }
0xaa: {  	[dreg:$0x4] =	wrdreg $0xC0  }
0xab: {  	_ =	task [dreg:s7], $0x5FFFF  }
0xac: {  	[dreg:$0x1] =	wrdreg $0xFFFFFFFF  }
0xad: {  	[dreg:$0x0] =	wrdreg $0x60  }
0xae: {  	[dreg:$0x2] =	wrdreg s24  }
0xaf: {  	[dreg:$0x3] =	wrdreg s2  }
0xb0: {  	[dreg:$0x4] =	wrdreg $0xA8000  }
0xb1: {  	[dreg:$0x5] =	wrdreg $0x9  }
0xb2: {  	_ =	task.clear_ibuf [dreg:s7], $0x6FFFF;
	_ =	strace $0x90000049  }
0xb3: {  	s29 =	simm.s32 $0x9;
	_ =	strace $0x8000004B  }
0xb4: {  	_ =	swait.ge [sflag:s29], $0x1  }
0xb5: {  	[sflag:s29] =	ssyncadd.s32 $0xFFFFFFFF  }
0xb6: {  	_ =	strace $0x9000004B  }
0xb7: {  	_ =	sfence  }
0xb8: {  	s30 =	sld [smem:$0x0];
	_ =	sdelay $0x2  }
0xb9: {  	s31 =	sshll.u32 s1, $0xD;
	s1 =	sshrl.u32 s1, $0x2  }
0xba: {  	s3 =	sand.u32 $0x4000, s31;
	s1 =	sadd.s32 s1, s30  }
0xbb: {  	s0 =	sor.u32 s3, s0;
	s1 =	sshll.u32 s1, $0x11  }
0xbc: {  	s0 =	sor.u32 s1, s0  }
0xbd: {  	s0 =	sadd.s32 $0x8F2B, s0  }
0xbe: {  	[sflag:s0] =	ssyncadd.remote.s32 $0x1  }
0xbf: {  	_ =	sfence.sel $0xFFFF  }
0xc0: {  	[dreg:$0x0] =	wrdreg $0xFFFFFFFF;
	(pc) =	sbr.abs _section_cstart, $3  }
0xc1: {  	[dreg:$0x1] =	wrdreg $0xFFFFFFFF  }
0xc2: {  	_ =	task.clear_ibuf [dreg:s7], $0x2FFFF;
	_ =	strace $0x9FFFFFFF  }
0xc3: {  	(tm) =	ssettm $0x7FFFFFFF  }
tec
execute0_lowered:
.L_overlay_start_1:
0x0: {  	(tag) =	ssettag $0x1  }
0x1: {  	s0 =	rddreg [dreg:$0x0]  }
0x2: {  	s1 =	rddreg [dreg:$0x1]  }
0x3: {  	s2 =	rddreg [dreg:$0x2];
	s4 =	simm.s32 $0x0;
	s14 =	stileid.u32  }
0x4: {  	s7 =	srdreg.scid;
	s28 =	simm.s32 $0x200;
	s29 =	simm.s32 $0x3700  }
0x5: {  	s30 =	simm.s32 $0x280;
	s31 =	simm.s32 $0x6B00;
	s3 =	smul.u32 $0x2700, s14  }
0x6: {  	[smem:$0x7FF] =	sst s4;
	s5 =	sadd.s32 $0xC200, s0;
	s25 =	smul.u32 $0x4E000, s14  }
0x7: {  	s6 =	sadd.s32 $0x2400, s0;
	s8 =	sand.u32 $0x1, s7;
	s18 =	smul.u32 $0x13800, s14  }
0x8: {  	s10 =	sadd.s32 $0x3D200, s0;
	s16 =	sadd.s32 $0x24900, s1;
	s24 =	smul.u32 $0x2710, s14  }
0x9: {  	_ =	strace $0x8000004A;
	s11 =	ssub.s32 $0x2, s8;
	s15 =	smul.u32 $0x138800, s8  }
0xa: {  	s13 =	sshll.u32 s8, $0x4;
	[dreg:$0x7] =	wrdreg s16;
	s23 =	smul.u32 $0x27100, s8  }
0xb: {  	p3 =	sne.s32 s8, $0x0;
	s8 =	simm.s32 $0x6;
	s9 =	sadd.s32 s3, s0  }
0xc: {  	s12 =	sshrl.u32 s11, $0x1;
	s7 =	sshrl.u32 s25, $0x2;
	s26 =	sor.u32 s14, s13  }
0xd: {  	s0 =	sadd.s32 $0x3A900, s0;
	s13 =	sadd.s32 s1, s3;
	p1 =	seq.s32 @p3 s14, $0xF  }
0xe: {  	p4 =	seq.s32 @!p3 s14, $0xF;
	s11 =	ssub.s32 s11, s12;
	s7 =	sadd.s32 s7, s2  }
0xf: {  	s9 =	sadd.s32 $0x16000, s9;
	s12 =	smul.u32 $0x2710, s26;
	[dreg:$0x5] =	wrdreg s0  }
0x10: {  	[dreg:$0x6] =	wrdreg s13;
	s22 =	sadd.s32 s18, s15;
	s0 =	sshrl.u32 s15, $0x3  }
0x11: {  	s26 =	sadd.s32 s24, s23;
	p0 =	por p1, !p3;
	p1 =	por !p1, !p3  }
0x12: {  	p2 =	por !p4, p3;
	p3 =	por p4, p3;
	s23 =	simm.s32 $0x180  }
0x13: {  	s24 =	simm.s32 $0x5;
	p4 =	seq.s32 s14, $0xF;
	s13 =	simm.s32 $0xA  }
0x14: {  	s18 =	simm.s32 $0x80;
	[dreg:$0x4] =	wrdreg s9;
	s9 =	sadd.s32 $0x124800, s2  }
0x15: {  	s0 =	sadd.s32 s10, s0;
	s25 =	smax.u32 s11, $0x1;
	s11 =	simm.s32 $0x9  }
0x16: {  	s17 =	sshrl.u32 s12, $0x3;
	s0 =	sadd.s32 $0x24900, s0;
	[dreg:$0xe] =	wrdreg s25  }
0x17: {  	s25 =	simm.s32 $0x68;
	s19 =	sadd.s32 s5, s17;
	[dreg:$0xd] =	wrdreg s0  }
0x18: {  	s20 =	sadd.s32 s6, s17;
	s3 =	sadd.s32 $0x4E0, s17;
	[dreg:$0x8] =	wrdreg s19  }
0x19: {  	s0 =	sadd.s32 $0x68, s26;
	s26 =	simm.s32 $0x300;
	[dreg:$0x9] =	wrdreg s20  }
0x1a: {  	s21 =	sadd.s32 s5, s3;
	s3 =	sadd.s32 s6, s3;
	[dreg:$0xf] =	wrdreg s0  }
.Ltmp0:
0x1b: {  	s0 =	sshll.u32 @!p0 s14, $0x6;
	[dreg:$0xa] =	wrdreg s21;
	(pc) =	sbr.rel .LBB2_1-.Ltmp0, $4  }
0x1c: {  	[dreg:$0xb] =	wrdreg s3;
	s3 =	sshrl.u32 s22, $0x3;
	s0 =	sor.u32 @!p0 $0x1C0A, s0  }
0x1d: {  	s17 =	simm.s32 $0x100;
	s3 =	sadd.s32 s10, s3;
	[dreg:$0x11] =	wrdreg s0  }
0x1e: {  	s19 =	simm.s32 $0x0;
	[dreg:$0xc] =	wrdreg s3;
	s3 =	sshrl.u32 @!p1 s9, $0x3  }
0x1f: {  	s0 =	simm.s32 $0x1;
	[dreg:$0x10] =	wrdreg s3;
	s3 =	simm.s32 $0x4  }
.LBB2_24:
0x20: {  	_ =	swait.ge [sflag:s8], $0x3400  }
0x21: {  	[sflag:s8] =	ssyncset.done $0x0  }
0x22: {  	s10 =	simm.s32 $0x8;
	[sflag:s8] =	ssyncadd.s32 $0xFFFFCC00  }
0x23: {  	[spmem:s2] =	stream.indirect.scatter.add.f32 [tilespmem:s31], [sflag:$0x9], $0x80, s30, s25, $0xb8;
	[tilespmem:$0x1E080] =	vst v63  }
0x24: {  	_ =	swait.ge [sflag:s10], $0x3400  }
0x25: {  	[sflag:s10] =	ssyncset.done $0x0  }
0x26: {  	[sflag:s10] =	ssyncadd.s32 $0xFFFFCC00  }
0x27: {  	_ =	swait.ge [sflag:s11], $0x3400  }
0x28: {  	[sflag:s11] =	ssyncset.done $0x0  }
0x29: {  	s12 =	simm.s32 $0x9F00;
	s16 =	rddreg [dreg:$0xa];
	[sflag:s11] =	ssyncadd.s32 $0xFFFFCC00  }
0x2a: {  	[tilespmem:s12], [sflag:$0xA] =	stream.linear.gather [hbm4b:s16+s4], $0x10, $0x38;
	[tilespmem:$0x1E080] =	vst v63  }
0x2b: {  	_ =	swait.ge [sflag:s13], $0x10  }
0x2c: {  	[sflag:s13] =	ssyncset.done $0x0  }
0x2d: {  	s14 =	simm.s32 $0x9F80;
	s20 =	rddreg [dreg:$0xb];
	[sflag:s13] =	ssyncadd.s32 $0xFFFFFFF0  }
0x2e: {  	[tilespmem:s14], [sflag:$0xA] =	stream.linear.gather [hbm4b:s20+s4], $0x10, $0x38;
	[tilespmem:$0x1E080] =	vst v63  }
0x2f: {  	_ =	swait.ge [sflag:s13], $0x10  }
0x30: {  	[sflag:s13] =	ssyncset.done $0x0  }
0x31: {  	s21 =	simm.s32 $0x10;
	s15 =	simm.s32 $0xA000;
	[sflag:s13] =	ssyncadd.s32 $0xFFFFFFF0  }
0x32: {  	[tilespmem:s15], [sflag:$0x1] =	stream.indirect.gather [hbm4b:s1+s21], $0x80, s12, s21, $0xb8;
	[tilespmem:$0x1E080] =	vst v63  }
0x33: {  	_ =	swait.ge [sflag:s0], $0x800  }
0x34: {  	[sflag:s0] =	ssyncset.done $0x0  }
0x35: {  	[sflag:s0] =	ssyncadd.s32 $0xFFFFF800  }
0x36: {  	[spmem:s2] =	stream.indirect.scatter.add.f32 [tilespmem:s15], [sflag:$0xA], $0x80, s14, s21, $0xb8;
	[tilespmem:$0x1E080] =	vst v63  }
0x37: {  	_ =	swait.ge [sflag:s13], $0x800  }
0x38: {  	[sflag:s13] =	ssyncset.done $0x0  }
0x39: {  	[sflag:s13] =	ssyncadd.s32 $0xFFFFF800  }
0x3a: {  	[bflag:$0x0] =	sbarrier.arrive $0xFFFF  }
0x3b: {  	s10 =	sshrl.u32 @p4 s9, $0x3;
	s12 =	simm.s32 @p4 $0x1FCA;
	s14 =	rddreg [dreg:$0xd]  }
0x3c: {  	[hbm:s14], [sflag:s12] =	dma.local @p4 [spmem:s10], $0x2800  }
0x3d: {  	s10 =	simm.s32 @p4 $0xA  }
0x3e: {  	s14 =	stileid.u32;
	_ =	swait.ge @p4 [sflag:s10], $0x2800  }
0x3f: {  	s12 =	sshll.u32 @!p4 s14, $0x6;
	[sflag:s10] =	ssyncset.done @p4 $0x0;
	s15 =	rddreg [dreg:$0xc]  }
0x40: {  	[sflag:s10] =	ssyncadd.s32 @p4 $0xFFFFD800;
	s10 =	sor.u32 @!p4 $0x1C0A, s12;
	s12 =	sshrl.u32 @!p4 s7, $0x3  }
0x41: {  	[hbm:s15], [sflag:s10] =	dma.local @!p4 [spmem:s12], $0x2700  }
0x42: {  	s10 =	simm.s32 @!p4 $0xA  }
0x43: {  	_ =	swait.ge @!p4 [sflag:s10], $0x2700  }
0x44: {  	s19 =	sadd.s32 $0x1, s19;
	s22 =	rddreg [dreg:$0xe]  }
0x45: {  	p5 =	sne.s32 s19, s22  }
.Ltmp1:
0x46: {  	_ = 	snop;
	(pc) =	sbr.rel @!p5 .LBB2_25-.Ltmp1, $3  }
0x47: {  	_ =	sdelay $0x1  }
0x48: {  	[sflag:s10] =	ssyncset.done @!p4 $0x0  }
0x49: {  	[sflag:s10] =	ssyncadd.s32 @!p4 $0xFFFFD900  }
.LBB2_1:
0x4a: {  	s12 =	rddreg [dreg:$0x5]  }
0x4b: {  	s10 =	simm.s32 @!p1 $0x1FCA;
	s15 =	rddreg [dreg:$0x10]  }
0x4c: {  	[spmem:s15], [sflag:s10] =	dma.local @!p1 [hbm:s12], $0x2800  }
0x4d: {  	s10 =	simm.s32 @!p1 $0xA  }
0x4e: {  	_ =	swait.ge @!p1 [sflag:s10], $0x2800  }
0x4f: {  	[sflag:s10] =	ssyncset.done @!p1 $0x0;
	s12 =	rddreg [dreg:$0x4]  }
0x50: {  	s15 =	rddreg [dreg:$0x11];
	[sflag:s10] =	ssyncadd.s32 @!p1 $0xFFFFD800;
	s10 =	sshrl.u32 @!p0 s7, $0x3  }
0x51: {  	[spmem:s10], [sflag:s15] =	dma.local @!p0 [hbm:s12], $0x2700  }
0x52: {  	s10 =	simm.s32 @!p0 $0xA  }
0x53: {  	_ =	swait.ge @!p0 [sflag:s10], $0x2700  }
0x54: {  	s12 =	simm.s32 @!p2 $0x1FCA;
	[sflag:s10] =	ssyncset.done @!p0 $0x0  }
0x55: {  	s15 =	rddreg [dreg:$0x7];
	[sflag:s10] =	ssyncadd.s32 @!p0 $0xFFFFD900;
	s10 =	sshrl.u32 @!p2 s9, $0x3  }
0x56: {  	[spmem:s10], [sflag:s12] =	dma.local @!p2 [hbm:s15], $0x2800  }
0x57: {  	s10 =	simm.s32 @!p2 $0xA  }
0x58: {  	_ =	swait.ge @!p2 [sflag:s10], $0x2800  }
0x59: {  	s12 =	sshll.u32 @!p3 s14, $0x6;
	[sflag:s10] =	ssyncset.done @!p2 $0x0;
	s14 =	rddreg [dreg:$0x6]  }
0x5a: {  	[sflag:s10] =	ssyncadd.s32 @!p2 $0xFFFFD800;
	s10 =	sor.u32 @!p3 $0x1C0A, s12;
	s12 =	sshrl.u32 @!p3 s7, $0x3  }
0x5b: {  	[spmem:s12], [sflag:s10] =	dma.local @!p3 [hbm:s14], $0x2700  }
0x5c: {  	s10 =	simm.s32 @!p3 $0xA  }
0x5d: {  	_ =	swait.ge @!p3 [sflag:s10], $0x2700  }
0x5e: {  	[sflag:s10] =	ssyncset.done @!p3 $0x0  }
0x5f: {  	[sflag:s10] =	ssyncadd.s32 @!p3 $0xFFFFD900  }
0x60: {  	[bflag:$0x0] =	sbarrier.arrive $0xFFFF  }
.Ltmp2:
0x61: {  	s21 =	rddreg [dreg:$0x8];
	(pc) =	sbr.rel .LBB2_2-.Ltmp2, $4  }
0x62: {  	s22 =	rddreg [dreg:$0x9]  }
0x63: {  	[tilespmem:s4], [sflag:$0x1] =	stream.linear.gather [hbm4b:s21+s4], $0x68, $0x38;
	[tilespmem:$0x1E080] =	vst v63  }
0x64: {  	s20 =	rddreg [dreg:$0xf];
	s21 =	simm.s32 $0x0  }
0x65: {  	[tilespmem:s23], [sflag:$0x1] =	stream.linear.gather [hbm4b:s22+s4], $0x68, $0x38;
	[tilespmem:$0x1E080] =	vst v63  }
.LBB2_22:
0x66: {  	_ =	swait.ge [sflag:s0], $0x68  }
0x67: {  	[sflag:s0] =	ssyncset.done $0x0  }
0x68: {  	[sflag:s0] =	ssyncadd.s32 $0xFFFFFF98  }
0x69: {  	_ =	swait.ge [sflag:s0], $0x68  }
0x6a: {  	[sflag:s0] =	ssyncset.done $0x0  }
0x6b: {  	[sflag:s0] =	ssyncadd.s32 $0xFFFFFF98  }
0x6c: {  	[tilespmem:s26], [sflag:$0x4] =	stream.indirect.gather [hbm4b:s1+s25], $0x80, s4, s25, $0xb8;
	[tilespmem:$0x1E080] =	vst v63  }
.LBB2_23:
0x6d: {  	p5 =	sne.s32 s22, $0x60  }
.Ltmp3:
0x6e: {  	_ = 	snop;
	(pc) =	sbr.rel @!p5 .LBB2_24-.Ltmp3, $2  }
0x6f: {  	_ =	sdelay $0x2  }
0x70: {  	s20 =	sadd.s32 $0x68, s20;
	s21 =	smov.u32 s22  }
.LBB2_2:
0x71: {  	s12 =	smul.u32 $0xAB, s21  }
0x72: {  	s10 =	sadd.s32 $0x2, s21  }
0x73: {  	s15 =	sand.u32 $0xFF, s10;
	s14 =	sadd.s32 $0xAB, s12  }
0x74: {  	p5 =	slt.u32 s21, $0x2;
	s15 =	smul.u32 $0xAB, s15;
	s14 =	sshrl.u32 s14, $0x9  }
.Ltmp4:
0x75: {  	s14 =	sand.u32 $0x7F, s14;
	(pc) =	sbr.rel @p5 .LBB2_8-.Ltmp4, $4  }
0x76: {  	s15 =	sshrl.u32 s15, $0x9;
	s14 =	smul.u32 $0x3, s14  }
0x77: {  	s22 =	sadd.s32 $0x1, s21;
	s15 =	smul.u32 $0x3, s15  }
0x78: {  	s16 =	ssub.s32 s22, s14  }
0x79: {  	s14 =	ssub.s32 s10, s15;
	s15 =	sand.u32 $0xFF, s16  }
0x7a: {  	p5 =	seq.s32 s15, $0x0  }
0x7b: {  	p6 =	seq.s32 @!p5 s15, $0x2  }
0x7c: {  	p6 =	por !p6, p5  }
0x7d: {  	s10 =	simm.s32 @!p6 $0x9  }
0x7e: {  	s10 =	simm.s32 @p6 $0x8  }
0x7f: {  	s10 =	simm.s32 @p5 $0x7;
	p5 =	sne.s32 s21, $0x5F  }
.Ltmp5:
0x80: {  	_ = 	snop;
	(pc) =	sbr.rel @p5 .LBB2_8-.Ltmp5, $4  }
0x81: {  	_ = 	snop  }
0x82: {  	_ =	swait.ge [sflag:s10], $0x3400  }
0x83: {  	[sflag:s10] =	ssyncset.done $0x0  }
0x84: {  	[sflag:s10] =	ssyncadd.s32 $0xFFFFCC00  }
.Ltmp6:
0x85: {  	(pc) =	sbr.rel .LBB2_5-.Ltmp6, $3  }
0x86: {  	_ =	sdelay $0x1  }
0x87: {  	s10 =	sand.u32 $0xFF, s14  }
0x88: {  	p6 =	seq.s32 s10, $0x0;
	p5 =	seq.s32 s10, $0x1  }
.LBB2_8:
0x89: {  	p5 =	seq.s32 s15, $0x2  }
.Ltmp7:
0x8a: {  	_ = 	snop;
	(pc) =	sbr.rel @p5 .LBB2_10-.Ltmp7, $3  }
0x8b: {  	_ =	sdelay $0x1  }
0x8c: {  	s16 =	sshrl.u32 s20, $0x3  }
0x8d: {  	s10 =	sadd.s32 s5, s16;
	s16 =	sadd.s32 s6, s16  }
0x8e: {  	p5 =	seq.s32 s15, $0x1  }
0x8f: {  	[tilespmem:s18], [sflag:$0x2] =	stream.linear.gather @p5 [hbm4b:s10+s4], $0x68, $0x38;
	[tilespmem:$0x1E080] =	vst v63  }
0x90: {  	_ = 	snop  }
0x91: {  	[tilespmem:s28], [sflag:$0x2] =	stream.linear.gather @p5 [hbm4b:s16+s4], $0x68, $0x38;
	[tilespmem:$0x1E080] =	vst v63  }
.Ltmp8:
0x92: {  	_ = 	snop;
	(pc) =	sbr.rel .LBB2_11-.Ltmp8, $4  }
0x93: {  	_ = 	snop  }
0x94: {  	[tilespmem:s4], [sflag:$0x1] =	stream.linear.gather @!p5 [hbm4b:s10+s4], $0x68, $0x38;
	[tilespmem:$0x1E080] =	vst v63  }
0x95: {  	_ = 	snop  }
0x96: {  	[tilespmem:s23], [sflag:$0x1] =	stream.linear.gather @!p5 [hbm4b:s16+s4], $0x68, $0x38;
	[tilespmem:$0x1E080] =	vst v63  }
.LBB2_10:
0x97: {  	[tilespmem:s17], [sflag:$0x3] =	stream.linear.gather [hbm4b:s10+s4], $0x68, $0x38;
	[tilespmem:$0x1E080] =	vst v63  }
0x98: {  	_ = 	snop  }
0x99: {  	[tilespmem:s30], [sflag:$0x3] =	stream.linear.gather [hbm4b:s16+s4], $0x68, $0x38;
	[tilespmem:$0x1E080] =	vst v63  }
.LBB2_11:
0x9a: {  	p5 =	seq.s32 s21, $0x0  }
.Ltmp9:
0x9b: {  	_ = 	snop;
	(pc) =	sbr.rel @p5 .LBB2_22-.Ltmp9, $1  }
0x9c: {  	_ =	sdelay $0x3  }
0x9d: {  	s10 =	sand.u32 $0xFF, s14  }
0x9e: {  	p5 =	seq.s32 s10, $0x1  }
.Ltmp10:
0x9f: {  	_ = 	snop;
	(pc) =	sbr.rel @p5 .LBB2_13-.Ltmp10, $1  }
0xa0: {  	_ =	sdelay $0x3  }
0xa1: {  	p5 =	sne.s32 s10, $0x0  }
.Ltmp11:
0xa2: {  	_ = 	snop;
	(pc) =	sbr.rel @p5 .LBB2_16-.Ltmp11, $1  }
0xa3: {  	_ =	sdelay $0x3  }
.Ltmp12:
0xa4: {  	(pc) =	sbr.rel .LBB2_20-.Ltmp12, $4  }
0xa5: {  	_ =	swait.ge [sflag:s3], $0x3400  }
0xa6: {  	[sflag:s3] =	ssyncset.done $0x0  }
0xa7: {  	[sflag:s3] =	ssyncadd.s32 $0xFFFFCC00  }
0xa8: {  	[spmem:s2] =	stream.indirect.scatter.add.f32 [tilespmem:s26], [sflag:$0x7], $0x80, s23, s25, $0xb8;
	[tilespmem:$0x1E080] =	vst v63  }
.LBB2_13:
0xa9: {  	p6 =	por $0x0, $0x0;
	p5 =	por $0x1, $0x1  }
.LBB2_5:
.Ltmp13:
0xaa: {  	(pc) =	sbr.rel @!p6 .LBB2_17-.Ltmp13, $4  }
0xab: {  	_ = 	snop  }
0xac: {  	_ =	swait.ge [sflag:s24], $0x3400  }
0xad: {  	[sflag:s24] =	ssyncset.done $0x0  }
0xae: {  	[sflag:s24] =	ssyncadd.s32 $0xFFFFCC00  }
.Ltmp14:
0xaf: {  	(pc) =	sbr.rel @p5 .LBB2_18-.Ltmp14, $2  }
0xb0: {  	_ =	sdelay $0x2  }
0xb1: {  	[spmem:s2] =	stream.indirect.scatter.add.f32 [tilespmem:s26], [sflag:$0x7], $0x80, s23, s25, $0xb8;
	[tilespmem:$0x1E080] =	vst v63  }
.LBB2_7:
0xb2: {  	s10 =	sand.u32 $0xFF, s14  }
0xb3: {  	p5 =	sne.s32 s10, $0x2  }
.Ltmp15:
0xb4: {  	_ = 	snop;
	(pc) =	sbr.rel @p5 .LBB2_20-.Ltmp15, $4  }
.Ltmp16:
0xb5: {  	_ = 	snop;
	(pc) =	sbr.rel @!p5 .LBB2_19-.Ltmp16, $4  }
0xb6: {  	_ = 	snop  }
0xb7: {  	_ = 	snop  }
0xb8: {  	_ = 	snop  }
0xb9: {  	_ = 	snop  }
.LBB2_17:
.Ltmp17:
0xba: {  	(pc) =	sbr.rel @!p5 .LBB2_7-.Ltmp17, $1  }
0xbb: {  	_ =	sdelay $0x3  }
.LBB2_18:
0xbc: {  	s10 =	sand.u32 $0xFF, s14  }
0xbd: {  	p5 =	seq.s32 s10, $0x2  }
.Ltmp18:
0xbe: {  	_ = 	snop;
	(pc) =	sbr.rel @!p5 .LBB2_20-.Ltmp18, $4  }
.Ltmp19:
0xbf: {  	_ = 	snop;
	(pc) =	sbr.rel @p5 .LBB2_19-.Ltmp19, $4  }
0xc0: {  	_ = 	snop  }
0xc1: {  	_ = 	snop  }
0xc2: {  	[spmem:s2] =	stream.indirect.scatter.add.f32 [tilespmem:s29], [sflag:$0x8], $0x80, s28, s25, $0xb8;
	[tilespmem:$0x1E080] =	vst v63  }
0xc3: {  	_ = 	snop  }
.LBB2_16:
0xc4: {  	_ =	swait.ge [sflag:s8], $0x3400  }
0xc5: {  	[sflag:s8] =	ssyncset.done $0x0  }
0xc6: {  	[sflag:s8] =	ssyncadd.s32 $0xFFFFCC00  }
.LBB2_19:
0xc7: {  	[spmem:s2] =	stream.indirect.scatter.add.f32 [tilespmem:s31], [sflag:$0x9], $0x80, s30, s25, $0xb8;
	[tilespmem:$0x1E080] =	vst v63  }
.LBB2_20:
0xc8: {  	s10 =	sshrl.u32 s12, $0x9  }
0xc9: {  	s10 =	sand.u32 $0x7F, s10  }
0xca: {  	s10 =	smul.u32 $0x3, s10;
	_ =	sdelay $0x1  }
0xcb: {  	s10 =	ssub.s32 s21, s10  }
0xcc: {  	s10 =	sand.u32 $0xFF, s10  }
0xcd: {  	p5 =	seq.s32 s10, $0x0  }
.Ltmp20:
0xce: {  	_ = 	snop;
	(pc) =	sbr.rel @p5 .LBB2_22-.Ltmp20, $1  }
0xcf: {  	_ =	sdelay $0x3  }
0xd0: {  	p5 =	sne.s32 s10, $0x1  }
0xd1: {  	s10 =	simm.s32 @p5 $0x3  }
0xd2: {  	_ =	swait.ge @p5 [sflag:s10], $0x68  }
0xd3: {  	[sflag:s10] =	ssyncset.done @p5 $0x0  }
0xd4: {  	[sflag:s10] =	ssyncadd.s32 @p5 $0xFFFFFF98  }
0xd5: {  	_ =	swait.ge @p5 [sflag:s10], $0x68  }
0xd6: {  	s12 =	simm.s32 @p5 $0x100;
	[sflag:s10] =	ssyncset.done @p5 $0x0  }
0xd7: {  	s14 =	simm.s32 @p5 $0x6B00;
	[sflag:s10] =	ssyncadd.s32 @p5 $0xFFFFFF98;
	s10 =	simm.s32 @p5 $0x68  }
0xd8: {  	[tilespmem:s14], [sflag:$0x6] =	stream.indirect.gather @p5 [hbm4b:s1+s10], $0x80, s12, s10, $0xb8;
	[tilespmem:$0x1E080] =	vst v63  }
0xd9: {  	s10 =	simm.s32 @!p5 $0x2  }
0xda: {  	_ =	swait.ge @!p5 [sflag:s10], $0x68  }
0xdb: {  	[sflag:s10] =	ssyncset.done @!p5 $0x0  }
.Ltmp21:
0xdc: {  	[sflag:s10] =	ssyncadd.s32 @!p5 $0xFFFFFF98;
	(pc) =	sbr.rel .LBB2_23-.Ltmp21, $4  }
0xdd: {  	_ =	swait.ge @!p5 [sflag:s10], $0x68  }
0xde: {  	s12 =	simm.s32 @!p5 $0x80;
	[sflag:s10] =	ssyncset.done @!p5 $0x0  }
0xdf: {  	s14 =	simm.s32 @!p5 $0x3700;
	[sflag:s10] =	ssyncadd.s32 @!p5 $0xFFFFFF98;
	s10 =	simm.s32 @!p5 $0x68  }
0xe0: {  	[tilespmem:s14], [sflag:$0x5] =	stream.indirect.gather @!p5 [hbm4b:s1+s10], $0x80, s12, s10, $0xb8;
	[tilespmem:$0x1E080] =	vst v63  }
.LBB2_25:
0xe1: {  	_ =	sfence.sel $0x180000  }
0xe2: {  	[bflag:$0x0] =	sbarrier.arrive $0xFFFF  }
0xe3: {  	_ =	strace $0x9000004A  }
0xe4: {  	[bflag:$0x2] =	sbarrier.arrive $0xFFFF  }
0xe5: {  	p0 =	sne.s32 s14, $0x0;
	s0 =	rddreg [dreg:$0x3]  }
0xe6: {  	s0 =	sadd.s32 @!p0 $0x100000, s0  }
0xe7: {  	[sflag:s0] =	ssyncadd.tile.s32 @!p0 $0x1;
	_ =	shalt  }
.Lfunc_end2:
_tile_overlayer_lowered:
.L_overlay_start_2:
0xe8: {  	(tag) =	ssettag $0x2  }
0xe9: {  	s0 =	rddreg [dreg:$0x0];
	s2 =	stileid.u32  }
0xea: {  	s1 =	rddreg [dreg:$0x1];
	p0 =	sne.s32 s2, $0x0  }
0xeb: {  	s3 =	rddreg [dreg:$0x2];
	[bflag:$0x3] =	sbarrier.arrive $0xFFFF;
	s2 =	simm.s32 @!p0 $0x1C0A  }
0xec: {  	[timem:s3], [sflag:s2] =	dma.local @!p0 [hbm:s0], s1  }
0xed: {  	s0 =	simm.s32 @!p0 $0xA  }
0xee: {  	_ =	swait.ge @!p0 [sflag:s0], s1  }
0xef: {  	s1 =	ssub.s32 @!p0 $0x0, s1;
	[sflag:s0] =	ssyncset.done @!p0 $0x0  }
0xf0: {  	[sflag:s0] =	ssyncadd.s32 @!p0 s1  }
0xf1: {  	[bflag:$0x3] =	sbarrier.arrive $0xFFFF  }
0xf2: {  	_ =	shalt  }

// kernel: kernel.14.cloned.1.call-start
scs
__scs_entry_jumppad:
0x0: {  	(pc) =	sbr.rel $0x88, $3  }
0x1: {  	(tag) =	ssettag $0x0;
	lr =	simm.s32 $0x1  }
0x2: {  	[smem:$0x3F9B] =	sst lr;
	_ =	strace $0xD0000000  }
0x3: {  	_ = 	snop  }
0x4: {  	_ = 	snop  }
0x5: {  	_ = 	snop  }
0x6: {  	_ = 	snop  }
0x7: {  	_ = 	snop  }
__scs_overlays_trampoline_lowered:
0x8: {  	[smem:$0x3FAA] =	sst s0  }
0x9: {  	[smem:$0x3FAB] =	sst s1  }
0xa: {  	[smem:$0x3FAC] =	sst s2  }
0xb: {  	[smem:$0x3FAD] =	sst s3  }
0xc: {  	[smem:$0x3FAE] =	sst s4  }
0xd: {  	[smem:$0x3FAF] =	sst s5  }
0xe: {  	[smem:$0x3FB0] =	sst s6  }
0xf: {  	[smem:$0x3FB1] =	sst s7  }
0x10: {  	[smem:$0x3FB2] =	sst s8  }
0x11: {  	[smem:$0x3FB3] =	sst s9;
	s0 =	simm.s32 @!p0 $0x0  }
0x12: {  	s1 =	sld [smem:$0x3F99];
	s0 =	simm.s32 @p0 $0x1  }
0x13: {  	[smem:$0x3FB4] =	sst s0;
	s0 =	simm.s32 @!p1 $0x0  }
0x14: {  	s2 =	sld [smem:$0x3F98];
	s0 =	simm.s32 @p1 $0x1  }
0x15: {  	[smem:$0x3FB5] =	sst s0;
	s0 =	simm.s32 @!p2 $0x0  }
0x16: {  	s3 =	sld [smem:$0x3FDB];
	s0 =	simm.s32 @p2 $0x1  }
0x17: {  	s4 =	simm.s32 $0x1BF5;
	[smem:$0x3FB7] =	sst s0  }
0x18: {  	s0 =	sld [smem:$0x3F9A];
	_ =	swait.ge [sflag:s4], $0x0  }
0x19: {  	s7 =	sld [smem:$0x3F9B]  }
0x1a: {  	s8 =	sadd.s32 $0xFFFFE003, lr  }
0x1b: {  	s9 =	sadd.s32 $0xFFFFFEF7, lr;
	s5 =	simm.s32 $0xFFFFFFFF;
	p2 =	slt.u32 s8, $0xFFFFF086  }
0x1c: {  	p1 =	slt.u32 s9, $0xF7A;
	s5 =	simm.s32 @!p2 $0x0  }
0x1d: {  	s5 =	simm.s32 @p1 $0x1;
	p0 =	seq.s32 s7, s2  }
0x1e: {  	s7 =	smul.u32 @!p0 $0xF7A, s2;
	p2 =	seq.s32 @!p0 s5, $0x0  }
0x1f: {  	s9 =	smul.u32 $0xF7A, s1;
	s8 =	simm.s32 @!p0 $0x1BF5;
	p2 =	por !p2, p0  }
0x20: {  	[sflag:s8] =	ssyncset.s32 @!p0 $0xFFFFF086;
	s6 =	sadd.s32 @!p0 s3, s7;
	s7 =	simm.s32 @!p0 $0x108  }
0x21: {  	s3 =	sadd.s32 s3, s9;
	s6 =	sadd.s32 @!p0 $0x88, s6;
	s7 =	simm.s32 @p2 $0x1082  }
0x22: {  	[simem:s7], [sflag:s8] =	dma.local @!p0 [hbm:s6], $0xF7A  }
0x23: {  	s9 =	sor.u32 $0xD0000000, s2;
	s6 =	simm.s32 $0x108;
	_ =	swait.ge @!p0 [sflag:s8], $0x0  }
0x24: {  	s3 =	sadd.s32 $0x88, s3;
	s6 =	simm.s32 @!p1 $0x1082;
	[sflag:s4] =	ssyncset.s32 $0xFFFFF086  }
0x25: {  	[simem:s6], [sflag:s4] =	dma.local [hbm:s3], $0xF7A  }
0x26: {  	[smem:$0x3F9B] =	sst s1;
	(tag) =	ssettag s2;
	_ =	strace s9  }
0x27: {  	s1 =	sld [smem:$0x3FAB]  }
0x28: {  	s2 =	sld [smem:$0x3FAC]  }
0x29: {  	s4 =	sld [smem:$0x3FAE]  }
0x2a: {  	p0 =	seq.s32 s5, $0x0;
	s5 =	sld [smem:$0x3FAF]  }
0x2b: {  	s6 =	sld [smem:$0x3FB0]  }
0x2c: {  	s7 =	sld [smem:$0x3FB1]  }
0x2d: {  	s3 =	simm.s32 $0x108;
	s8 =	sld [smem:$0x3FB2]  }
0x2e: {  	s3 =	simm.s32 @!p0 $0x1082;
	s9 =	sld [smem:$0x3FB3]  }
0x2f: {  	lr =	sadd.s32 s0, s3;
	s0 =	sld [smem:$0x3FAA]  }
0x30: {  	s3 =	sld [smem:$0x3FAD]  }
0x31: {  	[smem:$0x3FB6] =	sst s10  }
0x32: {  	s10 =	sld [smem:$0x3FB4];
	_ =	sdelay $0x3  }
0x33: {  	p0 =	seq.s32 s10, $0x1;
	s10 =	sld [smem:$0x3FB6];
	_ =	sdelay $0x3  }
0x34: {  	[smem:$0x3FB6] =	sst s10  }
0x35: {  	s10 =	sld [smem:$0x3FB5];
	_ =	sdelay $0x3  }
0x36: {  	p1 =	seq.s32 s10, $0x1;
	s10 =	sld [smem:$0x3FB6];
	_ =	sdelay $0x3  }
0x37: {  	[smem:$0x3FB6] =	sst s10  }
0x38: {  	s10 =	sld [smem:$0x3FB7]  }
0x39: {  	_ = 	snop;
	(pc) =	sbr.ind lr, $3  }
0x3a: {  	_ = 	snop  }
0x3b: {  	_ = 	snop  }
0x3c: {  	p2 =	seq.s32 s10, $0x1;
	s10 =	sld [smem:$0x3FB6]  }
0x3d: {  	_ =	shalt  }
0x3e: {  	_ =	shalt  }
0x3f: {  	_ =	shalt  }
0x40: {  	_ =	shalt  }
0x41: {  	_ =	shalt  }
0x42: {  	_ =	shalt  }
0x43: {  	_ =	shalt  }
0x44: {  	_ =	shalt  }
0x45: {  	_ =	shalt  }
0x46: {  	_ =	shalt  }
0x47: {  	_ =	shalt  }
0x48: {  	_ =	shalt  }
0x49: {  	_ =	shalt  }
0x4a: {  	_ =	shalt  }
0x4b: {  	_ =	shalt  }
0x4c: {  	_ =	shalt  }
0x4d: {  	_ =	shalt  }
0x4e: {  	_ =	shalt  }
0x4f: {  	_ =	shalt  }
0x50: {  	_ =	shalt  }
0x51: {  	_ =	shalt  }
0x52: {  	_ =	shalt  }
0x53: {  	_ =	shalt  }
0x54: {  	_ =	shalt  }
0x55: {  	_ =	shalt  }
0x56: {  	_ =	shalt  }
0x57: {  	_ =	shalt  }
0x58: {  	_ =	shalt  }
0x59: {  	_ =	shalt  }
0x5a: {  	_ =	shalt  }
0x5b: {  	_ =	shalt  }
0x5c: {  	_ =	shalt  }
0x5d: {  	_ =	shalt  }
0x5e: {  	_ =	shalt  }
0x5f: {  	_ =	shalt  }
0x60: {  	_ =	shalt  }
0x61: {  	_ =	shalt  }
0x62: {  	_ =	shalt  }
0x63: {  	_ =	shalt  }
0x64: {  	_ =	shalt  }
0x65: {  	_ =	shalt  }
0x66: {  	_ =	shalt  }
0x67: {  	_ =	shalt  }
0x68: {  	_ =	shalt  }
0x69: {  	_ =	shalt  }
0x6a: {  	_ =	shalt  }
0x6b: {  	_ =	shalt  }
0x6c: {  	_ =	shalt  }
0x6d: {  	_ =	shalt  }
0x6e: {  	_ =	shalt  }
0x6f: {  	_ =	shalt  }
0x70: {  	_ =	shalt  }
0x71: {  	_ =	shalt  }
0x72: {  	_ =	shalt  }
0x73: {  	_ =	shalt  }
0x74: {  	_ =	shalt  }
0x75: {  	_ =	shalt  }
0x76: {  	_ =	shalt  }
0x77: {  	_ =	shalt  }
0x78: {  	_ =	shalt  }
0x79: {  	_ =	shalt  }
0x7a: {  	_ =	shalt  }
0x7b: {  	_ =	shalt  }
0x7c: {  	_ =	shalt  }
0x7d: {  	_ =	shalt  }
0x7e: {  	_ =	shalt  }
0x7f: {  	_ =	shalt  }
0x80: {  	_ =	shalt  }
0x81: {  	_ =	shalt  }
0x82: {  	_ =	shalt  }
0x83: {  	_ =	shalt  }
0x84: {  	_ =	shalt  }
0x85: {  	_ =	shalt  }
0x86: {  	_ =	shalt  }
0x87: {  	_ =	shalt  }
.Lfunc_end0:
.L_simem_size_0:
called_computation.2_lowered:
.L_overlay_start_0:
0x88: {  	s2 =	sld [smem:$0x3FD9]  }
0x89: {  	s3 =	sld [smem:$0x3FFE];
	_ =	sdelay $0x1  }
0x8a: {  	s1 =	srdreg.scid  }
0x8b: {  	s0 =	sand.u32 $0x1, s1  }
0x8c: {  	s17 =	sshll.u32 s0, $0xA;
	s2 =	sadd.s32 s3, s2  }
0x8d: {  	s2 =	sadd.s32 s2, s17  }
0x8e: {  	[smem:$0x3FC2] =	sst s2  }
0x8f: {  	_ = 	snop  }
0x90: {  	s2 =	sld [smem:$0x3FD0];
	(tm) =	ssettm $0x1  }
0x91: {  	s18 =	sld [smem:$0x3FFB];
	_ =	sdelay $0x3  }
0x92: {  	_ =	strace s18  }
0x93: {  	s3 =	sld [smem:$0x3FFC];
	_ =	sdelay $0x3  }
0x94: {  	_ =	strace s3  }
0x95: {  	s3 =	sld [smem:$0x3FFD];
	_ =	sdelay $0x3  }
0x96: {  	_ =	strace s3  }
0x97: {  	_ =	strace $0x8FFFFFFF  }
0x98: {  	s19 =	sld [smem:$0x3FDB];
	_ =	sdelay $0x1  }
0x99: {  	s4 =	simm.s32 $_scs_section_size  }
0x9a: {  	s5 =	simm.s32 $_size__tile_overlayer_lowered;
	s6 =	simm.s32 $_tile_overlayer_lowered  }
0x9b: {  	s22 =	simm.s32 $0x1BFF;
	s21 =	sshll.u32 s6, $0x1;
	s3 =	sadd.s32 s4, s19  }
0x9c: {  	s7 =	simm.s32 $0x0;
	s20 =	sshll.u32 s5, $0x1;
	s5 =	sadd.s32 s21, s3  }
0x9d: {  	[timem:s7], [sflag:s22] =	dma.local [hbm:s5], s20  }
0x9e: {  	_ =	swait.ge [sflag:s22], s20  }
0x9f: {  	s4 =	ssub.s32 $0x0, s20;
	[sflag:s22] =	ssyncset.done $0x0  }
0xa0: {  	[sflag:s22] =	ssyncadd.s32 s4;
	_ =	sdelay $0x1  }
0xa1: {  	s23 =	simm.s32 $0x1B8B  }
0xa2: {  	_ =	swait.ge [sflag:s23], $0x1  }
0xa3: {  	[sflag:s23] =	ssyncset.done $0x0  }
0xa4: {  	s25 =	simm.s32 $0x1B8E;
	s24 =	sld [smem:$0x3FFE];
	[sflag:s23] =	ssyncadd.s32 $0xFFFFFFFF  }
0xa5: {  	s26 =	simm.s32 $execute0_lowered;
	[smem:$0x3FD2] =	sst s25  }
0xa6: {  	s5 =	sshll.u32 s26, $0x1;
	_ =	strace $0x8000004C;
	[dreg:$0x1] =	wrdreg $0xFFFFFFFF  }
0xa7: {  	s28 =	simm.s32 $_size_execute0_lowered;
	s3 =	sadd.s32 s3, s5;
	[dreg:$0x0] =	wrdreg $0x0  }
0xa8: {  	s5 =	sshll.u32 s28, $0x1;
	[dreg:$0x2] =	wrdreg s3  }
0xa9: {  	[dreg:$0x3] =	wrdreg s5  }
0xaa: {  	[dreg:$0x4] =	wrdreg $0xC0  }
0xab: {  	_ =	task [dreg:s7], $0x5FFFF  }
0xac: {  	[dreg:$0x1] =	wrdreg $0xFFFFFFFF  }
0xad: {  	[dreg:$0x0] =	wrdreg $0x60  }
0xae: {  	[dreg:$0x2] =	wrdreg s24  }
0xaf: {  	[dreg:$0x3] =	wrdreg s2  }
0xb0: {  	[dreg:$0x4] =	wrdreg $0xA8000  }
0xb1: {  	[dreg:$0x5] =	wrdreg $0x9  }
0xb2: {  	_ =	task.clear_ibuf [dreg:s7], $0x6FFFF;
	_ =	strace $0x9000004C  }
0xb3: {  	s29 =	simm.s32 $0x9;
	_ =	strace $0x8000004E  }
0xb4: {  	_ =	swait.ge [sflag:s29], $0x1  }
0xb5: {  	[sflag:s29] =	ssyncadd.s32 $0xFFFFFFFF  }
0xb6: {  	_ =	strace $0x9000004E  }
0xb7: {  	_ =	sfence  }
0xb8: {  	s30 =	sld [smem:$0x0];
	_ =	sdelay $0x2  }
0xb9: {  	s31 =	sshll.u32 s1, $0xD;
	s1 =	sshrl.u32 s1, $0x2  }
0xba: {  	s3 =	sand.u32 $0x4000, s31;
	s1 =	sadd.s32 s1, s30  }
0xbb: {  	s0 =	sor.u32 s3, s0;
	s1 =	sshll.u32 s1, $0x11  }
0xbc: {  	s0 =	sor.u32 s1, s0  }
0xbd: {  	s0 =	sadd.s32 $0x8F2B, s0  }
0xbe: {  	[sflag:s0] =	ssyncadd.remote.s32 $0x1  }
0xbf: {  	_ =	sfence.sel $0xFFFF  }
0xc0: {  	[dreg:$0x0] =	wrdreg $0xFFFFFFFF;
	(pc) =	sbr.abs _section_cstart, $3  }
0xc1: {  	[dreg:$0x1] =	wrdreg $0xFFFFFFFF  }
0xc2: {  	_ =	task.clear_ibuf [dreg:s7], $0x2FFFF;
	_ =	strace $0x9FFFFFFF  }
0xc3: {  	(tm) =	ssettm $0x7FFFFFFF  }
tec
execute0_lowered:
.L_overlay_start_1:
0x0: {  	(tag) =	ssettag $0x1  }
0x1: {  	s0 =	rddreg [dreg:$0x0]  }
0x2: {  	s1 =	rddreg [dreg:$0x1]  }
0x3: {  	s2 =	rddreg [dreg:$0x2];
	s4 =	simm.s32 $0x0;
	s14 =	stileid.u32  }
0x4: {  	s7 =	srdreg.scid;
	s28 =	simm.s32 $0x200;
	s29 =	simm.s32 $0x3700  }
0x5: {  	s30 =	simm.s32 $0x280;
	s31 =	simm.s32 $0x6B00;
	s3 =	smul.u32 $0x2700, s14  }
0x6: {  	[smem:$0x7FF] =	sst s4;
	s5 =	sadd.s32 $0xC200, s0;
	s25 =	smul.u32 $0x4E000, s14  }
0x7: {  	s6 =	sadd.s32 $0x2400, s0;
	s8 =	sand.u32 $0x1, s7;
	s18 =	smul.u32 $0x13800, s14  }
0x8: {  	s10 =	sadd.s32 $0x3D200, s0;
	s16 =	sadd.s32 $0x24900, s1;
	s24 =	smul.u32 $0x2710, s14  }
0x9: {  	_ =	strace $0x8000004D;
	s11 =	ssub.s32 $0x2, s8;
	s15 =	smul.u32 $0x138800, s8  }
0xa: {  	s13 =	sshll.u32 s8, $0x4;
	[dreg:$0x7] =	wrdreg s16;
	s23 =	smul.u32 $0x27100, s8  }
0xb: {  	p3 =	sne.s32 s8, $0x0;
	s8 =	simm.s32 $0x6;
	s9 =	sadd.s32 s3, s0  }
0xc: {  	s12 =	sshrl.u32 s11, $0x1;
	s7 =	sshrl.u32 s25, $0x2;
	s26 =	sor.u32 s14, s13  }
0xd: {  	s0 =	sadd.s32 $0x3A900, s0;
	s13 =	sadd.s32 s1, s3;
	p1 =	seq.s32 @p3 s14, $0xF  }
0xe: {  	p4 =	seq.s32 @!p3 s14, $0xF;
	s11 =	ssub.s32 s11, s12;
	s7 =	sadd.s32 s7, s2  }
0xf: {  	s9 =	sadd.s32 $0x16000, s9;
	s12 =	smul.u32 $0x2710, s26;
	[dreg:$0x5] =	wrdreg s0  }
0x10: {  	[dreg:$0x6] =	wrdreg s13;
	s22 =	sadd.s32 s18, s15;
	s0 =	sshrl.u32 s15, $0x3  }
0x11: {  	s26 =	sadd.s32 s24, s23;
	p0 =	por p1, !p3;
	p1 =	por !p1, !p3  }
0x12: {  	p2 =	por !p4, p3;
	p3 =	por p4, p3;
	s23 =	simm.s32 $0x180  }
0x13: {  	s24 =	simm.s32 $0x5;
	p4 =	seq.s32 s14, $0xF;
	s13 =	simm.s32 $0xA  }
0x14: {  	s18 =	simm.s32 $0x80;
	[dreg:$0x4] =	wrdreg s9;
	s9 =	sadd.s32 $0x124800, s2  }
0x15: {  	s0 =	sadd.s32 s10, s0;
	s25 =	smax.u32 s11, $0x1;
	s11 =	simm.s32 $0x9  }
0x16: {  	s17 =	sshrl.u32 s12, $0x3;
	s0 =	sadd.s32 $0x24900, s0;
	[dreg:$0xe] =	wrdreg s25  }
0x17: {  	s25 =	simm.s32 $0x68;
	s19 =	sadd.s32 s5, s17;
	[dreg:$0xd] =	wrdreg s0  }
0x18: {  	s20 =	sadd.s32 s6, s17;
	s3 =	sadd.s32 $0x4E0, s17;
	[dreg:$0x8] =	wrdreg s19  }
0x19: {  	s0 =	sadd.s32 $0x68, s26;
	s26 =	simm.s32 $0x300;
	[dreg:$0x9] =	wrdreg s20  }
0x1a: {  	s21 =	sadd.s32 s5, s3;
	s3 =	sadd.s32 s6, s3;
	[dreg:$0xf] =	wrdreg s0  }
.Ltmp0:
0x1b: {  	s0 =	sshll.u32 @!p0 s14, $0x6;
	[dreg:$0xa] =	wrdreg s21;
	(pc) =	sbr.rel .LBB2_1-.Ltmp0, $4  }
0x1c: {  	[dreg:$0xb] =	wrdreg s3;
	s3 =	sshrl.u32 s22, $0x3;
	s0 =	sor.u32 @!p0 $0x1C0A, s0  }
0x1d: {  	s17 =	simm.s32 $0x100;
	s3 =	sadd.s32 s10, s3;
	[dreg:$0x11] =	wrdreg s0  }
0x1e: {  	s19 =	simm.s32 $0x0;
	[dreg:$0xc] =	wrdreg s3;
	s3 =	sshrl.u32 @!p1 s9, $0x3  }
0x1f: {  	s0 =	simm.s32 $0x1;
	[dreg:$0x10] =	wrdreg s3;
	s3 =	simm.s32 $0x4  }
.LBB2_24:
0x20: {  	_ =	swait.ge [sflag:s8], $0x3400  }
0x21: {  	[sflag:s8] =	ssyncset.done $0x0  }
0x22: {  	s10 =	simm.s32 $0x8;
	[sflag:s8] =	ssyncadd.s32 $0xFFFFCC00  }
0x23: {  	[spmem:s2] =	stream.indirect.scatter.add.f32 [tilespmem:s31], [sflag:$0x9], $0x80, s30, s25, $0xb8;
	[tilespmem:$0x1E080] =	vst v63  }
0x24: {  	_ =	swait.ge [sflag:s10], $0x3400  }
0x25: {  	[sflag:s10] =	ssyncset.done $0x0  }
0x26: {  	[sflag:s10] =	ssyncadd.s32 $0xFFFFCC00  }
0x27: {  	_ =	swait.ge [sflag:s11], $0x3400  }
0x28: {  	[sflag:s11] =	ssyncset.done $0x0  }
0x29: {  	s12 =	simm.s32 $0x9F00;
	s16 =	rddreg [dreg:$0xa];
	[sflag:s11] =	ssyncadd.s32 $0xFFFFCC00  }
0x2a: {  	[tilespmem:s12], [sflag:$0xA] =	stream.linear.gather [hbm4b:s16+s4], $0x10, $0x38;
	[tilespmem:$0x1E080] =	vst v63  }
0x2b: {  	_ =	swait.ge [sflag:s13], $0x10  }
0x2c: {  	[sflag:s13] =	ssyncset.done $0x0  }
0x2d: {  	s14 =	simm.s32 $0x9F80;
	s20 =	rddreg [dreg:$0xb];
	[sflag:s13] =	ssyncadd.s32 $0xFFFFFFF0  }
0x2e: {  	[tilespmem:s14], [sflag:$0xA] =	stream.linear.gather [hbm4b:s20+s4], $0x10, $0x38;
	[tilespmem:$0x1E080] =	vst v63  }
0x2f: {  	_ =	swait.ge [sflag:s13], $0x10  }
0x30: {  	[sflag:s13] =	ssyncset.done $0x0  }
0x31: {  	s21 =	simm.s32 $0x10;
	s15 =	simm.s32 $0xA000;
	[sflag:s13] =	ssyncadd.s32 $0xFFFFFFF0  }
0x32: {  	[tilespmem:s15], [sflag:$0x1] =	stream.indirect.gather [hbm4b:s1+s21], $0x80, s12, s21, $0xb8;
	[tilespmem:$0x1E080] =	vst v63  }
0x33: {  	_ =	swait.ge [sflag:s0], $0x800  }
0x34: {  	[sflag:s0] =	ssyncset.done $0x0  }
0x35: {  	[sflag:s0] =	ssyncadd.s32 $0xFFFFF800  }
0x36: {  	[spmem:s2] =	stream.indirect.scatter.add.f32 [tilespmem:s15], [sflag:$0xA], $0x80, s14, s21, $0xb8;
	[tilespmem:$0x1E080] =	vst v63  }
0x37: {  	_ =	swait.ge [sflag:s13], $0x800  }
0x38: {  	[sflag:s13] =	ssyncset.done $0x0  }
0x39: {  	[sflag:s13] =	ssyncadd.s32 $0xFFFFF800  }
0x3a: {  	[bflag:$0x0] =	sbarrier.arrive $0xFFFF  }
0x3b: {  	s10 =	sshrl.u32 @p4 s9, $0x3;
	s12 =	simm.s32 @p4 $0x1FCA;
	s14 =	rddreg [dreg:$0xd]  }
0x3c: {  	[hbm:s14], [sflag:s12] =	dma.local @p4 [spmem:s10], $0x2800  }
0x3d: {  	s10 =	simm.s32 @p4 $0xA  }
0x3e: {  	s14 =	stileid.u32;
	_ =	swait.ge @p4 [sflag:s10], $0x2800  }
0x3f: {  	s12 =	sshll.u32 @!p4 s14, $0x6;
	[sflag:s10] =	ssyncset.done @p4 $0x0;
	s15 =	rddreg [dreg:$0xc]  }
0x40: {  	[sflag:s10] =	ssyncadd.s32 @p4 $0xFFFFD800;
	s10 =	sor.u32 @!p4 $0x1C0A, s12;
	s12 =	sshrl.u32 @!p4 s7, $0x3  }
0x41: {  	[hbm:s15], [sflag:s10] =	dma.local @!p4 [spmem:s12], $0x2700  }
0x42: {  	s10 =	simm.s32 @!p4 $0xA  }
0x43: {  	_ =	swait.ge @!p4 [sflag:s10], $0x2700  }
0x44: {  	s19 =	sadd.s32 $0x1, s19;
	s22 =	rddreg [dreg:$0xe]  }
0x45: {  	p5 =	sne.s32 s19, s22  }
.Ltmp1:
0x46: {  	_ = 	snop;
	(pc) =	sbr.rel @!p5 .LBB2_25-.Ltmp1, $3  }
0x47: {  	_ =	sdelay $0x1  }
0x48: {  	[sflag:s10] =	ssyncset.done @!p4 $0x0  }
0x49: {  	[sflag:s10] =	ssyncadd.s32 @!p4 $0xFFFFD900  }
.LBB2_1:
0x4a: {  	s12 =	rddreg [dreg:$0x5]  }
0x4b: {  	s10 =	simm.s32 @!p1 $0x1FCA;
	s15 =	rddreg [dreg:$0x10]  }
0x4c: {  	[spmem:s15], [sflag:s10] =	dma.local @!p1 [hbm:s12], $0x2800  }
0x4d: {  	s10 =	simm.s32 @!p1 $0xA  }
0x4e: {  	_ =	swait.ge @!p1 [sflag:s10], $0x2800  }
0x4f: {  	[sflag:s10] =	ssyncset.done @!p1 $0x0;
	s12 =	rddreg [dreg:$0x4]  }
0x50: {  	s15 =	rddreg [dreg:$0x11];
	[sflag:s10] =	ssyncadd.s32 @!p1 $0xFFFFD800;
	s10 =	sshrl.u32 @!p0 s7, $0x3  }
0x51: {  	[spmem:s10], [sflag:s15] =	dma.local @!p0 [hbm:s12], $0x2700  }
0x52: {  	s10 =	simm.s32 @!p0 $0xA  }
0x53: {  	_ =	swait.ge @!p0 [sflag:s10], $0x2700  }
0x54: {  	s12 =	simm.s32 @!p2 $0x1FCA;
	[sflag:s10] =	ssyncset.done @!p0 $0x0  }
0x55: {  	s15 =	rddreg [dreg:$0x7];
	[sflag:s10] =	ssyncadd.s32 @!p0 $0xFFFFD900;
	s10 =	sshrl.u32 @!p2 s9, $0x3  }
0x56: {  	[spmem:s10], [sflag:s12] =	dma.local @!p2 [hbm:s15], $0x2800  }
0x57: {  	s10 =	simm.s32 @!p2 $0xA  }
0x58: {  	_ =	swait.ge @!p2 [sflag:s10], $0x2800  }
0x59: {  	s12 =	sshll.u32 @!p3 s14, $0x6;
	[sflag:s10] =	ssyncset.done @!p2 $0x0;
	s14 =	rddreg [dreg:$0x6]  }
0x5a: {  	[sflag:s10] =	ssyncadd.s32 @!p2 $0xFFFFD800;
	s10 =	sor.u32 @!p3 $0x1C0A, s12;
	s12 =	sshrl.u32 @!p3 s7, $0x3  }
0x5b: {  	[spmem:s12], [sflag:s10] =	dma.local @!p3 [hbm:s14], $0x2700  }
0x5c: {  	s10 =	simm.s32 @!p3 $0xA  }
0x5d: {  	_ =	swait.ge @!p3 [sflag:s10], $0x2700  }
0x5e: {  	[sflag:s10] =	ssyncset.done @!p3 $0x0  }
0x5f: {  	[sflag:s10] =	ssyncadd.s32 @!p3 $0xFFFFD900  }
0x60: {  	[bflag:$0x0] =	sbarrier.arrive $0xFFFF  }
.Ltmp2:
0x61: {  	s21 =	rddreg [dreg:$0x8];
	(pc) =	sbr.rel .LBB2_2-.Ltmp2, $4  }
0x62: {  	s22 =	rddreg [dreg:$0x9]  }
0x63: {  	[tilespmem:s4], [sflag:$0x1] =	stream.linear.gather [hbm4b:s21+s4], $0x68, $0x38;
	[tilespmem:$0x1E080] =	vst v63  }
0x64: {  	s20 =	rddreg [dreg:$0xf];
	s21 =	simm.s32 $0x0  }
0x65: {  	[tilespmem:s23], [sflag:$0x1] =	stream.linear.gather [hbm4b:s22+s4], $0x68, $0x38;
	[tilespmem:$0x1E080] =	vst v63  }
.LBB2_22:
0x66: {  	_ =	swait.ge [sflag:s0], $0x68  }
0x67: {  	[sflag:s0] =	ssyncset.done $0x0  }
0x68: {  	[sflag:s0] =	ssyncadd.s32 $0xFFFFFF98  }
0x69: {  	_ =	swait.ge [sflag:s0], $0x68  }
0x6a: {  	[sflag:s0] =	ssyncset.done $0x0  }
0x6b: {  	[sflag:s0] =	ssyncadd.s32 $0xFFFFFF98  }
0x6c: {  	[tilespmem:s26], [sflag:$0x4] =	stream.indirect.gather [hbm4b:s1+s25], $0x80, s4, s25, $0xb8;
	[tilespmem:$0x1E080] =	vst v63  }
.LBB2_23:
0x6d: {  	p5 =	sne.s32 s22, $0x60  }
.Ltmp3:
0x6e: {  	_ = 	snop;
	(pc) =	sbr.rel @!p5 .LBB2_24-.Ltmp3, $2  }
0x6f: {  	_ =	sdelay $0x2  }
0x70: {  	s20 =	sadd.s32 $0x68, s20;
	s21 =	smov.u32 s22  }
.LBB2_2:
0x71: {  	s12 =	smul.u32 $0xAB, s21  }
0x72: {  	s10 =	sadd.s32 $0x2, s21  }
0x73: {  	s15 =	sand.u32 $0xFF, s10;
	s14 =	sadd.s32 $0xAB, s12  }
0x74: {  	p5 =	slt.u32 s21, $0x2;
	s15 =	smul.u32 $0xAB, s15;
	s14 =	sshrl.u32 s14, $0x9  }
.Ltmp4:
0x75: {  	s14 =	sand.u32 $0x7F, s14;
	(pc) =	sbr.rel @p5 .LBB2_8-.Ltmp4, $4  }
0x76: {  	s15 =	sshrl.u32 s15, $0x9;
	s14 =	smul.u32 $0x3, s14  }
0x77: {  	s22 =	sadd.s32 $0x1, s21;
	s15 =	smul.u32 $0x3, s15  }
0x78: {  	s16 =	ssub.s32 s22, s14  }
0x79: {  	s14 =	ssub.s32 s10, s15;
	s15 =	sand.u32 $0xFF, s16  }
0x7a: {  	p5 =	seq.s32 s15, $0x0  }
0x7b: {  	p6 =	seq.s32 @!p5 s15, $0x2  }
0x7c: {  	p6 =	por !p6, p5  }
0x7d: {  	s10 =	simm.s32 @!p6 $0x9  }
0x7e: {  	s10 =	simm.s32 @p6 $0x8  }
0x7f: {  	s10 =	simm.s32 @p5 $0x7;
	p5 =	sne.s32 s21, $0x5F  }
.Ltmp5:
0x80: {  	_ = 	snop;
	(pc) =	sbr.rel @p5 .LBB2_8-.Ltmp5, $4  }
0x81: {  	_ = 	snop  }
0x82: {  	_ =	swait.ge [sflag:s10], $0x3400  }
0x83: {  	[sflag:s10] =	ssyncset.done $0x0  }
0x84: {  	[sflag:s10] =	ssyncadd.s32 $0xFFFFCC00  }
.Ltmp6:
0x85: {  	(pc) =	sbr.rel .LBB2_5-.Ltmp6, $3  }
0x86: {  	_ =	sdelay $0x1  }
0x87: {  	s10 =	sand.u32 $0xFF, s14  }
0x88: {  	p6 =	seq.s32 s10, $0x0;
	p5 =	seq.s32 s10, $0x1  }
.LBB2_8:
0x89: {  	p5 =	seq.s32 s15, $0x2  }
.Ltmp7:
0x8a: {  	_ = 	snop;
	(pc) =	sbr.rel @p5 .LBB2_10-.Ltmp7, $3  }
0x8b: {  	_ =	sdelay $0x1  }
0x8c: {  	s16 =	sshrl.u32 s20, $0x3  }
0x8d: {  	s10 =	sadd.s32 s5, s16;
	s16 =	sadd.s32 s6, s16  }
0x8e: {  	p5 =	seq.s32 s15, $0x1  }
0x8f: {  	[tilespmem:s18], [sflag:$0x2] =	stream.linear.gather @p5 [hbm4b:s10+s4], $0x68, $0x38;
	[tilespmem:$0x1E080] =	vst v63  }
0x90: {  	_ = 	snop  }
0x91: {  	[tilespmem:s28], [sflag:$0x2] =	stream.linear.gather @p5 [hbm4b:s16+s4], $0x68, $0x38;
	[tilespmem:$0x1E080] =	vst v63  }
.Ltmp8:
0x92: {  	_ = 	snop;
	(pc) =	sbr.rel .LBB2_11-.Ltmp8, $4  }
0x93: {  	_ = 	snop  }
0x94: {  	[tilespmem:s4], [sflag:$0x1] =	stream.linear.gather @!p5 [hbm4b:s10+s4], $0x68, $0x38;
	[tilespmem:$0x1E080] =	vst v63  }
0x95: {  	_ = 	snop  }
0x96: {  	[tilespmem:s23], [sflag:$0x1] =	stream.linear.gather @!p5 [hbm4b:s16+s4], $0x68, $0x38;
	[tilespmem:$0x1E080] =	vst v63  }
.LBB2_10:
0x97: {  	[tilespmem:s17], [sflag:$0x3] =	stream.linear.gather [hbm4b:s10+s4], $0x68, $0x38;
	[tilespmem:$0x1E080] =	vst v63  }
0x98: {  	_ = 	snop  }
0x99: {  	[tilespmem:s30], [sflag:$0x3] =	stream.linear.gather [hbm4b:s16+s4], $0x68, $0x38;
	[tilespmem:$0x1E080] =	vst v63  }
.LBB2_11:
0x9a: {  	p5 =	seq.s32 s21, $0x0  }
.Ltmp9:
0x9b: {  	_ = 	snop;
	(pc) =	sbr.rel @p5 .LBB2_22-.Ltmp9, $1  }
0x9c: {  	_ =	sdelay $0x3  }
0x9d: {  	s10 =	sand.u32 $0xFF, s14  }
0x9e: {  	p5 =	seq.s32 s10, $0x1  }
.Ltmp10:
0x9f: {  	_ = 	snop;
	(pc) =	sbr.rel @p5 .LBB2_13-.Ltmp10, $1  }
0xa0: {  	_ =	sdelay $0x3  }
0xa1: {  	p5 =	sne.s32 s10, $0x0  }
.Ltmp11:
0xa2: {  	_ = 	snop;
	(pc) =	sbr.rel @p5 .LBB2_16-.Ltmp11, $1  }
0xa3: {  	_ =	sdelay $0x3  }
.Ltmp12:
0xa4: {  	(pc) =	sbr.rel .LBB2_20-.Ltmp12, $4  }
0xa5: {  	_ =	swait.ge [sflag:s3], $0x3400  }
0xa6: {  	[sflag:s3] =	ssyncset.done $0x0  }
0xa7: {  	[sflag:s3] =	ssyncadd.s32 $0xFFFFCC00  }
0xa8: {  	[spmem:s2] =	stream.indirect.scatter.add.f32 [tilespmem:s26], [sflag:$0x7], $0x80, s23, s25, $0xb8;
	[tilespmem:$0x1E080] =	vst v63  }
.LBB2_13:
0xa9: {  	p6 =	por $0x0, $0x0;
	p5 =	por $0x1, $0x1  }
.LBB2_5:
.Ltmp13:
0xaa: {  	(pc) =	sbr.rel @!p6 .LBB2_17-.Ltmp13, $4  }
0xab: {  	_ = 	snop  }
0xac: {  	_ =	swait.ge [sflag:s24], $0x3400  }
0xad: {  	[sflag:s24] =	ssyncset.done $0x0  }
0xae: {  	[sflag:s24] =	ssyncadd.s32 $0xFFFFCC00  }
.Ltmp14:
0xaf: {  	(pc) =	sbr.rel @p5 .LBB2_18-.Ltmp14, $2  }
0xb0: {  	_ =	sdelay $0x2  }
0xb1: {  	[spmem:s2] =	stream.indirect.scatter.add.f32 [tilespmem:s26], [sflag:$0x7], $0x80, s23, s25, $0xb8;
	[tilespmem:$0x1E080] =	vst v63  }
.LBB2_7:
0xb2: {  	s10 =	sand.u32 $0xFF, s14  }
0xb3: {  	p5 =	sne.s32 s10, $0x2  }
.Ltmp15:
0xb4: {  	_ = 	snop;
	(pc) =	sbr.rel @p5 .LBB2_20-.Ltmp15, $4  }
.Ltmp16:
0xb5: {  	_ = 	snop;
	(pc) =	sbr.rel @!p5 .LBB2_19-.Ltmp16, $4  }
0xb6: {  	_ = 	snop  }
0xb7: {  	_ = 	snop  }
0xb8: {  	_ = 	snop  }
0xb9: {  	_ = 	snop  }
.LBB2_17:
.Ltmp17:
0xba: {  	(pc) =	sbr.rel @!p5 .LBB2_7-.Ltmp17, $1  }
0xbb: {  	_ =	sdelay $0x3  }
.LBB2_18:
0xbc: {  	s10 =	sand.u32 $0xFF, s14  }
0xbd: {  	p5 =	seq.s32 s10, $0x2  }
.Ltmp18:
0xbe: {  	_ = 	snop;
	(pc) =	sbr.rel @!p5 .LBB2_20-.Ltmp18, $4  }
.Ltmp19:
0xbf: {  	_ = 	snop;
	(pc) =	sbr.rel @p5 .LBB2_19-.Ltmp19, $4  }
0xc0: {  	_ = 	snop  }
0xc1: {  	_ = 	snop  }
0xc2: {  	[spmem:s2] =	stream.indirect.scatter.add.f32 [tilespmem:s29], [sflag:$0x8], $0x80, s28, s25, $0xb8;
	[tilespmem:$0x1E080] =	vst v63  }
0xc3: {  	_ = 	snop  }
.LBB2_16:
0xc4: {  	_ =	swait.ge [sflag:s8], $0x3400  }
0xc5: {  	[sflag:s8] =	ssyncset.done $0x0  }
0xc6: {  	[sflag:s8] =	ssyncadd.s32 $0xFFFFCC00  }
.LBB2_19:
0xc7: {  	[spmem:s2] =	stream.indirect.scatter.add.f32 [tilespmem:s31], [sflag:$0x9], $0x80, s30, s25, $0xb8;
	[tilespmem:$0x1E080] =	vst v63  }
.LBB2_20:
0xc8: {  	s10 =	sshrl.u32 s12, $0x9  }
0xc9: {  	s10 =	sand.u32 $0x7F, s10  }
0xca: {  	s10 =	smul.u32 $0x3, s10;
	_ =	sdelay $0x1  }
0xcb: {  	s10 =	ssub.s32 s21, s10  }
0xcc: {  	s10 =	sand.u32 $0xFF, s10  }
0xcd: {  	p5 =	seq.s32 s10, $0x0  }
.Ltmp20:
0xce: {  	_ = 	snop;
	(pc) =	sbr.rel @p5 .LBB2_22-.Ltmp20, $1  }
0xcf: {  	_ =	sdelay $0x3  }
0xd0: {  	p5 =	sne.s32 s10, $0x1  }
0xd1: {  	s10 =	simm.s32 @p5 $0x3  }
0xd2: {  	_ =	swait.ge @p5 [sflag:s10], $0x68  }
0xd3: {  	[sflag:s10] =	ssyncset.done @p5 $0x0  }
0xd4: {  	[sflag:s10] =	ssyncadd.s32 @p5 $0xFFFFFF98  }
0xd5: {  	_ =	swait.ge @p5 [sflag:s10], $0x68  }
0xd6: {  	s12 =	simm.s32 @p5 $0x100;
	[sflag:s10] =	ssyncset.done @p5 $0x0  }
0xd7: {  	s14 =	simm.s32 @p5 $0x6B00;
	[sflag:s10] =	ssyncadd.s32 @p5 $0xFFFFFF98;
	s10 =	simm.s32 @p5 $0x68  }
0xd8: {  	[tilespmem:s14], [sflag:$0x6] =	stream.indirect.gather @p5 [hbm4b:s1+s10], $0x80, s12, s10, $0xb8;
	[tilespmem:$0x1E080] =	vst v63  }
0xd9: {  	s10 =	simm.s32 @!p5 $0x2  }
0xda: {  	_ =	swait.ge @!p5 [sflag:s10], $0x68  }
0xdb: {  	[sflag:s10] =	ssyncset.done @!p5 $0x0  }
.Ltmp21:
0xdc: {  	[sflag:s10] =	ssyncadd.s32 @!p5 $0xFFFFFF98;
	(pc) =	sbr.rel .LBB2_23-.Ltmp21, $4  }
0xdd: {  	_ =	swait.ge @!p5 [sflag:s10], $0x68  }
0xde: {  	s12 =	simm.s32 @!p5 $0x80;
	[sflag:s10] =	ssyncset.done @!p5 $0x0  }
0xdf: {  	s14 =	simm.s32 @!p5 $0x3700;
	[sflag:s10] =	ssyncadd.s32 @!p5 $0xFFFFFF98;
	s10 =	simm.s32 @!p5 $0x68  }
0xe0: {  	[tilespmem:s14], [sflag:$0x5] =	stream.indirect.gather @!p5 [hbm4b:s1+s10], $0x80, s12, s10, $0xb8;
	[tilespmem:$0x1E080] =	vst v63  }
.LBB2_25:
0xe1: {  	_ =	sfence.sel $0x180000  }
0xe2: {  	[bflag:$0x0] =	sbarrier.arrive $0xFFFF  }
0xe3: {  	_ =	strace $0x9000004D  }
0xe4: {  	[bflag:$0x2] =	sbarrier.arrive $0xFFFF  }
0xe5: {  	p0 =	sne.s32 s14, $0x0;
	s0 =	rddreg [dreg:$0x3]  }
0xe6: {  	s0 =	sadd.s32 @!p0 $0x100000, s0  }
0xe7: {  	[sflag:s0] =	ssyncadd.tile.s32 @!p0 $0x1;
	_ =	shalt  }
.Lfunc_end2:
_tile_overlayer_lowered:
.L_overlay_start_2:
0xe8: {  	(tag) =	ssettag $0x2  }
0xe9: {  	s0 =	rddreg [dreg:$0x0];
	s2 =	stileid.u32  }
0xea: {  	s1 =	rddreg [dreg:$0x1];
	p0 =	sne.s32 s2, $0x0  }
0xeb: {  	s3 =	rddreg [dreg:$0x2];
	[bflag:$0x3] =	sbarrier.arrive $0xFFFF;
	s2 =	simm.s32 @!p0 $0x1C0A  }
0xec: {  	[timem:s3], [sflag:s2] =	dma.local @!p0 [hbm:s0], s1  }
0xed: {  	s0 =	simm.s32 @!p0 $0xA  }
0xee: {  	_ =	swait.ge @!p0 [sflag:s0], s1  }
0xef: {  	s1 =	ssub.s32 @!p0 $0x0, s1;
	[sflag:s0] =	ssyncset.done @!p0 $0x0  }
0xf0: {  	[sflag:s0] =	ssyncadd.s32 @!p0 s1  }
0xf1: {  	[bflag:$0x3] =	sbarrier.arrive $0xFFFF  }
0xf2: {  	_ =	shalt  }

// kernel: kernel.8.cloned.1.call-start
scs
__scs_entry_jumppad:
0x0: {  	(pc) =	sbr.rel $0x88, $3  }
0x1: {  	(tag) =	ssettag $0x0;
	lr =	simm.s32 $0x1  }
0x2: {  	[smem:$0x3F9B] =	sst lr;
	_ =	strace $0xD0000000  }
0x3: {  	_ = 	snop  }
0x4: {  	_ = 	snop  }
0x5: {  	_ = 	snop  }
0x6: {  	_ = 	snop  }
0x7: {  	_ = 	snop  }
__scs_overlays_trampoline_lowered:
0x8: {  	[smem:$0x3FAA] =	sst s0  }
0x9: {  	[smem:$0x3FAB] =	sst s1  }
0xa: {  	[smem:$0x3FAC] =	sst s2  }
0xb: {  	[smem:$0x3FAD] =	sst s3  }
0xc: {  	[smem:$0x3FAE] =	sst s4  }
0xd: {  	[smem:$0x3FAF] =	sst s5  }
0xe: {  	[smem:$0x3FB0] =	sst s6  }
0xf: {  	[smem:$0x3FB1] =	sst s7  }
0x10: {  	[smem:$0x3FB2] =	sst s8  }
0x11: {  	[smem:$0x3FB3] =	sst s9;
	s0 =	simm.s32 @!p0 $0x0  }
0x12: {  	s1 =	sld [smem:$0x3F99];
	s0 =	simm.s32 @p0 $0x1  }
0x13: {  	[smem:$0x3FB4] =	sst s0;
	s0 =	simm.s32 @!p1 $0x0  }
0x14: {  	s2 =	sld [smem:$0x3F98];
	s0 =	simm.s32 @p1 $0x1  }
0x15: {  	[smem:$0x3FB5] =	sst s0;
	s0 =	simm.s32 @!p2 $0x0  }
0x16: {  	s3 =	sld [smem:$0x3FDB];
	s0 =	simm.s32 @p2 $0x1  }
0x17: {  	s4 =	simm.s32 $0x1BF5;
	[smem:$0x3FB7] =	sst s0  }
0x18: {  	s0 =	sld [smem:$0x3F9A];
	_ =	swait.ge [sflag:s4], $0x0  }
0x19: {  	s7 =	sld [smem:$0x3F9B]  }
0x1a: {  	s8 =	sadd.s32 $0xFFFFE003, lr  }
0x1b: {  	s9 =	sadd.s32 $0xFFFFFEF7, lr;
	s5 =	simm.s32 $0xFFFFFFFF;
	p2 =	slt.u32 s8, $0xFFFFF086  }
0x1c: {  	p1 =	slt.u32 s9, $0xF7A;
	s5 =	simm.s32 @!p2 $0x0  }
0x1d: {  	s5 =	simm.s32 @p1 $0x1;
	p0 =	seq.s32 s7, s2  }
0x1e: {  	s7 =	smul.u32 @!p0 $0xF7A, s2;
	p2 =	seq.s32 @!p0 s5, $0x0  }
0x1f: {  	s9 =	smul.u32 $0xF7A, s1;
	s8 =	simm.s32 @!p0 $0x1BF5;
	p2 =	por !p2, p0  }
0x20: {  	[sflag:s8] =	ssyncset.s32 @!p0 $0xFFFFF086;
	s6 =	sadd.s32 @!p0 s3, s7;
	s7 =	simm.s32 @!p0 $0x108  }
0x21: {  	s3 =	sadd.s32 s3, s9;
	s6 =	sadd.s32 @!p0 $0x88, s6;
	s7 =	simm.s32 @p2 $0x1082  }
0x22: {  	[simem:s7], [sflag:s8] =	dma.local @!p0 [hbm:s6], $0xF7A  }
0x23: {  	s9 =	sor.u32 $0xD0000000, s2;
	s6 =	simm.s32 $0x108;
	_ =	swait.ge @!p0 [sflag:s8], $0x0  }
0x24: {  	s3 =	sadd.s32 $0x88, s3;
	s6 =	simm.s32 @!p1 $0x1082;
	[sflag:s4] =	ssyncset.s32 $0xFFFFF086  }
0x25: {  	[simem:s6], [sflag:s4] =	dma.local [hbm:s3], $0xF7A  }
0x26: {  	[smem:$0x3F9B] =	sst s1;
	(tag) =	ssettag s2;
	_ =	strace s9  }
0x27: {  	s1 =	sld [smem:$0x3FAB]  }
0x28: {  	s2 =	sld [smem:$0x3FAC]  }
0x29: {  	s4 =	sld [smem:$0x3FAE]  }
0x2a: {  	p0 =	seq.s32 s5, $0x0;
	s5 =	sld [smem:$0x3FAF]  }
0x2b: {  	s6 =	sld [smem:$0x3FB0]  }
0x2c: {  	s7 =	sld [smem:$0x3FB1]  }
0x2d: {  	s3 =	simm.s32 $0x108;
	s8 =	sld [smem:$0x3FB2]  }
0x2e: {  	s3 =	simm.s32 @!p0 $0x1082;
	s9 =	sld [smem:$0x3FB3]  }
0x2f: {  	lr =	sadd.s32 s0, s3;
	s0 =	sld [smem:$0x3FAA]  }
0x30: {  	s3 =	sld [smem:$0x3FAD]  }
0x31: {  	[smem:$0x3FB6] =	sst s10  }
0x32: {  	s10 =	sld [smem:$0x3FB4];
	_ =	sdelay $0x3  }
0x33: {  	p0 =	seq.s32 s10, $0x1;
	s10 =	sld [smem:$0x3FB6];
	_ =	sdelay $0x3  }
0x34: {  	[smem:$0x3FB6] =	sst s10  }
0x35: {  	s10 =	sld [smem:$0x3FB5];
	_ =	sdelay $0x3  }
0x36: {  	p1 =	seq.s32 s10, $0x1;
	s10 =	sld [smem:$0x3FB6];
	_ =	sdelay $0x3  }
0x37: {  	[smem:$0x3FB6] =	sst s10  }
0x38: {  	s10 =	sld [smem:$0x3FB7]  }
0x39: {  	_ = 	snop;
	(pc) =	sbr.ind lr, $3  }
0x3a: {  	_ = 	snop  }
0x3b: {  	_ = 	snop  }
0x3c: {  	p2 =	seq.s32 s10, $0x1;
	s10 =	sld [smem:$0x3FB6]  }
0x3d: {  	_ =	shalt  }
0x3e: {  	_ =	shalt  }
0x3f: {  	_ =	shalt  }
0x40: {  	_ =	shalt  }
0x41: {  	_ =	shalt  }
0x42: {  	_ =	shalt  }
0x43: {  	_ =	shalt  }
0x44: {  	_ =	shalt  }
0x45: {  	_ =	shalt  }
0x46: {  	_ =	shalt  }
0x47: {  	_ =	shalt  }
0x48: {  	_ =	shalt  }
0x49: {  	_ =	shalt  }
0x4a: {  	_ =	shalt  }
0x4b: {  	_ =	shalt  }
0x4c: {  	_ =	shalt  }
0x4d: {  	_ =	shalt  }
0x4e: {  	_ =	shalt  }
0x4f: {  	_ =	shalt  }
0x50: {  	_ =	shalt  }
0x51: {  	_ =	shalt  }
0x52: {  	_ =	shalt  }
0x53: {  	_ =	shalt  }
0x54: {  	_ =	shalt  }
0x55: {  	_ =	shalt  }
0x56: {  	_ =	shalt  }
0x57: {  	_ =	shalt  }
0x58: {  	_ =	shalt  }
0x59: {  	_ =	shalt  }
0x5a: {  	_ =	shalt  }
0x5b: {  	_ =	shalt  }
0x5c: {  	_ =	shalt  }
0x5d: {  	_ =	shalt  }
0x5e: {  	_ =	shalt  }
0x5f: {  	_ =	shalt  }
0x60: {  	_ =	shalt  }
0x61: {  	_ =	shalt  }
0x62: {  	_ =	shalt  }
0x63: {  	_ =	shalt  }
0x64: {  	_ =	shalt  }
0x65: {  	_ =	shalt  }
0x66: {  	_ =	shalt  }
0x67: {  	_ =	shalt  }
0x68: {  	_ =	shalt  }
0x69: {  	_ =	shalt  }
0x6a: {  	_ =	shalt  }
0x6b: {  	_ =	shalt  }
0x6c: {  	_ =	shalt  }
0x6d: {  	_ =	shalt  }
0x6e: {  	_ =	shalt  }
0x6f: {  	_ =	shalt  }
0x70: {  	_ =	shalt  }
0x71: {  	_ =	shalt  }
0x72: {  	_ =	shalt  }
0x73: {  	_ =	shalt  }
0x74: {  	_ =	shalt  }
0x75: {  	_ =	shalt  }
0x76: {  	_ =	shalt  }
0x77: {  	_ =	shalt  }
0x78: {  	_ =	shalt  }
0x79: {  	_ =	shalt  }
0x7a: {  	_ =	shalt  }
0x7b: {  	_ =	shalt  }
0x7c: {  	_ =	shalt  }
0x7d: {  	_ =	shalt  }
0x7e: {  	_ =	shalt  }
0x7f: {  	_ =	shalt  }
0x80: {  	_ =	shalt  }
0x81: {  	_ =	shalt  }
0x82: {  	_ =	shalt  }
0x83: {  	_ =	shalt  }
0x84: {  	_ =	shalt  }
0x85: {  	_ =	shalt  }
0x86: {  	_ =	shalt  }
0x87: {  	_ =	shalt  }
.Lfunc_end0:
.L_simem_size_0:
called_computation_lowered:
.L_overlay_start_0:
0x88: {  	s2 =	sld [smem:$0x3FD9]  }
0x89: {  	s3 =	sld [smem:$0x3FFE];
	_ =	sdelay $0x1  }
0x8a: {  	s1 =	srdreg.scid  }
0x8b: {  	s0 =	sand.u32 $0x1, s1  }
0x8c: {  	s17 =	sshll.u32 s0, $0xA;
	s2 =	sadd.s32 s3, s2  }
0x8d: {  	s2 =	sadd.s32 s2, s17  }
0x8e: {  	[smem:$0x3FC2] =	sst s2  }
0x8f: {  	_ = 	snop  }
0x90: {  	s2 =	sld [smem:$0x3FD0];
	(tm) =	ssettm $0x1  }
0x91: {  	s18 =	sld [smem:$0x3FFB];
	_ =	sdelay $0x3  }
0x92: {  	_ =	strace s18  }
0x93: {  	s3 =	sld [smem:$0x3FFC];
	_ =	sdelay $0x3  }
0x94: {  	_ =	strace s3  }
0x95: {  	s3 =	sld [smem:$0x3FFD];
	_ =	sdelay $0x3  }
0x96: {  	_ =	strace s3  }
0x97: {  	_ =	strace $0x8FFFFFFF  }
0x98: {  	s19 =	sld [smem:$0x3FDB];
	_ =	sdelay $0x1  }
0x99: {  	s4 =	simm.s32 $_scs_section_size  }
0x9a: {  	s5 =	simm.s32 $_size__tile_overlayer_lowered;
	s6 =	simm.s32 $_tile_overlayer_lowered  }
0x9b: {  	s22 =	simm.s32 $0x1BFF;
	s21 =	sshll.u32 s6, $0x1;
	s3 =	sadd.s32 s4, s19  }
0x9c: {  	s7 =	simm.s32 $0x0;
	s20 =	sshll.u32 s5, $0x1;
	s5 =	sadd.s32 s21, s3  }
0x9d: {  	[timem:s7], [sflag:s22] =	dma.local [hbm:s5], s20  }
0x9e: {  	_ =	swait.ge [sflag:s22], s20  }
0x9f: {  	s4 =	ssub.s32 $0x0, s20;
	[sflag:s22] =	ssyncset.done $0x0  }
0xa0: {  	[sflag:s22] =	ssyncadd.s32 s4;
	_ =	sdelay $0x1  }
0xa1: {  	s23 =	simm.s32 $0x1B8B  }
0xa2: {  	_ =	swait.ge [sflag:s23], $0x1  }
0xa3: {  	[sflag:s23] =	ssyncset.done $0x0  }
0xa4: {  	s25 =	simm.s32 $0x1B8E;
	s24 =	sld [smem:$0x3FFE];
	[sflag:s23] =	ssyncadd.s32 $0xFFFFFFFF  }
0xa5: {  	s26 =	simm.s32 $execute0_lowered;
	[smem:$0x3FD2] =	sst s25  }
0xa6: {  	s5 =	sshll.u32 s26, $0x1;
	_ =	strace $0x80000046;
	[dreg:$0x1] =	wrdreg $0xFFFFFFFF  }
0xa7: {  	s28 =	simm.s32 $_size_execute0_lowered;
	s3 =	sadd.s32 s3, s5;
	[dreg:$0x0] =	wrdreg $0x0  }
0xa8: {  	s5 =	sshll.u32 s28, $0x1;
	[dreg:$0x2] =	wrdreg s3  }
0xa9: {  	[dreg:$0x3] =	wrdreg s5  }
0xaa: {  	[dreg:$0x4] =	wrdreg $0xC0  }
0xab: {  	_ =	task [dreg:s7], $0x5FFFF  }
0xac: {  	[dreg:$0x1] =	wrdreg $0xFFFFFFFF  }
0xad: {  	[dreg:$0x0] =	wrdreg $0x60  }
0xae: {  	[dreg:$0x2] =	wrdreg s24  }
0xaf: {  	[dreg:$0x3] =	wrdreg s2  }
0xb0: {  	[dreg:$0x4] =	wrdreg $0x5800  }
0xb1: {  	[dreg:$0x5] =	wrdreg $0x9  }
0xb2: {  	_ =	task.clear_ibuf [dreg:s7], $0x6FFFF;
	_ =	strace $0x90000046  }
0xb3: {  	s29 =	simm.s32 $0x9;
	_ =	strace $0x80000048  }
0xb4: {  	_ =	swait.ge [sflag:s29], $0x1  }
0xb5: {  	[sflag:s29] =	ssyncadd.s32 $0xFFFFFFFF  }
0xb6: {  	_ =	strace $0x90000048  }
0xb7: {  	_ =	sfence  }
0xb8: {  	s30 =	sld [smem:$0x0];
	_ =	sdelay $0x2  }
0xb9: {  	s31 =	sshll.u32 s1, $0xD;
	s1 =	sshrl.u32 s1, $0x2  }
0xba: {  	s3 =	sand.u32 $0x4000, s31;
	s1 =	sadd.s32 s1, s30  }
0xbb: {  	s0 =	sor.u32 s3, s0;
	s1 =	sshll.u32 s1, $0x11  }
0xbc: {  	s0 =	sor.u32 s1, s0  }
0xbd: {  	s0 =	sadd.s32 $0x8F2B, s0  }
0xbe: {  	[sflag:s0] =	ssyncadd.remote.s32 $0x1  }
0xbf: {  	_ =	sfence.sel $0xFFFF  }
0xc0: {  	[dreg:$0x0] =	wrdreg $0xFFFFFFFF;
	(pc) =	sbr.abs _section_cstart, $3  }
0xc1: {  	[dreg:$0x1] =	wrdreg $0xFFFFFFFF  }
0xc2: {  	_ =	task.clear_ibuf [dreg:s7], $0x2FFFF;
	_ =	strace $0x9FFFFFFF  }
0xc3: {  	(tm) =	ssettm $0x7FFFFFFF  }
tec
execute0_lowered:
.L_overlay_start_1:
0x0: {  	(tag) =	ssettag $0x1  }
0x1: {  	s0 =	rddreg [dreg:$0x0]  }
0x2: {  	s1 =	rddreg [dreg:$0x1]  }
0x3: {  	s2 =	rddreg [dreg:$0x2];
	s3 =	simm.s32 $0x0;
	s17 =	stileid.u32  }
0x4: {  	s4 =	srdreg.scid;
	s18 =	simm.s32 $0x180;
	s19 =	simm.s32 $0x7  }
0x5: {  	s20 =	simm.s32 $0x3;
	s29 =	simm.s32 $0x2;
	s30 =	simm.s32 $0x80  }
0x6: {  	s31 =	simm.s32 $0x1;
	[smem:$0x7FF] =	sst s3;
	s6 =	smul.u32 $0x270, s17  }
0x7: {  	s8 =	sand.u32 $0x1, s4;
	s4 =	sadd.s32 $0x2400, s0;
	s5 =	sadd.s32 $0x16000, s0  }
0x8: {  	s24 =	smul.u32 $0x2710, s17;
	s15 =	sadd.s32 $0x16692, s0;
	p0 =	seq.s32 s17, $0xF  }
0x9: {  	_ =	strace $0x80000047;
	s7 =	sshll.u32 s8, $0x4;
	s10 =	ssub.s32 $0x2, s8  }
0xa: {  	s23 =	smul.u32 $0x27100, s8;
	p4 =	sne.s32 s8, $0x0;
	s9 =	sshrl.u32 s6, $0x3  }
0xb: {  	s7 =	sor.u32 s17, s7;
	s12 =	sshrl.u32 s10, $0x1;
	p2 =	seq.s32 @p4 s17, $0xF  }
0xc: {  	p5 =	seq.s32 @!p4 s17, $0xF;
	s11 =	sadd.s32 s9, s0;
	s13 =	smul.u32 $0x2710, s7  }
0xd: {  	s12 =	ssub.s32 s10, s12;
	s21 =	sadd.s32 s1, s9;
	s7 =	sadd.s32 s6, s2  }
0xe: {  	s1 =	sadd.s32 $0x492, s1;
	s9 =	sadd.s32 $0x2490, s2;
	s28 =	sadd.s32 s24, s23  }
0xf: {  	s23 =	simm.s32 $0x5;
	s24 =	simm.s32 $0x6;
	p1 =	por !p2, !p4  }
0x10: {  	p2 =	por p2, !p4;
	p3 =	por !p5, p4;
	[dreg:$0x4] =	wrdreg s21  }
0x11: {  	p4 =	por p5, p4;
	[dreg:$0x5] =	wrdreg s1;
	s26 =	sadd.s32 $0x16800, s11  }
.Ltmp0:
0x12: {  	s14 =	sadd.s32 $0x16200, s11;
	s16 =	smax.u32 s12, $0x1;
	(pc) =	sbr.rel .LBB2_1-.Ltmp0, $4  }
0x13: {  	s1 =	sadd.s32 $0x68, s28;
	s21 =	simm.s32 $0x68;
	s22 =	sshrl.u32 s13, $0x3  }
0x14: {  	[dreg:$0x7] =	wrdreg s26;
	s13 =	sadd.s32 $0x16C92, s0;
	s10 =	sadd.s32 s4, s22  }
0x15: {  	s26 =	simm.s32 $0x200;
	s0 =	simm.s32 $0x0;
	s25 =	sadd.s32 $0x4E0, s10  }
0x16: {  	s22 =	simm.s32 $0x100;
	[dreg:$0x6] =	wrdreg s25;
	s25 =	simm.s32 $0x280  }
.LBB2_13:
0x17: {  	_ =	swait.ge [sflag:s23], $0x68  }
0x18: {  	[sflag:s23] =	ssyncset.done $0x0  }
0x19: {  	[sflag:s23] =	ssyncadd.s32 $0xFFFFFF98  }
0x1a: {  	_ =	swait.ge [sflag:s24], $0x68  }
0x1b: {  	[sflag:s24] =	ssyncset.done $0x0  }
0x1c: {  	[sflag:s24] =	ssyncadd.s32 $0xFFFFFF98  }
0x1d: {  	[tilespmem:s25], [sflag:$0x7] =	stream.linear.gather [hbm4b:s5+s3], $0x10, $0x38;
	[tilespmem:$0x7F8] =	vst v63  }
0x1e: {  	_ =	swait.ge [sflag:s19], $0x10  }
0x1f: {  	[sflag:s19] =	ssyncset.done $0x0  }
0x20: {  	s6 =	rddreg [dreg:$0x6];
	[sflag:s19] =	ssyncadd.s32 $0xFFFFFFF0  }
0x21: {  	[tilespmem:s26], [sflag:$0x7] =	stream.linear.gather [hbm4b:s6+s3], $0x10, $0x38;
	[tilespmem:$0x7F8] =	vst v63  }
0x22: {  	_ =	swait.ge [sflag:s19], $0x10  }
0x23: {  	[sflag:s19] =	ssyncset.done $0x0  }
0x24: {  	s28 =	simm.s32 $0x10;
	[sflag:s19] =	ssyncadd.s32 $0xFFFFFFF0  }
0x25: {  	[spmem:s2] =	stream.indirect.scatter.add.f32 [tilespmem:s25], [sflag:$0x7], $0x1, s26, s28, $0xb8;
	[tilespmem:$0x7F8] =	vst v63  }
0x26: {  	_ =	swait.ge [sflag:s19], $0x10  }
0x27: {  	[sflag:s19] =	ssyncset.done $0x0  }
0x28: {  	[sflag:s19] =	ssyncadd.s32 $0xFFFFFFF0  }
0x29: {  	s8 =	simm.s32 @!p1 $0x7;
	s6 =	simm.s32 @!p1 $0x300;
	[bflag:$0x0] =	sbarrier.arrive $0xFFFF  }
0x2a: {  	[tilespmem:s6], [sflag:$0x7] =	stream.linear.gather @!p1 [spmem:s9], $0x280, $0x38;
	[tilespmem:$0x7F8] =	vst v63  }
0x2b: {  	_ =	swait.ge @!p1 [sflag:s8], $0x280  }
0x2c: {  	[sflag:s8] =	ssyncset.done @!p1 $0x0  }
0x2d: {  	s11 =	simm.s32 @!p1 $0x0;
	[sflag:s8] =	ssyncadd.s32 @!p1 $0xFFFFFD80  }
0x2e: {  	[hbm4b:s13+s11] =	stream.linear.scatter @!p1 [tilespmem:s6], [sflag:$0x7], $0x280, $0x38;
	[tilespmem:$0x7F8] =	vst v63  }
0x2f: {  	_ =	swait.ge @!p1 [sflag:s8], $0x280  }
0x30: {  	[sflag:s8] =	ssyncset.done @!p1 $0x0  }
0x31: {  	s6 =	simm.s32 @!p2 $0x300;
	[sflag:s8] =	ssyncadd.s32 @!p1 $0xFFFFFD80;
	s8 =	simm.s32 @!p2 $0x7  }
0x32: {  	[tilespmem:s6], [sflag:$0x7] =	stream.linear.gather @!p2 [spmem:s7], $0x270, $0x38;
	[tilespmem:$0x7F8] =	vst v63  }
0x33: {  	_ =	swait.ge @!p2 [sflag:s8], $0x270  }
0x34: {  	[sflag:s8] =	ssyncset.done @!p2 $0x0  }
0x35: {  	s11 =	simm.s32 @!p2 $0x0;
	s12 =	rddreg [dreg:$0x7];
	[sflag:s8] =	ssyncadd.s32 @!p2 $0xFFFFFD90  }
0x36: {  	[hbm4b:s12+s11] =	stream.linear.scatter @!p2 [tilespmem:s6], [sflag:$0x7], $0x270, $0x38;
	[tilespmem:$0x7F8] =	vst v63  }
0x37: {  	_ =	swait.ge @!p2 [sflag:s8], $0x270  }
0x38: {  	[sflag:s8] =	ssyncset.done @!p2 $0x0  }
0x39: {  	s6 =	simm.s32 @!p3 $0x300;
	[sflag:s8] =	ssyncadd.s32 @!p2 $0xFFFFFD90;
	s8 =	simm.s32 @!p3 $0x7  }
0x3a: {  	[tilespmem:s6], [sflag:$0x7] =	stream.linear.gather @!p3 [spmem:s9], $0x280, $0x38;
	[tilespmem:$0x7F8] =	vst v63  }
0x3b: {  	_ =	swait.ge @!p3 [sflag:s8], $0x280  }
0x3c: {  	[sflag:s8] =	ssyncset.done @!p3 $0x0  }
0x3d: {  	s11 =	simm.s32 @!p3 $0x0;
	[sflag:s8] =	ssyncadd.s32 @!p3 $0xFFFFFD80  }
0x3e: {  	[hbm4b:s15+s11] =	stream.linear.scatter @!p3 [tilespmem:s6], [sflag:$0x7], $0x280, $0x38;
	[tilespmem:$0x7F8] =	vst v63  }
0x3f: {  	_ =	swait.ge @!p3 [sflag:s8], $0x280  }
0x40: {  	[sflag:s8] =	ssyncset.done @!p3 $0x0  }
0x41: {  	s6 =	simm.s32 @!p4 $0x300;
	[sflag:s8] =	ssyncadd.s32 @!p3 $0xFFFFFD80;
	s8 =	simm.s32 @!p4 $0x7  }
0x42: {  	[tilespmem:s6], [sflag:$0x7] =	stream.linear.gather @!p4 [spmem:s7], $0x270, $0x38;
	[tilespmem:$0x7F8] =	vst v63  }
0x43: {  	s0 =	sadd.s32 $0x1, s0;
	_ =	swait.ge @!p4 [sflag:s8], $0x270  }
0x44: {  	p5 =	sne.s32 s0, s16;
	[sflag:s8] =	ssyncset.done @!p4 $0x0  }
.Ltmp1:
0x45: {  	s11 =	simm.s32 @!p4 $0x0;
	[sflag:s8] =	ssyncadd.s32 @!p4 $0xFFFFFD90;
	(pc) =	sbr.rel @!p5 .LBB2_14-.Ltmp1, $4  }
0x46: {  	[hbm4b:s14+s11] =	stream.linear.scatter @!p4 [tilespmem:s6], [sflag:$0x7], $0x270, $0x38;
	[tilespmem:$0x7F8] =	vst v63  }
0x47: {  	_ =	swait.ge @!p4 [sflag:s8], $0x270  }
0x48: {  	[sflag:s8] =	ssyncset.done @!p4 $0x0  }
0x49: {  	[sflag:s8] =	ssyncadd.s32 @!p4 $0xFFFFFD90  }
.LBB2_1:
0x4a: {  	s6 =	simm.s32 @p0 $0x0;
	s8 =	simm.s32 @p0 $0x300;
	s11 =	rddreg [dreg:$0x5]  }
0x4b: {  	[tilespmem:s8], [sflag:$0x7] =	stream.linear.gather @p0 [hbm4b:s11+s6], $0x280, $0x38;
	[tilespmem:$0x7F8] =	vst v63  }
0x4c: {  	s6 =	simm.s32 @p0 $0x7  }
0x4d: {  	_ =	swait.ge @p0 [sflag:s6], $0x280  }
0x4e: {  	[sflag:s6] =	ssyncset.done @p0 $0x0  }
0x4f: {  	[sflag:s6] =	ssyncadd.s32 @p0 $0xFFFFFD80  }
0x50: {  	[spmem:s9] =	stream.linear.scatter @p0 [tilespmem:s8], [sflag:$0x7], $0x280, $0x38;
	[tilespmem:$0x7F8] =	vst v63  }
0x51: {  	_ =	swait.ge @p0 [sflag:s6], $0x280  }
0x52: {  	s8 =	simm.s32 @!p0 $0x300;
	[sflag:s6] =	ssyncset.done @p0 $0x0  }
0x53: {  	s11 =	rddreg [dreg:$0x4];
	[sflag:s6] =	ssyncadd.s32 @p0 $0xFFFFFD80;
	s6 =	simm.s32 @!p0 $0x0  }
0x54: {  	[tilespmem:s8], [sflag:$0x7] =	stream.linear.gather @!p0 [hbm4b:s11+s6], $0x270, $0x38;
	[tilespmem:$0x7F8] =	vst v63  }
0x55: {  	s6 =	simm.s32 @!p0 $0x7  }
0x56: {  	_ =	swait.ge @!p0 [sflag:s6], $0x270  }
0x57: {  	[sflag:s6] =	ssyncset.done @!p0 $0x0  }
0x58: {  	[sflag:s6] =	ssyncadd.s32 @!p0 $0xFFFFFD90  }
0x59: {  	[spmem:s7] =	stream.linear.scatter @!p0 [tilespmem:s8], [sflag:$0x7], $0x270, $0x38;
	[tilespmem:$0x7F8] =	vst v63  }
0x5a: {  	_ =	swait.ge @!p0 [sflag:s6], $0x270  }
0x5b: {  	[sflag:s6] =	ssyncset.done @!p0 $0x0  }
0x5c: {  	[sflag:s6] =	ssyncadd.s32 @!p0 $0xFFFFFD90  }
0x5d: {  	[tilespmem:s18], [sflag:$0x7] =	stream.linear.gather [hbm4b:s5+s3], $0x80, $0x38;
	[tilespmem:$0x7F8] =	vst v63  }
.Ltmp2:
0x5e: {  	_ =	swait.ge [sflag:s19], $0x80;
	(pc) =	sbr.rel .LBB2_2-.Ltmp2, $4  }
0x5f: {  	[sflag:s19] =	ssyncset.done $0x0  }
0x60: {  	[sflag:s19] =	ssyncadd.s32 $0xFFFFFF80  }
0x61: {  	s17 =	smov.u32 s1;
	s6 =	simm.s32 $0x0;
	[bflag:$0x0] =	sbarrier.arrive $0xFFFF  }
0x62: {  	[tilespmem:s3], [sflag:$0x1] =	stream.linear.gather [hbm4b:s10+s3], $0x68, $0x38;
	[tilespmem:$0x7F8] =	vst v63  }
.LBB2_11:
0x63: {  	_ =	swait.ge [sflag:s20], $0x68  }
0x64: {  	[sflag:s20] =	ssyncset.done $0x0  }
0x65: {  	[sflag:s20] =	ssyncadd.s32 $0xFFFFFF98  }
0x66: {  	[spmem:s2] =	stream.indirect.scatter.add.f32 [tilespmem:s18], [sflag:$0x6], $0x1, s22, s21, $0xb8;
	[tilespmem:$0x7F8] =	vst v63  }
.LBB2_12:
0x67: {  	p5 =	sne.s32 s6, $0x60  }
.Ltmp3:
0x68: {  	_ = 	snop;
	(pc) =	sbr.rel @!p5 .LBB2_13-.Ltmp3, $2  }
0x69: {  	_ =	sdelay $0x2  }
0x6a: {  	s17 =	sadd.s32 $0x68, s17  }
.LBB2_2:
0x6b: {  	s8 =	smul.u32 $0xAB, s6;
	_ =	sdelay $0x1  }
0x6c: {  	s28 =	smov.u32 s6;
	s6 =	sadd.s32 $0xAB, s8  }
0x6d: {  	p5 =	slt.u32 s28, $0x2;
	s6 =	sshrl.u32 s6, $0x9  }
.Ltmp4:
0x6e: {  	s6 =	sand.u32 $0x7F, s6;
	(pc) =	sbr.rel @p5 .LBB2_4-.Ltmp4, $4  }
0x6f: {  	s11 =	smul.u32 $0x3, s6  }
0x70: {  	s6 =	sadd.s32 $0x1, s28  }
0x71: {  	s11 =	ssub.s32 s6, s11  }
0x72: {  	s11 =	sand.u32 $0xFF, s11  }
0x73: {  	p5 =	seq.s32 s11, $0x0  }
0x74: {  	p6 =	seq.s32 @!p5 s11, $0x2  }
0x75: {  	p6 =	por !p6, p5  }
0x76: {  	s12 =	simm.s32 @!p6 $0x6  }
0x77: {  	s12 =	simm.s32 @p6 $0x5  }
0x78: {  	s12 =	simm.s32 @p5 $0x4;
	p5 =	seq.s32 s28, $0x5F  }
.Ltmp5:
0x79: {  	_ = 	snop;
	(pc) =	sbr.rel @p5 .LBB2_11-.Ltmp5, $4  }
0x7a: {  	_ = 	snop  }
0x7b: {  	_ =	swait.ge [sflag:s12], $0x68  }
0x7c: {  	[sflag:s12] =	ssyncset.done $0x0  }
0x7d: {  	[sflag:s12] =	ssyncadd.s32 $0xFFFFFF98  }
.LBB2_4:
0x7e: {  	p5 =	seq.s32 s11, $0x2  }
.Ltmp6:
0x7f: {  	_ = 	snop;
	(pc) =	sbr.rel @p5 .LBB2_6-.Ltmp6, $3  }
0x80: {  	_ =	sdelay $0x1  }
0x81: {  	s12 =	sshrl.u32 s17, $0x3  }
0x82: {  	s12 =	sadd.s32 s4, s12  }
.Ltmp7:
0x83: {  	(pc) =	sbr.rel .LBB2_7-.Ltmp7, $4  }
0x84: {  	p5 =	seq.s32 s11, $0x1  }
0x85: {  	[tilespmem:s30], [sflag:$0x2] =	stream.linear.gather @p5 [hbm4b:s12+s3], $0x68, $0x38;
	[tilespmem:$0x7F8] =	vst v63  }
0x86: {  	_ = 	snop  }
0x87: {  	[tilespmem:s3], [sflag:$0x1] =	stream.linear.gather @!p5 [hbm4b:s12+s3], $0x68, $0x38;
	[tilespmem:$0x7F8] =	vst v63  }
.LBB2_6:
0x88: {  	[tilespmem:s22], [sflag:$0x3] =	stream.linear.gather [hbm4b:s12+s3], $0x68, $0x38;
	[tilespmem:$0x7F8] =	vst v63  }
.LBB2_7:
0x89: {  	s8 =	sshrl.u32 s8, $0x9  }
0x8a: {  	s8 =	sand.u32 $0x7F, s8  }
0x8b: {  	s8 =	smul.u32 $0x3, s8;
	_ =	sdelay $0x1  }
0x8c: {  	s8 =	ssub.s32 s28, s8  }
0x8d: {  	s8 =	sand.u32 $0xFF, s8  }
0x8e: {  	p5 =	seq.s32 s8, $0x1  }
.Ltmp8:
0x8f: {  	_ = 	snop;
	(pc) =	sbr.rel @p5 .LBB2_10-.Ltmp8, $1  }
0x90: {  	_ =	sdelay $0x3  }
0x91: {  	p5 =	sne.s32 s8, $0x0  }
.Ltmp9:
0x92: {  	_ = 	snop;
	(pc) =	sbr.rel @p5 .LBB2_11-.Ltmp9, $1  }
0x93: {  	_ =	sdelay $0x3  }
.Ltmp10:
0x94: {  	(pc) =	sbr.rel .LBB2_12-.Ltmp10, $4  }
0x95: {  	_ =	swait.ge [sflag:s31], $0x68  }
0x96: {  	[sflag:s31] =	ssyncset.done $0x0  }
0x97: {  	[sflag:s31] =	ssyncadd.s32 $0xFFFFFF98  }
0x98: {  	[spmem:s2] =	stream.indirect.scatter.add.f32 [tilespmem:s18], [sflag:$0x4], $0x1, s3, s21, $0xb8;
	[tilespmem:$0x7F8] =	vst v63  }
.LBB2_10:
.Ltmp11:
0x99: {  	(pc) =	sbr.rel .LBB2_12-.Ltmp11, $4  }
0x9a: {  	_ =	swait.ge [sflag:s29], $0x68  }
0x9b: {  	[sflag:s29] =	ssyncset.done $0x0  }
0x9c: {  	[sflag:s29] =	ssyncadd.s32 $0xFFFFFF98  }
0x9d: {  	[spmem:s2] =	stream.indirect.scatter.add.f32 [tilespmem:s18], [sflag:$0x5], $0x1, s30, s21, $0xb8;
	[tilespmem:$0x7F8] =	vst v63  }
.LBB2_14:
0x9e: {  	_ =	sfence.sel $0x180000  }
0x9f: {  	[bflag:$0x0] =	sbarrier.arrive $0xFFFF  }
0xa0: {  	_ =	strace $0x90000047  }
0xa1: {  	s0 =	stileid.u32;
	[bflag:$0x2] =	sbarrier.arrive $0xFFFF  }
0xa2: {  	p0 =	sne.s32 s0, $0x0;
	s0 =	rddreg [dreg:$0x3]  }
0xa3: {  	s0 =	sadd.s32 @!p0 $0x100000, s0  }
0xa4: {  	[sflag:s0] =	ssyncadd.tile.s32 @!p0 $0x1;
	_ =	shalt  }
.Lfunc_end2:
_tile_overlayer_lowered:
.L_overlay_start_2:
0xa5: {  	(tag) =	ssettag $0x2  }
0xa6: {  	s0 =	rddreg [dreg:$0x0];
	s2 =	stileid.u32  }
0xa7: {  	s1 =	rddreg [dreg:$0x1];
	p0 =	sne.s32 s2, $0x0  }
0xa8: {  	s3 =	rddreg [dreg:$0x2];
	[bflag:$0x3] =	sbarrier.arrive $0xFFFF;
	s2 =	simm.s32 @!p0 $0x1C07  }
0xa9: {  	[timem:s3], [sflag:s2] =	dma.local @!p0 [hbm:s0], s1  }
0xaa: {  	s0 =	simm.s32 @!p0 $0x7  }
0xab: {  	_ =	swait.ge @!p0 [sflag:s0], s1  }
0xac: {  	s1 =	ssub.s32 @!p0 $0x0, s1;
	[sflag:s0] =	ssyncset.done @!p0 $0x0  }
0xad: {  	[sflag:s0] =	ssyncadd.s32 @!p0 s1  }
0xae: {  	[bflag:$0x3] =	sbarrier.arrive $0xFFFF  }
0xaf: {  	_ =	shalt  }

</sc_bundles>
